<compile_context>
chip_gen: v7x
topology: tpu7x:2x2x1
jax: 0.10.2.dev20260603
libtpu: 0.0.44.dev20260713+nightly
codegen_flags: <defaults>
</compile_context>

<pallas_src>
import functools

import jax
import jax.numpy as jnp
from jax.experimental import pallas as pl
from jax.experimental.pallas import tpu as pltpu
from jax.experimental.pallas import tpu_sc as plsc

N_NEI = 16
D_TAB = 80
EPS = 1e-5
TCOL = 512


def _table_body(f_ref, fdb_ref, p_ref, pdb_ref, tab_ref, rs_ref, *, nloc):
    j = pl.program_id(0)
    use_db = (j % nloc) >= (nloc // 2)
    fblk = jnp.where(use_db, fdb_ref[0], f_ref[0])
    pblk = jnp.where(use_db, pdb_ref[0], p_ref[0])
    ft = jnp.transpose(fblk)
    pp = jnp.concatenate(
        [pblk, jnp.zeros((13, pblk.shape[1]), jnp.float32)], axis=0)
    pt = jnp.transpose(pp)
    tab_ref[...] = jnp.concatenate([ft, pt], axis=1)
    rs_ref[0] = jnp.sum(fblk * fblk, axis=0)[None, :]


def _table(feat, feat_feadb, pcd, pcd_feadb):
    B, C, N = feat.shape
    M = N + feat_feadb.shape[2]
    nloc = M // TCOL
    half = nloc // 2

    def fmap(j):
        return (j // nloc, 0, jnp.minimum(j % nloc, half - 1))

    def dbmap(j):
        return (j // nloc, 0, jnp.maximum(j % nloc - half, 0))

    return pl.pallas_call(
        functools.partial(_table_body, nloc=nloc),
        grid=(B * nloc,),
        in_specs=[
            pl.BlockSpec((1, C, TCOL), fmap),
            pl.BlockSpec((1, C, TCOL), dbmap),
            pl.BlockSpec((1, 3, TCOL), fmap),
            pl.BlockSpec((1, 3, TCOL), dbmap),
        ],
        out_specs=[
            pl.BlockSpec((TCOL, D_TAB), lambda j: (j, 0)),
            pl.BlockSpec((1, 1, TCOL), lambda j: (j // nloc, 0, j % nloc)),
        ],
        out_shape=[
            jax.ShapeDtypeStruct((B * M, D_TAB), jnp.float32),
            jax.ShapeDtypeStruct((B, 1, M), jnp.float32),
        ],
    )(feat, feat_feadb, pcd, pcd_feadb)


def _knn_body(q_ref, t_ref, rs_ref, idx_ref, *, m_total):
    b = pl.program_id(0)
    q = q_ref[0]
    r = t_ref[:, 0:64]
    qs = jnp.sum(q * q, axis=0)[:, None]
    rs = rs_ref[0]
    d = qs + rs - 2.0 * jax.lax.dot_general(
        q, r, (((0,), (1,)), ((), ())), preferred_element_type=jnp.float32)
    nq = d.shape[0]
    nv = m_total // 128
    inf = jnp.float32(jnp.inf)
    d3 = jnp.reshape(d, (nq, nv, 128))
    cmin = jnp.min(d3, axis=1)
    liota = jax.lax.broadcasted_iota(jnp.int32, (nq, 128), 1)
    lsel = []
    for _ in range(N_NEI):
        lj = jnp.argmin(cmin, axis=1)[:, None]
        lsel.append(lj)
        cmin = jnp.where(liota == lj, inf, cmin)
    lanes = jnp.concatenate(lsel, axis=1)
    dparts = []
    gparts = []
    for c in range(nv):
        dparts.append(jnp.take_along_axis(d[:, c * 128:(c + 1) * 128],
                                          lanes, axis=1))
        gparts.append(lanes + c * 128)
    dc = jnp.concatenate(dparts, axis=1)
    gidx = jnp.concatenate(gparts, axis=1)
    big = jnp.int32(m_total)
    cols = []
    for _ in range(N_NEI):
        mv = jnp.min(dc, axis=1, keepdims=True)
        jg = jnp.min(jnp.where(dc == mv, gidx, big), axis=1, keepdims=True)
        cols.append(jg)
        dc = jnp.where(gidx == jg, inf, dc)
    idx_ref[0] = jnp.concatenate(cols, axis=1) + b * m_total


def _knn(feat, table, rsq):
    B, C, N = feat.shape
    M = table.shape[0] // B
    NQ = 512
    return pl.pallas_call(
        functools.partial(_knn_body, m_total=M),
        grid=(B, N // NQ),
        in_specs=[
            pl.BlockSpec((1, C, NQ), lambda b, i: (b, 0, i)),
            pl.BlockSpec((M, D_TAB), lambda b, i: (b, 0)),
            pl.BlockSpec((1, 1, M), lambda b, i: (b, 0, 0)),
        ],
        out_specs=pl.BlockSpec((1, NQ, N_NEI), lambda b, i: (b, i, 0)),
        out_shape=jax.ShapeDtypeStruct((B, N, N_NEI), jnp.int32),
    )(feat, table, rsq)


def _sc_gather(table, idx_flat):
    rows_total = idx_flat.shape[0]
    d = table.shape[1]
    info = plsc.get_sparse_core_info()
    nw = info.num_cores * info.num_subcores
    per_w = rows_total // nw
    ch = 128
    n_ch = per_w // ch
    mesh = plsc.VectorSubcoreMesh(core_axis_name="c", subcore_axis_name="s")

    @functools.partial(
        pl.kernel,
        out_type=jax.ShapeDtypeStruct((rows_total, d), jnp.float32),
        mesh=mesh,
        scratch_types=[
            pltpu.VMEM((2, ch), jnp.int32),
            pltpu.VMEM((2, ch, d), jnp.float32),
            pltpu.SemaphoreType.DMA,
            pltpu.SemaphoreType.DMA,
        ],
        compiler_params=pltpu.CompilerParams(use_tc_tiling_on_sc=False),
    )
    def k(table_hbm, idx_hbm, out_hbm, idx_v, rows_v, gsem, osem):
        wid = jax.lax.axis_index("s") * info.num_cores + jax.lax.axis_index("c")
        base = wid * per_w

        def gwait(buf):
            pltpu.make_async_copy(
                table_hbm.at[idx_v.at[buf]], rows_v.at[buf], gsem).wait()

        def owait(buf):
            pltpu.make_async_copy(
                rows_v.at[buf], out_hbm.at[pl.ds(base, ch)], osem).wait()

        pltpu.sync_copy(idx_hbm.at[pl.ds(base, ch)], idx_v.at[0])
        pltpu.async_copy(table_hbm.at[idx_v.at[0]], rows_v.at[0], gsem)

        def body(c0, carry):
            for s in range(2):
                c = c0 + s
                cur = s
                nxt = 1 - s

                @pl.when(c + 1 < n_ch)
                def _():
                    pltpu.sync_copy(
                        idx_hbm.at[pl.ds(base + (c + 1) * ch, ch)],
                        idx_v.at[nxt])

                    @pl.when(c >= 1)
                    def _():
                        owait(nxt)

                    pltpu.async_copy(
                        table_hbm.at[idx_v.at[nxt]], rows_v.at[nxt], gsem)

                gwait(cur)
                pltpu.async_copy(
                    rows_v.at[cur], out_hbm.at[pl.ds(base + c * ch, ch)],
                    osem)
            return carry

        jax.lax.fori_loop(0, n_ch // 2, lambda j, car: body(j * 2, car), 0)
        owait(0)
        owait(1)

    return k(table, idx_flat)


def _pcd16(p_ref):
    pblk = p_ref[0]
    pp = jnp.concatenate(
        [pblk, jnp.zeros((13, pblk.shape[1]), jnp.float32)], axis=0)
    return jnp.transpose(pp)


def _bn_stats(acc, nrow, w, b1, cnt):
    s = acc[nrow:nrow + 1, :]
    outer = acc[0:nrow, :]
    mean_x = s / cnt
    cov = outer / cnt - mean_x * jnp.reshape(mean_x, (nrow, 1))
    mean = jax.lax.dot_general(
        mean_x, w, (((1,), (1,)), ((), ())),
        preferred_element_type=jnp.float32) + b1
    wc = jax.lax.dot_general(
        w, cov, (((1,), (0,)), ((), ())), preferred_element_type=jnp.float32)
    var = jnp.reshape(jnp.sum(wc * w, axis=1), (1, w.shape[0]))
    return mean, var


def _compute_pe(g_ref, p_ref, acc1_ref, w1_ref, b1_ref, g1_ref, be1_ref,
                w2_ref, b2_ref, cnt):
    pb = p_ref.shape[2]
    rb = pb * N_NEI
    mean1, var1 = _bn_stats(acc1_ref[...], 16, w1_ref[...], b1_ref[...], cnt)
    gp = g_ref[:, 64:80]
    p = _pcd16(p_ref)
    prep = jnp.reshape(
        jnp.broadcast_to(p[:, None, :], (pb, N_NEI, 16)), (rb, 16))
    pr = prep - gp
    pe1 = jax.lax.dot_general(
        pr, w1_ref[...], (((1,), (1,)), ((), ())),
        preferred_element_type=jnp.float32) + b1_ref[...]
    xn = (pe1 - mean1) * jax.lax.rsqrt(var1 + EPS) * g1_ref[...] + be1_ref[...]
    z = jnp.maximum(xn, 0.0)
    return jax.lax.dot_general(
        z, w2_ref[...], (((1,), (1,)), ((), ())),
        preferred_element_type=jnp.float32) + b2_ref[...]


def _fused_body(g_ref, p_ref, f_ref,
                pw1_ref, pb1_ref, pg1_ref, pbe1_ref, pw2_ref, pb2_ref,
                aw1_ref, ab1_ref, ag1_ref, abe1_ref, aw2_ref, ab2_ref,
                out_ref, acc1_ref, acc2_ref, *, nblk, cnt):
    i = pl.program_id(0)
    ph = i // nblk
    pb = p_ref.shape[2]
    rb = pb * N_NEI

    @pl.when(i == 0)
    def _():
        acc1_ref[...] = jnp.zeros_like(acc1_ref)

    @pl.when(i == nblk)
    def _():
        acc2_ref[...] = jnp.zeros_like(acc2_ref)

    @pl.when(ph == 0)
    def _():
        gp = g_ref[:, 64:80]
        p = _pcd16(p_ref)
        prep = jnp.reshape(
            jnp.broadcast_to(p[:, None, :], (pb, N_NEI, 16)), (rb, 16))
        pr = prep - gp
        outer = jax.lax.dot_general(
            pr, pr, (((0,), (0,)), ((), ())),
            preferred_element_type=jnp.float32)
        acc1_ref[0:16, :] += outer
        acc1_ref[16:17, :] += jnp.sum(pr, axis=0)[None, :]

    @pl.when(ph == 1)
    def _():
        pe = _compute_pe(g_ref, p_ref, acc1_ref, pw1_ref, pb1_ref, pg1_ref,
                         pbe1_ref, pw2_ref, pb2_ref, cnt)
        f = jnp.transpose(f_ref[0])
        frep = jnp.reshape(
            jnp.broadcast_to(f[:, None, :], (pb, N_NEI, 64)), (rb, 64))
        x2 = (frep - g_ref[:, 0:64]) + pe
        outer2 = jax.lax.dot_general(
            x2, x2, (((0,), (0,)), ((), ())),
            preferred_element_type=jnp.float32)
        acc2_ref[0:64, :] += outer2
        acc2_ref[64:65, :] += jnp.sum(x2, axis=0)[None, :]

    @pl.when(ph == 2)
    def _():
        hid = aw1_ref.shape[0]
        pe = _compute_pe(g_ref, p_ref, acc1_ref, pw1_ref, pb1_ref, pg1_ref,
                         pbe1_ref, pw2_ref, pb2_ref, cnt)
        mean2, var2 = _bn_stats(acc2_ref[...], 64, aw1_ref[...],
                                ab1_ref[...], cnt)
        f = jnp.transpose(f_ref[0])
        frep = jnp.reshape(
            jnp.broadcast_to(f[:, None, :], (pb, N_NEI, 64)), (rb, 64))
        gfeat = g_ref[:, 0:64]
        x2 = (frep - gfeat) + pe
        ap = jax.lax.dot_general(
            x2, aw1_ref[...], (((1,), (1,)), ((), ())),
            preferred_element_type=jnp.float32) + ab1_ref[...]
        an = ((ap - mean2) * jax.lax.rsqrt(var2 + EPS) * ag1_ref[...]
              + abe1_ref[...])
        an = jnp.maximum(an, 0.0)
        wp = jax.lax.dot_general(
            an, aw2_ref[...], (((1,), (1,)), ((), ())),
            preferred_element_type=jnp.float32) + ab2_ref[...]
        wp3 = jnp.reshape(wp, (pb, N_NEI, 64))
        m = jnp.max(wp3, axis=1, keepdims=True)
        e = jnp.exp(wp3 - m)
        sm = e / jnp.sum(e, axis=1, keepdims=True)
        gf3 = jnp.reshape(gfeat + pe, (pb, N_NEI, 64))
        out = jnp.sum(sm * gf3, axis=1)
        out_ref[0] = jnp.transpose(out)


def _fused(g, pcd, feat, pw1, pb1, pg1, pbe1, pw2, pb2,
           aw1, ab1, ag1, abe1, aw2, ab2, rb):
    rows = g.shape[0]
    nblk = rows // rb
    pb = rb // N_NEI
    B, C, N = feat.shape
    npb = N // pb
    hid = aw1.shape[0]
    cnt = float(rows)

    def gmap(i):
        return (i % nblk, 0)

    def pmap(i):
        return ((i % nblk) // npb, 0, (i % nblk) % npb)

    def cmap(i):
        return (0, 0)

    out, _, _ = pl.pallas_call(
        functools.partial(_fused_body, nblk=nblk, cnt=cnt),
        grid=(3 * nblk,),
        in_specs=[
            pl.BlockSpec((rb, D_TAB), gmap),
            pl.BlockSpec((1, 3, pb), pmap),
            pl.BlockSpec((1, 64, pb), pmap),
            pl.BlockSpec((64, 16), cmap),
            pl.BlockSpec((1, 64), cmap),
            pl.BlockSpec((1, 64), cmap),
            pl.BlockSpec((1, 64), cmap),
            pl.BlockSpec((64, 64), cmap),
            pl.BlockSpec((1, 64), cmap),
            pl.BlockSpec((hid, 64), cmap),
            pl.BlockSpec((1, hid), cmap),
            pl.BlockSpec((1, hid), cmap),
            pl.BlockSpec((1, hid), cmap),
            pl.BlockSpec((64, hid), cmap),
            pl.BlockSpec((1, 64), cmap),
        ],
        out_specs=[
            pl.BlockSpec((1, C, pb), pmap),
            pl.BlockSpec((24, 16), cmap),
            pl.BlockSpec((72, 64), cmap),
        ],
        out_shape=[
            jax.ShapeDtypeStruct((B, C, N), jnp.float32),
            jax.ShapeDtypeStruct((24, 16), jnp.float32),
            jax.ShapeDtypeStruct((72, 64), jnp.float32),
        ],
    )(g, pcd, feat, pw1, pb1, pg1, pbe1, pw2, pb2,
      aw1, ab1, ag1, abe1, aw2, ab2)
    return out


def kernel(pcd, feat, pcd_feadb, feat_feadb,
           pos_w1, pos_b1, pos_g1, pos_be1, pos_w2, pos_b2,
           attn_w1, attn_b1, attn_g1, attn_be1, attn_w2, attn_b2):
    B, C, N = feat.shape
    rows = B * N * N_NEI
    RB = 4096

    table, rsq = _table(feat, feat_feadb, pcd, pcd_feadb)
    idx = _knn(feat, table, rsq)
    g = _sc_gather(table, idx.reshape(rows))

    w1p = jnp.concatenate(
        [pos_w1, jnp.zeros((pos_w1.shape[0], 13), jnp.float32)], axis=1)
    return _fused(g, pcd, feat, w1p,
                  pos_b1[None, :], pos_g1[None, :], pos_be1[None, :],
                  pos_w2, pos_b2[None, :],
                  attn_w1, attn_b1[None, :], attn_g1[None, :],
                  attn_be1[None, :], attn_w2, attn_b2[None, :], RB)

# --- scband reference (transcript-rebuilt; emitter-appended) ---
"""Pipeline reference for scband-sdnet1-38646115730117 (READ-ONLY COPY).

The authoritative reference and input builder live on the scoring server;
editing this copy changes nothing except your own understanding.
"""

import jax, jax.numpy as jnp
import numpy as np

N_KNN = 16


def conv1x1(x, w, b):
    # x: (B, Cin, N, K), w: (Cout, Cin), b: (Cout,)
    return jnp.einsum('oi,binj->bonj', w, x) + b[None, :, None, None]


def bn_train(x, g, be, eps=1e-5):
    # BatchNorm2d in training mode (batch statistics, biased variance)
    m = jnp.mean(x, axis=(0, 2, 3), keepdims=True)
    v = jnp.var(x, axis=(0, 2, 3), keepdims=True)
    xn = (x - m) / jnp.sqrt(v + eps)
    return g[None, :, None, None] * xn + be[None, :, None, None]


def query_knn(k, ref, q):
    # ref: (B, M, C) support set, q: (B, N, C) queries -> idx (B, N, k)
    d = (jnp.sum(q * q, axis=-1)[:, :, None]
         + jnp.sum(ref * ref, axis=-1)[:, None, :]
         - 2.0 * jnp.einsum('bnc,bmc->bnm', q, ref))
    _, idx = jax.lax.top_k(-d, k)
    return idx


def grouping(feats, idx):
    # feats: (B, C, M), idx: (B, N, k) -> (B, C, N, k)
    return jax.vmap(lambda f, i: f[:, i])(feats, idx)


def setup_inputs(seed: int = 0) -> dict:
    key = jax.random.key(seed)
    ks = jax.random.split(key, 12)
    B, C, N, N2 = 2, 64, 2048, 2048
    dim, hid, ph = 64, 64 * 4, 64
    inp = {
        'pcd': jax.random.normal(ks[0], (B, 3, N), jnp.float32),
        'feat': jax.random.normal(ks[1], (B, C, N), jnp.float32),
        'pcd_feadb': jax.random.normal(ks[2], (B, 3, N2), jnp.float32),
        'feat_feadb': jax.random.normal(ks[3], (B, C, N2), jnp.float32),
        'pos_w1': jax.random.normal(ks[4], (ph, 3), jnp.float32) * 0.1,
        'pos_b1': jnp.zeros((ph,), jnp.float32),
        'pos_g1': jnp.ones((ph,), jnp.float32),
        'pos_be1': jnp.zeros((ph,), jnp.float32),
        'pos_w2': jax.random.normal(ks[5], (C, ph), jnp.float32) * 0.1,
        'pos_b2': jnp.zeros((C,), jnp.float32),
        'attn_w1': jax.random.normal(ks[6], (hid, C), jnp.float32) * 0.1,
        'attn_b1': jnp.zeros((hid,), jnp.float32),
        'attn_g1': jnp.ones((hid,), jnp.float32),
        'attn_be1': jnp.zeros((hid,), jnp.float32),
        'attn_w2': jax.random.normal(ks[7], (C, hid), jnp.float32) * 0.1,
        'attn_b2': jnp.zeros((C,), jnp.float32),
    }
    return inp


def reference(pcd, feat, pcd_feadb, feat_feadb,
              pos_w1, pos_b1, pos_g1, pos_be1, pos_w2, pos_b2,
              attn_w1, attn_b1, attn_g1, attn_be1, attn_w2, attn_b2):
    fusion_pcd = jnp.concatenate([pcd, pcd_feadb], axis=2)
    fusion_feat = jnp.concatenate([feat, feat_feadb], axis=2)
    idx = query_knn(N_KNN, fusion_feat.transpose(0, 2, 1), feat.transpose(0, 2, 1))
    group_point = grouping(fusion_pcd, idx)
    group_feat = grouping(fusion_feat, idx)
    qk_rel = feat[:, :, :, None] - group_feat
    pos_rel = pcd[:, :, :, None] - group_point
    pe = conv1x1(pos_rel, pos_w1, pos_b1)
    pe = jax.nn.relu(bn_train(pe, pos_g1, pos_be1))
    pe = conv1x1(pe, pos_w2, pos_b2)
    w = conv1x1(qk_rel + pe, attn_w1, attn_b1)
    w = jax.nn.relu(bn_train(w, attn_g1, attn_be1))
    w = conv1x1(w, attn_w2, attn_b2)
    w = jax.nn.softmax(w, axis=-1)
    gf = group_feat + pe
    refined_feat = jnp.sum(w * gf, axis=-1)
    return refined_feat

if __name__ == "__main__":
    import jax
    _d = setup_inputs()
    print(jax.jit(kernel)(*tuple(_d.values())))

</pallas_src>

<mosaic_0001>
#map = affine_map<(d0, d1) -> (0, 0)>
#map1 = affine_map<(d0, d1) -> (0)>
module attributes {stable_mosaic.version = 14 : i64} {
  func.func @k(%arg0: i32, %arg1: i32, %arg2: memref<8192x80xf32, #tpu.memory_space<hbm>>, %arg3: memref<65536xi32, #tpu.memory_space<hbm>>, %arg4: memref<65536x80xf32, #tpu.memory_space<hbm>>, %arg5: memref<2x128xi32, #tpu.memory_space<vmem>>, %arg6: memref<2x128x80xf32, #tpu.memory_space<vmem>>, %arg7: memref<!tpu.dma_semaphore, #tpu.memory_space<semaphore_mem>>, %arg8: memref<!tpu.dma_semaphore, #tpu.memory_space<semaphore_mem>>) attributes {dimension_semantics = [#tpu.dimension_semantics<core_parallel>, #tpu.dimension_semantics<subcore_parallel>], iteration_bounds = array<i64: 2, 16>, scalar_prefetch = 0 : i64, scratch_operands = 4 : i64, tpu.core_type = #tpu.core_type<sc_vector_subcore>, window_params = [{transform_indices = #map}, {transform_indices = #map1}, {transform_indices = #map}]} {
    %mul3A = arith.constant 2 : i32
    %mul3A_0 = arith.muli %arg1, %mul3A : i32
    %add3A = arith.addi %mul3A_0, %arg0 : i32
    %mul3A_1 = arith.constant 2048 : i32
    %mul3A_2 = arith.muli %add3A, %mul3A_1 : i32
    %run_scoped3A = arith.constant 0 : i32
    "tpu.region"() ({
      %run_scoped3A_44 = tpu.sem_alloc : memref<!tpu.dma_semaphore, #tpu.memory_space<semaphore_mem>>
      %dma_start3A_45 = arith.constant 0 : i32
      %dma_start3A_46 = tpu.memref_slice %arg5[%run_scoped3A, %dma_start3A_45] : memref<2x128xi32, #tpu.memory_space<vmem>> -> memref<1x128xi32, #tpu.memory_space<vmem>>
      %dma_start3A_47 = tpu.memref_squeeze %dma_start3A_46 : memref<1x128xi32, #tpu.memory_space<vmem>> -> memref<128xi32, #tpu.memory_space<vmem>>
      %dma_start3A_48 = tpu.memref_slice %arg3[%mul3A_2] : memref<65536xi32, #tpu.memory_space<hbm>> -> memref<128xi32, #tpu.memory_space<hbm>>
      %dma_start3A_49 = arith.constant 0 : i32
      %dma_start3A_50 = tpu.memref_slice %arg5[%run_scoped3A, %dma_start3A_49] : memref<2x128xi32, #tpu.memory_space<vmem>> -> memref<1x128xi32, #tpu.memory_space<vmem>>
      %dma_start3A_51 = tpu.memref_squeeze %dma_start3A_50 : memref<1x128xi32, #tpu.memory_space<vmem>> -> memref<128xi32, #tpu.memory_space<vmem>>
      %dma_start3A_52 = tpu.memref_slice %arg3[%mul3A_2] : memref<65536xi32, #tpu.memory_space<hbm>> -> memref<128xi32, #tpu.memory_space<hbm>>
      tpu.enqueue_dma source(%dma_start3A_52 : memref<128xi32, #tpu.memory_space<hbm>>) target(%dma_start3A_51 : memref<128xi32, #tpu.memory_space<vmem>>) target_semaphore(%run_scoped3A_44 : memref<!tpu.dma_semaphore, #tpu.memory_space<semaphore_mem>>)
      %dma_wait3A_53 = arith.constant 0 : i32
      %dma_wait3A_54 = tpu.memref_slice %arg5[%run_scoped3A, %dma_wait3A_53] : memref<2x128xi32, #tpu.memory_space<vmem>> -> memref<1x128xi32, #tpu.memory_space<vmem>>
      %dma_wait3A_55 = tpu.memref_squeeze %dma_wait3A_54 : memref<1x128xi32, #tpu.memory_space<vmem>> -> memref<128xi32, #tpu.memory_space<vmem>>
      %dma_wait3A_56 = tpu.memref_slice %arg3[%mul3A_2] : memref<65536xi32, #tpu.memory_space<hbm>> -> memref<128xi32, #tpu.memory_space<hbm>>
      %dma_wait3A_57 = arith.constant 0 : i32
      %dma_wait3A_58 = tpu.memref_slice %arg5[%run_scoped3A, %dma_wait3A_57] : memref<2x128xi32, #tpu.memory_space<vmem>> -> memref<1x128xi32, #tpu.memory_space<vmem>>
      %dma_wait3A_59 = tpu.memref_squeeze %dma_wait3A_58 : memref<1x128xi32, #tpu.memory_space<vmem>> -> memref<128xi32, #tpu.memory_space<vmem>>
      %dma_wait3A_60 = tpu.memref_slice %arg3[%mul3A_2] : memref<65536xi32, #tpu.memory_space<hbm>> -> memref<128xi32, #tpu.memory_space<hbm>>
      tpu.wait_dma2 semaphore(%run_scoped3A_44 : memref<!tpu.dma_semaphore, #tpu.memory_space<semaphore_mem>>) src(%dma_wait3A_60 : memref<128xi32, #tpu.memory_space<hbm>>) dst(%dma_wait3A_59 : memref<128xi32, #tpu.memory_space<vmem>>)
      tpu.yield
    }) : () -> ()
    %dma_start3A = arith.constant 0 : i32
    %dma_start3A_3 = arith.constant 0 : i32
    %dma_start3A_4 = arith.constant 0 : i32
    %dma_start3A_5 = arith.constant 0 : i32
    %dma_start3A_6 = tpu.memref_slice %arg6[%dma_start3A_3, %dma_start3A_4, %dma_start3A_5] : memref<2x128x80xf32, #tpu.memory_space<vmem>> -> memref<1x128x80xf32, #tpu.memory_space<vmem>>
    %dma_start3A_7 = tpu.memref_squeeze %dma_start3A_6 : memref<1x128x80xf32, #tpu.memory_space<vmem>> -> memref<128x80xf32, #tpu.memory_space<vmem>>
    %dma_start3A_8 = arith.constant 0 : i32
    %dma_start3A_9 = tpu.memref_slice %arg5[%dma_start3A, %dma_start3A_8] : memref<2x128xi32, #tpu.memory_space<vmem>> -> memref<1x128xi32, #tpu.memory_space<vmem>>
    %dma_start3A_10 = tpu.memref_squeeze %dma_start3A_9 : memref<1x128xi32, #tpu.memory_space<vmem>> -> memref<128xi32, #tpu.memory_space<vmem>>
    %dma_start3A_11 = arith.constant 0 : i32
    %dma_start3A_12 = arith.constant 0 : i32
    %dma_start3A_13 = tpu.memref_slice %arg2[%dma_start3A_11, %dma_start3A_12] : memref<8192x80xf32, #tpu.memory_space<hbm>> -> memref<8192x80xf32, #tpu.memory_space<hbm>>
    tpu.enqueue_indirect_dma source(%dma_start3A_13 : memref<8192x80xf32, #tpu.memory_space<hbm>>) target(%dma_start3A_7 : memref<128x80xf32, #tpu.memory_space<vmem>>) offsets(%dma_start3A_10 : memref<128xi32, #tpu.memory_space<vmem>>) semaphore(%arg7 : memref<!tpu.dma_semaphore, #tpu.memory_space<semaphore_mem>>)
    %scan3A = arith.constant 0 : i32
    %scan3A_14 = arith.constant 0 : i32
    %scan3A_15 = arith.constant 8 : i32
    %scan3A_16 = arith.addi %scan3A_14, %scan3A_15 : i32
    %scan3A_17 = arith.constant 1 : i32
    scf.for %scan3A_44 = %scan3A_14 to %scan3A_16 step %scan3A_17  : i32 {
      %mul3A_45 = arith.constant 2 : i32
      %mul3A_46 = arith.muli %scan3A_44, %mul3A_45 : i32
      %add3A_47 = arith.constant 0 : i32
      %add3A_48 = arith.addi %mul3A_46, %add3A_47 : i32
      %add3A_49 = arith.constant 1 : i32
      %add3A_50 = arith.addi %add3A_48, %add3A_49 : i32
      %lt3A = arith.constant 16 : i32
      %lt3A_51 = arith.cmpi slt, %add3A_50, %lt3A : i32
      %convert_element_type3A = arith.extui %lt3A_51 : i1 to i32
      %cond3A = arith.constant 0 : i32
      %cond3A_52 = arith.cmpi ne, %convert_element_type3A, %cond3A : i32
      scf.if %cond3A_52 {
        %add3A_118 = arith.constant 1 : i32
        %add3A_119 = arith.addi %add3A_48, %add3A_118 : i32
        %mul3A_120 = arith.constant 128 : i32
        %mul3A_121 = arith.muli %add3A_119, %mul3A_120 : i32
        %add3A_122 = arith.addi %mul3A_2, %mul3A_121 : i32
        %run_scoped3A_123 = arith.constant 1 : i32
        "tpu.region"() ({
          %run_scoped3A_140 = tpu.sem_alloc : memref<!tpu.dma_semaphore, #tpu.memory_space<semaphore_mem>>
          %dma_start3A_141 = arith.constant 0 : i32
          %dma_start3A_142 = tpu.memref_slice %arg5[%run_scoped3A_123, %dma_start3A_141] : memref<2x128xi32, #tpu.memory_space<vmem>> -> memref<1x128xi32, #tpu.memory_space<vmem>>
          %dma_start3A_143 = tpu.memref_squeeze %dma_start3A_142 : memref<1x128xi32, #tpu.memory_space<vmem>> -> memref<128xi32, #tpu.memory_space<vmem>>
          %dma_start3A_144 = tpu.memref_slice %arg3[%add3A_122] : memref<65536xi32, #tpu.memory_space<hbm>> -> memref<128xi32, #tpu.memory_space<hbm>>
          %dma_start3A_145 = arith.constant 0 : i32
          %dma_start3A_146 = tpu.memref_slice %arg5[%run_scoped3A_123, %dma_start3A_145] : memref<2x128xi32, #tpu.memory_space<vmem>> -> memref<1x128xi32, #tpu.memory_space<vmem>>
          %dma_start3A_147 = tpu.memref_squeeze %dma_start3A_146 : memref<1x128xi32, #tpu.memory_space<vmem>> -> memref<128xi32, #tpu.memory_space<vmem>>
          %dma_start3A_148 = tpu.memref_slice %arg3[%add3A_122] : memref<65536xi32, #tpu.memory_space<hbm>> -> memref<128xi32, #tpu.memory_space<hbm>>
          tpu.enqueue_dma source(%dma_start3A_148 : memref<128xi32, #tpu.memory_space<hbm>>) target(%dma_start3A_147 : memref<128xi32, #tpu.memory_space<vmem>>) target_semaphore(%run_scoped3A_140 : memref<!tpu.dma_semaphore, #tpu.memory_space<semaphore_mem>>)
          %dma_wait3A_149 = arith.constant 0 : i32
          %dma_wait3A_150 = tpu.memref_slice %arg5[%run_scoped3A_123, %dma_wait3A_149] : memref<2x128xi32, #tpu.memory_space<vmem>> -> memref<1x128xi32, #tpu.memory_space<vmem>>
          %dma_wait3A_151 = tpu.memref_squeeze %dma_wait3A_150 : memref<1x128xi32, #tpu.memory_space<vmem>> -> memref<128xi32, #tpu.memory_space<vmem>>
          %dma_wait3A_152 = tpu.memref_slice %arg3[%add3A_122] : memref<65536xi32, #tpu.memory_space<hbm>> -> memref<128xi32, #tpu.memory_space<hbm>>
          %dma_wait3A_153 = arith.constant 0 : i32
          %dma_wait3A_154 = tpu.memref_slice %arg5[%run_scoped3A_123, %dma_wait3A_153] : memref<2x128xi32, #tpu.memory_space<vmem>> -> memref<1x128xi32, #tpu.memory_space<vmem>>
          %dma_wait3A_155 = tpu.memref_squeeze %dma_wait3A_154 : memref<1x128xi32, #tpu.memory_space<vmem>> -> memref<128xi32, #tpu.memory_space<vmem>>
          %dma_wait3A_156 = tpu.memref_slice %arg3[%add3A_122] : memref<65536xi32, #tpu.memory_space<hbm>> -> memref<128xi32, #tpu.memory_space<hbm>>
          tpu.wait_dma2 semaphore(%run_scoped3A_140 : memref<!tpu.dma_semaphore, #tpu.memory_space<semaphore_mem>>) src(%dma_wait3A_156 : memref<128xi32, #tpu.memory_space<hbm>>) dst(%dma_wait3A_155 : memref<128xi32, #tpu.memory_space<vmem>>)
          tpu.yield
        }) : () -> ()
        %ge3A = arith.constant 1 : i32
        %ge3A_124 = arith.cmpi sge, %add3A_48, %ge3A : i32
        %convert_element_type3A_125 = arith.extui %ge3A_124 : i1 to i32
        %cond3A_126 = arith.constant 0 : i32
        %cond3A_127 = arith.cmpi ne, %convert_element_type3A_125, %cond3A_126 : i32
        scf.if %cond3A_127 {
          %dma_wait3A_140 = arith.constant 1 : i32
          %dma_wait3A_141 = arith.constant 0 : i32
          %dma_wait3A_142 = arith.constant 0 : i32
          %dma_wait3A_143 = tpu.memref_slice %arg6[%dma_wait3A_140, %dma_wait3A_141, %dma_wait3A_142] : memref<2x128x80xf32, #tpu.memory_space<vmem>> -> memref<1x128x80xf32, #tpu.memory_space<vmem>>
          %dma_wait3A_144 = tpu.memref_squeeze %dma_wait3A_143 : memref<1x128x80xf32, #tpu.memory_space<vmem>> -> memref<128x80xf32, #tpu.memory_space<vmem>>
          %dma_wait3A_145 = arith.constant 0 : i32
          %dma_wait3A_146 = tpu.memref_slice %arg4[%mul3A_2, %dma_wait3A_145] : memref<65536x80xf32, #tpu.memory_space<hbm>> -> memref<128x80xf32, #tpu.memory_space<hbm>>
          %dma_wait3A_147 = arith.constant 0 : i32
          %dma_wait3A_148 = tpu.memref_slice %arg4[%mul3A_2, %dma_wait3A_147] : memref<65536x80xf32, #tpu.memory_space<hbm>> -> memref<128x80xf32, #tpu.memory_space<hbm>>
          %dma_wait3A_149 = arith.constant 0 : i32
          %dma_wait3A_150 = arith.constant 0 : i32
          %dma_wait3A_151 = tpu.memref_slice %arg6[%dma_wait3A_140, %dma_wait3A_149, %dma_wait3A_150] : memref<2x128x80xf32, #tpu.memory_space<vmem>> -> memref<1x128x80xf32, #tpu.memory_space<vmem>>
          %dma_wait3A_152 = tpu.memref_squeeze %dma_wait3A_151 : memref<1x128x80xf32, #tpu.memory_space<vmem>> -> memref<128x80xf32, #tpu.memory_space<vmem>>
          tpu.wait_dma2 semaphore(%arg8 : memref<!tpu.dma_semaphore, #tpu.memory_space<semaphore_mem>>) src(%dma_wait3A_152 : memref<128x80xf32, #tpu.memory_space<vmem>>) dst(%dma_wait3A_148 : memref<128x80xf32, #tpu.memory_space<hbm>>)
        } else {
        }
        %dma_start3A_128 = arith.constant 1 : i32
        %dma_start3A_129 = arith.constant 1 : i32
        %dma_start3A_130 = arith.constant 0 : i32
        %dma_start3A_131 = arith.constant 0 : i32
        %dma_start3A_132 = tpu.memref_slice %arg6[%dma_start3A_129, %dma_start3A_130, %dma_start3A_131] : memref<2x128x80xf32, #tpu.memory_space<vmem>> -> memref<1x128x80xf32, #tpu.memory_space<vmem>>
        %dma_start3A_133 = tpu.memref_squeeze %dma_start3A_132 : memref<1x128x80xf32, #tpu.memory_space<vmem>> -> memref<128x80xf32, #tpu.memory_space<vmem>>
        %dma_start3A_134 = arith.constant 0 : i32
        %dma_start3A_135 = tpu.memref_slice %arg5[%dma_start3A_128, %dma_start3A_134] : memref<2x128xi32, #tpu.memory_space<vmem>> -> memref<1x128xi32, #tpu.memory_space<vmem>>
        %dma_start3A_136 = tpu.memref_squeeze %dma_start3A_135 : memref<1x128xi32, #tpu.memory_space<vmem>> -> memref<128xi32, #tpu.memory_space<vmem>>
        %dma_start3A_137 = arith.constant 0 : i32
        %dma_start3A_138 = arith.constant 0 : i32
        %dma_start3A_139 = tpu.memref_slice %arg2[%dma_start3A_137, %dma_start3A_138] : memref<8192x80xf32, #tpu.memory_space<hbm>> -> memref<8192x80xf32, #tpu.memory_space<hbm>>
        tpu.enqueue_indirect_dma source(%dma_start3A_139 : memref<8192x80xf32, #tpu.memory_space<hbm>>) target(%dma_start3A_133 : memref<128x80xf32, #tpu.memory_space<vmem>>) offsets(%dma_start3A_136 : memref<128xi32, #tpu.memory_space<vmem>>) semaphore(%arg7 : memref<!tpu.dma_semaphore, #tpu.memory_space<semaphore_mem>>)
      } else {
      }
      %dma_wait3A_53 = arith.constant 0 : i32
      %dma_wait3A_54 = arith.constant 0 : i32
      %dma_wait3A_55 = arith.constant 0 : i32
      %dma_wait3A_56 = arith.constant 0 : i32
      %dma_wait3A_57 = tpu.memref_slice %arg6[%dma_wait3A_54, %dma_wait3A_55, %dma_wait3A_56] : memref<2x128x80xf32, #tpu.memory_space<vmem>> -> memref<1x128x80xf32, #tpu.memory_space<vmem>>
      %dma_wait3A_58 = tpu.memref_squeeze %dma_wait3A_57 : memref<1x128x80xf32, #tpu.memory_space<vmem>> -> memref<128x80xf32, #tpu.memory_space<vmem>>
      %dma_wait3A_59 = arith.constant 0 : i32
      %dma_wait3A_60 = tpu.memref_slice %arg5[%dma_wait3A_53, %dma_wait3A_59] : memref<2x128xi32, #tpu.memory_space<vmem>> -> memref<1x128xi32, #tpu.memory_space<vmem>>
      %dma_wait3A_61 = tpu.memref_squeeze %dma_wait3A_60 : memref<1x128xi32, #tpu.memory_space<vmem>> -> memref<128xi32, #tpu.memory_space<vmem>>
      %dma_wait3A_62 = arith.constant 0 : i32
      %dma_wait3A_63 = arith.constant 0 : i32
      %dma_wait3A_64 = tpu.memref_slice %arg2[%dma_wait3A_62, %dma_wait3A_63] : memref<8192x80xf32, #tpu.memory_space<hbm>> -> memref<8192x80xf32, #tpu.memory_space<hbm>>
      tpu.wait_indirect_dma semaphore(%arg7 : memref<!tpu.dma_semaphore, #tpu.memory_space<semaphore_mem>>) src(%dma_wait3A_64 : memref<8192x80xf32, #tpu.memory_space<hbm>>) dst(%dma_wait3A_58 : memref<128x80xf32, #tpu.memory_space<vmem>>)
      %mul3A_65 = arith.constant 128 : i32
      %mul3A_66 = arith.muli %add3A_48, %mul3A_65 : i32
      %add3A_67 = arith.addi %mul3A_2, %mul3A_66 : i32
      %dma_start3A_68 = arith.constant 0 : i32
      %dma_start3A_69 = arith.constant 0 : i32
      %dma_start3A_70 = arith.constant 0 : i32
      %dma_start3A_71 = tpu.memref_slice %arg6[%dma_start3A_68, %dma_start3A_69, %dma_start3A_70] : memref<2x128x80xf32, #tpu.memory_space<vmem>> -> memref<1x128x80xf32, #tpu.memory_space<vmem>>
      %dma_start3A_72 = tpu.memref_squeeze %dma_start3A_71 : memref<1x128x80xf32, #tpu.memory_space<vmem>> -> memref<128x80xf32, #tpu.memory_space<vmem>>
      %dma_start3A_73 = arith.constant 0 : i32
      %dma_start3A_74 = tpu.memref_slice %arg4[%add3A_67, %dma_start3A_73] : memref<65536x80xf32, #tpu.memory_space<hbm>> -> memref<128x80xf32, #tpu.memory_space<hbm>>
      %dma_start3A_75 = arith.constant 0 : i32
      %dma_start3A_76 = tpu.memref_slice %arg4[%add3A_67, %dma_start3A_75] : memref<65536x80xf32, #tpu.memory_space<hbm>> -> memref<128x80xf32, #tpu.memory_space<hbm>>
      %dma_start3A_77 = arith.constant 0 : i32
      %dma_start3A_78 = arith.constant 0 : i32
      %dma_start3A_79 = tpu.memref_slice %arg6[%dma_start3A_68, %dma_start3A_77, %dma_start3A_78] : memref<2x128x80xf32, #tpu.memory_space<vmem>> -> memref<1x128x80xf32, #tpu.memory_space<vmem>>
      %dma_start3A_80 = tpu.memref_squeeze %dma_start3A_79 : memref<1x128x80xf32, #tpu.memory_space<vmem>> -> memref<128x80xf32, #tpu.memory_space<vmem>>
      tpu.enqueue_dma source(%dma_start3A_80 : memref<128x80xf32, #tpu.memory_space<vmem>>) target(%dma_start3A_76 : memref<128x80xf32, #tpu.memory_space<hbm>>) target_semaphore(%arg8 : memref<!tpu.dma_semaphore, #tpu.memory_space<semaphore_mem>>)
      %add3A_81 = arith.constant 1 : i32
      %add3A_82 = arith.addi %mul3A_46, %add3A_81 : i32
      %add3A_83 = arith.constant 1 : i32
      %add3A_84 = arith.addi %add3A_82, %add3A_83 : i32
      %lt3A_85 = arith.constant 16 : i32
      %lt3A_86 = arith.cmpi slt, %add3A_84, %lt3A_85 : i32
      %convert_element_type3A_87 = arith.extui %lt3A_86 : i1 to i32
      %cond3A_88 = arith.constant 0 : i32
      %cond3A_89 = arith.cmpi ne, %convert_element_type3A_87, %cond3A_88 : i32
      scf.if %cond3A_89 {
        %add3A_118 = arith.constant 1 : i32
        %add3A_119 = arith.addi %add3A_82, %add3A_118 : i32
        %mul3A_120 = arith.constant 128 : i32
        %mul3A_121 = arith.muli %add3A_119, %mul3A_120 : i32
        %add3A_122 = arith.addi %mul3A_2, %mul3A_121 : i32
        %run_scoped3A_123 = arith.constant 0 : i32
        "tpu.region"() ({
          %run_scoped3A_140 = tpu.sem_alloc : memref<!tpu.dma_semaphore, #tpu.memory_space<semaphore_mem>>
          %dma_start3A_141 = arith.constant 0 : i32
          %dma_start3A_142 = tpu.memref_slice %arg5[%run_scoped3A_123, %dma_start3A_141] : memref<2x128xi32, #tpu.memory_space<vmem>> -> memref<1x128xi32, #tpu.memory_space<vmem>>
          %dma_start3A_143 = tpu.memref_squeeze %dma_start3A_142 : memref<1x128xi32, #tpu.memory_space<vmem>> -> memref<128xi32, #tpu.memory_space<vmem>>
          %dma_start3A_144 = tpu.memref_slice %arg3[%add3A_122] : memref<65536xi32, #tpu.memory_space<hbm>> -> memref<128xi32, #tpu.memory_space<hbm>>
          %dma_start3A_145 = arith.constant 0 : i32
          %dma_start3A_146 = tpu.memref_slice %arg5[%run_scoped3A_123, %dma_start3A_145] : memref<2x128xi32, #tpu.memory_space<vmem>> -> memref<1x128xi32, #tpu.memory_space<vmem>>
          %dma_start3A_147 = tpu.memref_squeeze %dma_start3A_146 : memref<1x128xi32, #tpu.memory_space<vmem>> -> memref<128xi32, #tpu.memory_space<vmem>>
          %dma_start3A_148 = tpu.memref_slice %arg3[%add3A_122] : memref<65536xi32, #tpu.memory_space<hbm>> -> memref<128xi32, #tpu.memory_space<hbm>>
          tpu.enqueue_dma source(%dma_start3A_148 : memref<128xi32, #tpu.memory_space<hbm>>) target(%dma_start3A_147 : memref<128xi32, #tpu.memory_space<vmem>>) target_semaphore(%run_scoped3A_140 : memref<!tpu.dma_semaphore, #tpu.memory_space<semaphore_mem>>)
          %dma_wait3A_149 = arith.constant 0 : i32
          %dma_wait3A_150 = tpu.memref_slice %arg5[%run_scoped3A_123, %dma_wait3A_149] : memref<2x128xi32, #tpu.memory_space<vmem>> -> memref<1x128xi32, #tpu.memory_space<vmem>>
          %dma_wait3A_151 = tpu.memref_squeeze %dma_wait3A_150 : memref<1x128xi32, #tpu.memory_space<vmem>> -> memref<128xi32, #tpu.memory_space<vmem>>
          %dma_wait3A_152 = tpu.memref_slice %arg3[%add3A_122] : memref<65536xi32, #tpu.memory_space<hbm>> -> memref<128xi32, #tpu.memory_space<hbm>>
          %dma_wait3A_153 = arith.constant 0 : i32
          %dma_wait3A_154 = tpu.memref_slice %arg5[%run_scoped3A_123, %dma_wait3A_153] : memref<2x128xi32, #tpu.memory_space<vmem>> -> memref<1x128xi32, #tpu.memory_space<vmem>>
          %dma_wait3A_155 = tpu.memref_squeeze %dma_wait3A_154 : memref<1x128xi32, #tpu.memory_space<vmem>> -> memref<128xi32, #tpu.memory_space<vmem>>
          %dma_wait3A_156 = tpu.memref_slice %arg3[%add3A_122] : memref<65536xi32, #tpu.memory_space<hbm>> -> memref<128xi32, #tpu.memory_space<hbm>>
          tpu.wait_dma2 semaphore(%run_scoped3A_140 : memref<!tpu.dma_semaphore, #tpu.memory_space<semaphore_mem>>) src(%dma_wait3A_156 : memref<128xi32, #tpu.memory_space<hbm>>) dst(%dma_wait3A_155 : memref<128xi32, #tpu.memory_space<vmem>>)
          tpu.yield
        }) : () -> ()
        %ge3A = arith.constant 1 : i32
        %ge3A_124 = arith.cmpi sge, %add3A_82, %ge3A : i32
        %convert_element_type3A_125 = arith.extui %ge3A_124 : i1 to i32
        %cond3A_126 = arith.constant 0 : i32
        %cond3A_127 = arith.cmpi ne, %convert_element_type3A_125, %cond3A_126 : i32
        scf.if %cond3A_127 {
          %dma_wait3A_140 = arith.constant 0 : i32
          %dma_wait3A_141 = arith.constant 0 : i32
          %dma_wait3A_142 = arith.constant 0 : i32
          %dma_wait3A_143 = tpu.memref_slice %arg6[%dma_wait3A_140, %dma_wait3A_141, %dma_wait3A_142] : memref<2x128x80xf32, #tpu.memory_space<vmem>> -> memref<1x128x80xf32, #tpu.memory_space<vmem>>
          %dma_wait3A_144 = tpu.memref_squeeze %dma_wait3A_143 : memref<1x128x80xf32, #tpu.memory_space<vmem>> -> memref<128x80xf32, #tpu.memory_space<vmem>>
          %dma_wait3A_145 = arith.constant 0 : i32
          %dma_wait3A_146 = tpu.memref_slice %arg4[%mul3A_2, %dma_wait3A_145] : memref<65536x80xf32, #tpu.memory_space<hbm>> -> memref<128x80xf32, #tpu.memory_space<hbm>>
          %dma_wait3A_147 = arith.constant 0 : i32
          %dma_wait3A_148 = tpu.memref_slice %arg4[%mul3A_2, %dma_wait3A_147] : memref<65536x80xf32, #tpu.memory_space<hbm>> -> memref<128x80xf32, #tpu.memory_space<hbm>>
          %dma_wait3A_149 = arith.constant 0 : i32
          %dma_wait3A_150 = arith.constant 0 : i32
          %dma_wait3A_151 = tpu.memref_slice %arg6[%dma_wait3A_140, %dma_wait3A_149, %dma_wait3A_150] : memref<2x128x80xf32, #tpu.memory_space<vmem>> -> memref<1x128x80xf32, #tpu.memory_space<vmem>>
          %dma_wait3A_152 = tpu.memref_squeeze %dma_wait3A_151 : memref<1x128x80xf32, #tpu.memory_space<vmem>> -> memref<128x80xf32, #tpu.memory_space<vmem>>
          tpu.wait_dma2 semaphore(%arg8 : memref<!tpu.dma_semaphore, #tpu.memory_space<semaphore_mem>>) src(%dma_wait3A_152 : memref<128x80xf32, #tpu.memory_space<vmem>>) dst(%dma_wait3A_148 : memref<128x80xf32, #tpu.memory_space<hbm>>)
        } else {
        }
        %dma_start3A_128 = arith.constant 0 : i32
        %dma_start3A_129 = arith.constant 0 : i32
        %dma_start3A_130 = arith.constant 0 : i32
        %dma_start3A_131 = arith.constant 0 : i32
        %dma_start3A_132 = tpu.memref_slice %arg6[%dma_start3A_129, %dma_start3A_130, %dma_start3A_131] : memref<2x128x80xf32, #tpu.memory_space<vmem>> -> memref<1x128x80xf32, #tpu.memory_space<vmem>>
        %dma_start3A_133 = tpu.memref_squeeze %dma_start3A_132 : memref<1x128x80xf32, #tpu.memory_space<vmem>> -> memref<128x80xf32, #tpu.memory_space<vmem>>
        %dma_start3A_134 = arith.constant 0 : i32
        %dma_start3A_135 = tpu.memref_slice %arg5[%dma_start3A_128, %dma_start3A_134] : memref<2x128xi32, #tpu.memory_space<vmem>> -> memref<1x128xi32, #tpu.memory_space<vmem>>
        %dma_start3A_136 = tpu.memref_squeeze %dma_start3A_135 : memref<1x128xi32, #tpu.memory_space<vmem>> -> memref<128xi32, #tpu.memory_space<vmem>>
        %dma_start3A_137 = arith.constant 0 : i32
        %dma_start3A_138 = arith.constant 0 : i32
        %dma_start3A_139 = tpu.memref_slice %arg2[%dma_start3A_137, %dma_start3A_138] : memref<8192x80xf32, #tpu.memory_space<hbm>> -> memref<8192x80xf32, #tpu.memory_space<hbm>>
        tpu.enqueue_indirect_dma source(%dma_start3A_139 : memref<8192x80xf32, #tpu.memory_space<hbm>>) target(%dma_start3A_133 : memref<128x80xf32, #tpu.memory_space<vmem>>) offsets(%dma_start3A_136 : memref<128xi32, #tpu.memory_space<vmem>>) semaphore(%arg7 : memref<!tpu.dma_semaphore, #tpu.memory_space<semaphore_mem>>)
      } else {
      }
      %dma_wait3A_90 = arith.constant 1 : i32
      %dma_wait3A_91 = arith.constant 1 : i32
      %dma_wait3A_92 = arith.constant 0 : i32
      %dma_wait3A_93 = arith.constant 0 : i32
      %dma_wait3A_94 = tpu.memref_slice %arg6[%dma_wait3A_91, %dma_wait3A_92, %dma_wait3A_93] : memref<2x128x80xf32, #tpu.memory_space<vmem>> -> memref<1x128x80xf32, #tpu.memory_space<vmem>>
      %dma_wait3A_95 = tpu.memref_squeeze %dma_wait3A_94 : memref<1x128x80xf32, #tpu.memory_space<vmem>> -> memref<128x80xf32, #tpu.memory_space<vmem>>
      %dma_wait3A_96 = arith.constant 0 : i32
      %dma_wait3A_97 = tpu.memref_slice %arg5[%dma_wait3A_90, %dma_wait3A_96] : memref<2x128xi32, #tpu.memory_space<vmem>> -> memref<1x128xi32, #tpu.memory_space<vmem>>
      %dma_wait3A_98 = tpu.memref_squeeze %dma_wait3A_97 : memref<1x128xi32, #tpu.memory_space<vmem>> -> memref<128xi32, #tpu.memory_space<vmem>>
      %dma_wait3A_99 = arith.constant 0 : i32
      %dma_wait3A_100 = arith.constant 0 : i32
      %dma_wait3A_101 = tpu.memref_slice %arg2[%dma_wait3A_99, %dma_wait3A_100] : memref<8192x80xf32, #tpu.memory_space<hbm>> -> memref<8192x80xf32, #tpu.memory_space<hbm>>
      tpu.wait_indirect_dma semaphore(%arg7 : memref<!tpu.dma_semaphore, #tpu.memory_space<semaphore_mem>>) src(%dma_wait3A_101 : memref<8192x80xf32, #tpu.memory_space<hbm>>) dst(%dma_wait3A_95 : memref<128x80xf32, #tpu.memory_space<vmem>>)
      %mul3A_102 = arith.constant 128 : i32
      %mul3A_103 = arith.muli %add3A_82, %mul3A_102 : i32
      %add3A_104 = arith.addi %mul3A_2, %mul3A_103 : i32
      %dma_start3A_105 = arith.constant 1 : i32
      %dma_start3A_106 = arith.constant 0 : i32
      %dma_start3A_107 = arith.constant 0 : i32
      %dma_start3A_108 = tpu.memref_slice %arg6[%dma_start3A_105, %dma_start3A_106, %dma_start3A_107] : memref<2x128x80xf32, #tpu.memory_space<vmem>> -> memref<1x128x80xf32, #tpu.memory_space<vmem>>
      %dma_start3A_109 = tpu.memref_squeeze %dma_start3A_108 : memref<1x128x80xf32, #tpu.memory_space<vmem>> -> memref<128x80xf32, #tpu.memory_space<vmem>>
      %dma_start3A_110 = arith.constant 0 : i32
      %dma_start3A_111 = tpu.memref_slice %arg4[%add3A_104, %dma_start3A_110] : memref<65536x80xf32, #tpu.memory_space<hbm>> -> memref<128x80xf32, #tpu.memory_space<hbm>>
      %dma_start3A_112 = arith.constant 0 : i32
      %dma_start3A_113 = tpu.memref_slice %arg4[%add3A_104, %dma_start3A_112] : memref<65536x80xf32, #tpu.memory_space<hbm>> -> memref<128x80xf32, #tpu.memory_space<hbm>>
      %dma_start3A_114 = arith.constant 0 : i32
      %dma_start3A_115 = arith.constant 0 : i32
      %dma_start3A_116 = tpu.memref_slice %arg6[%dma_start3A_105, %dma_start3A_114, %dma_start3A_115] : memref<2x128x80xf32, #tpu.memory_space<vmem>> -> memref<1x128x80xf32, #tpu.memory_space<vmem>>
      %dma_start3A_117 = tpu.memref_squeeze %dma_start3A_116 : memref<1x128x80xf32, #tpu.memory_space<vmem>> -> memref<128x80xf32, #tpu.memory_space<vmem>>
      tpu.enqueue_dma source(%dma_start3A_117 : memref<128x80xf32, #tpu.memory_space<vmem>>) target(%dma_start3A_113 : memref<128x80xf32, #tpu.memory_space<hbm>>) target_semaphore(%arg8 : memref<!tpu.dma_semaphore, #tpu.memory_space<semaphore_mem>>)
    }
    %scan3A_18 = arith.constant 8 : i32
    %dma_wait3A = arith.constant 0 : i32
    %dma_wait3A_19 = arith.constant 0 : i32
    %dma_wait3A_20 = arith.constant 0 : i32
    %dma_wait3A_21 = tpu.memref_slice %arg6[%dma_wait3A, %dma_wait3A_19, %dma_wait3A_20] : memref<2x128x80xf32, #tpu.memory_space<vmem>> -> memref<1x128x80xf32, #tpu.memory_space<vmem>>
    %dma_wait3A_22 = tpu.memref_squeeze %dma_wait3A_21 : memref<1x128x80xf32, #tpu.memory_space<vmem>> -> memref<128x80xf32, #tpu.memory_space<vmem>>
    %dma_wait3A_23 = arith.constant 0 : i32
    %dma_wait3A_24 = tpu.memref_slice %arg4[%mul3A_2, %dma_wait3A_23] : memref<65536x80xf32, #tpu.memory_space<hbm>> -> memref<128x80xf32, #tpu.memory_space<hbm>>
    %dma_wait3A_25 = arith.constant 0 : i32
    %dma_wait3A_26 = tpu.memref_slice %arg4[%mul3A_2, %dma_wait3A_25] : memref<65536x80xf32, #tpu.memory_space<hbm>> -> memref<128x80xf32, #tpu.memory_space<hbm>>
    %dma_wait3A_27 = arith.constant 0 : i32
    %dma_wait3A_28 = arith.constant 0 : i32
    %dma_wait3A_29 = tpu.memref_slice %arg6[%dma_wait3A, %dma_wait3A_27, %dma_wait3A_28] : memref<2x128x80xf32, #tpu.memory_space<vmem>> -> memref<1x128x80xf32, #tpu.memory_space<vmem>>
    %dma_wait3A_30 = tpu.memref_squeeze %dma_wait3A_29 : memref<1x128x80xf32, #tpu.memory_space<vmem>> -> memref<128x80xf32, #tpu.memory_space<vmem>>
    tpu.wait_dma2 semaphore(%arg8 : memref<!tpu.dma_semaphore, #tpu.memory_space<semaphore_mem>>) src(%dma_wait3A_30 : memref<128x80xf32, #tpu.memory_space<vmem>>) dst(%dma_wait3A_26 : memref<128x80xf32, #tpu.memory_space<hbm>>)
    %dma_wait3A_31 = arith.constant 1 : i32
    %dma_wait3A_32 = arith.constant 0 : i32
    %dma_wait3A_33 = arith.constant 0 : i32
    %dma_wait3A_34 = tpu.memref_slice %arg6[%dma_wait3A_31, %dma_wait3A_32, %dma_wait3A_33] : memref<2x128x80xf32, #tpu.memory_space<vmem>> -> memref<1x128x80xf32, #tpu.memory_space<vmem>>
    %dma_wait3A_35 = tpu.memref_squeeze %dma_wait3A_34 : memref<1x128x80xf32, #tpu.memory_space<vmem>> -> memref<128x80xf32, #tpu.memory_space<vmem>>
    %dma_wait3A_36 = arith.constant 0 : i32
    %dma_wait3A_37 = tpu.memref_slice %arg4[%mul3A_2, %dma_wait3A_36] : memref<65536x80xf32, #tpu.memory_space<hbm>> -> memref<128x80xf32, #tpu.memory_space<hbm>>
    %dma_wait3A_38 = arith.constant 0 : i32
    %dma_wait3A_39 = tpu.memref_slice %arg4[%mul3A_2, %dma_wait3A_38] : memref<65536x80xf32, #tpu.memory_space<hbm>> -> memref<128x80xf32, #tpu.memory_space<hbm>>
    %dma_wait3A_40 = arith.constant 0 : i32
    %dma_wait3A_41 = arith.constant 0 : i32
    %dma_wait3A_42 = tpu.memref_slice %arg6[%dma_wait3A_31, %dma_wait3A_40, %dma_wait3A_41] : memref<2x128x80xf32, #tpu.memory_space<vmem>> -> memref<1x128x80xf32, #tpu.memory_space<vmem>>
    %dma_wait3A_43 = tpu.memref_squeeze %dma_wait3A_42 : memref<1x128x80xf32, #tpu.memory_space<vmem>> -> memref<128x80xf32, #tpu.memory_space<vmem>>
    tpu.wait_dma2 semaphore(%arg8 : memref<!tpu.dma_semaphore, #tpu.memory_space<semaphore_mem>>) src(%dma_wait3A_43 : memref<128x80xf32, #tpu.memory_space<vmem>>) dst(%dma_wait3A_39 : memref<128x80xf32, #tpu.memory_space<hbm>>)
    return
  }
}

module attributes {stable_mosaic.version = 14 : i64} {
  func.func @_table_body(%arg0: i32, %arg1: memref<1x64x512xf32, #tpu.memory_space<vmem>>, %arg2: memref<1x64x512xf32, #tpu.memory_space<vmem>>, %arg3: memref<1x3x512xf32, #tpu.memory_space<vmem>>, %arg4: memref<1x3x512xf32, #tpu.memory_space<vmem>>, %arg5: memref<512x80xf32, #tpu.memory_space<vmem>>, %arg6: memref<1x1x512xf32, #tpu.memory_space<vmem>>) attributes {dimension_semantics = [#tpu.dimension_semantics<arbitrary>], iteration_bounds = array<i64: 16>, scalar_prefetch = 0 : i64, scratch_operands = 0 : i64, tpu.core_type = #tpu.core_type<tc>, window_params = [{transform_indices = @transform_0, window_bounds = array<i64: 1, 64, 512>}, {transform_indices = @transform_1, window_bounds = array<i64: 1, 64, 512>}, {transform_indices = @transform_2, window_bounds = array<i64: 1, 3, 512>}, {transform_indices = @transform_3, window_bounds = array<i64: 1, 3, 512>}, {transform_indices = @transform_4, window_bounds = array<i64: 512, 80>}, {transform_indices = @transform_5, window_bounds = array<i64: 1, 1, 512>}]} {
    %jit3A = arith.constant 8 : i32
    %eq3A = arith.constant 0 : i32
    %eq3A_0 = arith.cmpi eq, %jit3A, %eq3A : i32
    %jit3A_1 = arith.constant 1 : i32
    %select_n3A = arith.select %eq3A_0, %jit3A_1, %jit3A : i32
    %rem3A = arith.remsi %arg0, %select_n3A : i32
    %ne3A = arith.constant 0 : i32
    %ne3A_2 = arith.cmpi ne, %rem3A, %ne3A : i32
    %lt3A = arith.constant 0 : i32
    %lt3A_3 = arith.cmpi slt, %rem3A, %lt3A : i32
    %lt3A_4 = arith.constant 0 : i32
    %lt3A_5 = arith.cmpi slt, %select_n3A, %lt3A_4 : i32
    %ne3A_6 = arith.xori %lt3A_3, %lt3A_5 : i1
    %and3A = arith.andi %ne3A_6, %ne3A_2 : i1
    %add3A = arith.addi %rem3A, %select_n3A : i32
    %select_n3A_7 = arith.select %and3A, %add3A, %rem3A : i32
    %ge3A = arith.constant 4 : i32
    %ge3A_8 = arith.cmpi sge, %select_n3A_7, %ge3A : i32
    %get3A = arith.constant 0 : index
    %get3A_9 = arith.constant 0 : index
    %get3A_10 = arith.constant 0 : index
    %get3A_11 = vector.load %arg2[%get3A, %get3A_9, %get3A_10] : memref<1x64x512xf32, #tpu.memory_space<vmem>>, vector<1x64x512xf32>
    %get3A_12 = vector.shape_cast %get3A_11 : vector<1x64x512xf32> to vector<64x512xf32>
    %get3A_13 = arith.constant 0 : index
    %get3A_14 = arith.constant 0 : index
    %get3A_15 = arith.constant 0 : index
    %get3A_16 = vector.load %arg1[%get3A_13, %get3A_14, %get3A_15] : memref<1x64x512xf32, #tpu.memory_space<vmem>>, vector<1x64x512xf32>
    %get3A_17 = vector.shape_cast %get3A_16 : vector<1x64x512xf32> to vector<64x512xf32>
    %select_n3A_18 = arith.select %ge3A_8, %get3A_12, %get3A_17 : vector<64x512xf32>
    %get3A_19 = arith.constant 0 : index
    %get3A_20 = arith.constant 0 : index
    %get3A_21 = arith.constant 0 : index
    %get3A_22 = vector.load %arg4[%get3A_19, %get3A_20, %get3A_21] : memref<1x3x512xf32, #tpu.memory_space<vmem>>, vector<1x3x512xf32>
    %get3A_23 = vector.shape_cast %get3A_22 : vector<1x3x512xf32> to vector<3x512xf32>
    %get3A_24 = arith.constant 0 : index
    %get3A_25 = arith.constant 0 : index
    %get3A_26 = arith.constant 0 : index
    %get3A_27 = vector.load %arg3[%get3A_24, %get3A_25, %get3A_26] : memref<1x3x512xf32, #tpu.memory_space<vmem>>, vector<1x3x512xf32>
    %get3A_28 = vector.shape_cast %get3A_27 : vector<1x3x512xf32> to vector<3x512xf32>
    %select_n3A_29 = arith.select %ge3A_8, %get3A_23, %get3A_28 : vector<3x512xf32>
    %transpose3A = tpu.transpose %select_n3A_18, [1, 0] : vector<64x512xf32> -> vector<512x64xf32>
    %broadcast_in_dim3A = arith.constant 0.000000e+00 : f32
    %broadcast_in_dim3A_30 = vector.broadcast %broadcast_in_dim3A : f32 to vector<13x512xf32>
    %concatenate3A = tpu.concatenate %select_n3A_29, %broadcast_in_dim3A_30 in 0 : vector<3x512xf32>, vector<13x512xf32> -> vector<16x512xf32>
    %transpose3A_31 = tpu.transpose %concatenate3A, [1, 0] : vector<16x512xf32> -> vector<512x16xf32>
    %concatenate3A_32 = tpu.concatenate %transpose3A, %transpose3A_31 in 1 : vector<512x64xf32>, vector<512x16xf32> -> vector<512x80xf32>
    %swap3A = arith.constant 0 : index
    %swap3A_33 = arith.constant 0 : index
    %swap3A_34 = vector.load %arg5[%swap3A, %swap3A_33] : memref<512x80xf32, #tpu.memory_space<vmem>>, vector<512x80xf32>
    tpu.vector_store %arg5[%swap3A, %swap3A_33], %concatenate3A_32 {strides = array<i32>} : memref<512x80xf32, #tpu.memory_space<vmem>>, vector<512x80xf32>,
    %mul3A = arith.mulf %select_n3A_18, %select_n3A_18 : vector<64x512xf32>
    %reduce_sum3A = arith.constant dense<0.000000e+00> : vector<512xf32>
    %reduce_sum3A_35 = vector.multi_reduction <add>, %mul3A, %reduce_sum3A [0] : vector<64x512xf32> to vector<512xf32>
    %broadcast_in_dim3A_36 = vector.shape_cast %reduce_sum3A_35 : vector<512xf32> to vector<1x512xf32>
    %swap3A_37 = arith.constant 0 : index
    %swap3A_38 = arith.constant 0 : index
    %swap3A_39 = arith.constant 0 : index
    %swap3A_40 = vector.load %arg6[%swap3A_37, %swap3A_38, %swap3A_39] : memref<1x1x512xf32, #tpu.memory_space<vmem>>, vector<1x1x512xf32>
    %swap3A_41 = vector.shape_cast %swap3A_40 : vector<1x1x512xf32> to vector<1x512xf32>
    %swap3A_42 = vector.shape_cast %broadcast_in_dim3A_36 : vector<1x512xf32> to vector<1x1x512xf32>
    tpu.vector_store %arg6[%swap3A_37, %swap3A_38, %swap3A_39], %swap3A_42 {strides = array<i32>} : memref<1x1x512xf32, #tpu.memory_space<vmem>>, vector<1x1x512xf32>,
    return
  }
  func.func @transform_0(%arg0: i32) -> (i32, i32, i32) {
    %jit3A = arith.constant 8 : i32
    %div3A = arith.divsi %arg0, %jit3A : i32
    %sign3A = arith.constant 0 : i32
    %sign3A_0 = arith.cmpi sgt, %arg0, %sign3A : i32
    %sign3A_1 = arith.extui %sign3A_0 : i1 to i32
    %sign3A_2 = arith.constant 0 : i32
    %sign3A_3 = arith.cmpi slt, %arg0, %sign3A_2 : i32
    %sign3A_4 = arith.extui %sign3A_3 : i1 to i32
    %sign3A_5 = arith.subi %sign3A_1, %sign3A_4 : i32
    %sign3A_6 = arith.constant 0 : i32
    %sign3A_7 = arith.cmpi sgt, %jit3A, %sign3A_6 : i32
    %sign3A_8 = arith.extui %sign3A_7 : i1 to i32
    %sign3A_9 = arith.constant 0 : i32
    %sign3A_10 = arith.cmpi slt, %jit3A, %sign3A_9 : i32
    %sign3A_11 = arith.extui %sign3A_10 : i1 to i32
    %sign3A_12 = arith.subi %sign3A_8, %sign3A_11 : i32
    %ne3A = arith.cmpi ne, %sign3A_5, %sign3A_12 : i32
    %rem3A = arith.remsi %arg0, %jit3A : i32
    %ne3A_13 = arith.constant 0 : i32
    %ne3A_14 = arith.cmpi ne, %rem3A, %ne3A_13 : i32
    %and3A = arith.andi %ne3A, %ne3A_14 : i1
    %sub3A = arith.constant 1 : i32
    %sub3A_15 = arith.subi %div3A, %sub3A : i32
    %select_n3A = arith.select %and3A, %sub3A_15, %div3A : i32
    %jit3A_16 = arith.constant 8 : i32
    %eq3A = arith.constant 0 : i32
    %eq3A_17 = arith.cmpi eq, %jit3A_16, %eq3A : i32
    %jit3A_18 = arith.constant 1 : i32
    %select_n3A_19 = arith.select %eq3A_17, %jit3A_18, %jit3A_16 : i32
    %rem3A_20 = arith.remsi %arg0, %select_n3A_19 : i32
    %ne3A_21 = arith.constant 0 : i32
    %ne3A_22 = arith.cmpi ne, %rem3A_20, %ne3A_21 : i32
    %lt3A = arith.constant 0 : i32
    %lt3A_23 = arith.cmpi slt, %rem3A_20, %lt3A : i32
    %lt3A_24 = arith.constant 0 : i32
    %lt3A_25 = arith.cmpi slt, %select_n3A_19, %lt3A_24 : i32
    %ne3A_26 = arith.xori %lt3A_23, %lt3A_25 : i1
    %and3A_27 = arith.andi %ne3A_26, %ne3A_22 : i1
    %add3A = arith.addi %rem3A_20, %select_n3A_19 : i32
    %select_n3A_28 = arith.select %and3A_27, %add3A, %rem3A_20 : i32
    %min3A = arith.constant 3 : i32
    %min3A_29 = arith.minsi %select_n3A_28, %min3A : i32
    %c0_i32 = arith.constant 0 : i32
    %c0_i32_30 = arith.constant 0 : i32
    return %select_n3A, %c0_i32, %min3A_29 : i32, i32, i32
  }
  func.func @transform_1(%arg0: i32) -> (i32, i32, i32) {
    %jit3A = arith.constant 8 : i32
    %div3A = arith.divsi %arg0, %jit3A : i32
    %sign3A = arith.constant 0 : i32
    %sign3A_0 = arith.cmpi sgt, %arg0, %sign3A : i32
    %sign3A_1 = arith.extui %sign3A_0 : i1 to i32
    %sign3A_2 = arith.constant 0 : i32
    %sign3A_3 = arith.cmpi slt, %arg0, %sign3A_2 : i32
    %sign3A_4 = arith.extui %sign3A_3 : i1 to i32
    %sign3A_5 = arith.subi %sign3A_1, %sign3A_4 : i32
    %sign3A_6 = arith.constant 0 : i32
    %sign3A_7 = arith.cmpi sgt, %jit3A, %sign3A_6 : i32
    %sign3A_8 = arith.extui %sign3A_7 : i1 to i32
    %sign3A_9 = arith.constant 0 : i32
    %sign3A_10 = arith.cmpi slt, %jit3A, %sign3A_9 : i32
    %sign3A_11 = arith.extui %sign3A_10 : i1 to i32
    %sign3A_12 = arith.subi %sign3A_8, %sign3A_11 : i32
    %ne3A = arith.cmpi ne, %sign3A_5, %sign3A_12 : i32
    %rem3A = arith.remsi %arg0, %jit3A : i32
    %ne3A_13 = arith.constant 0 : i32
    %ne3A_14 = arith.cmpi ne, %rem3A, %ne3A_13 : i32
    %and3A = arith.andi %ne3A, %ne3A_14 : i1
    %sub3A = arith.constant 1 : i32
    %sub3A_15 = arith.subi %div3A, %sub3A : i32
    %select_n3A = arith.select %and3A, %sub3A_15, %div3A : i32
    %jit3A_16 = arith.constant 8 : i32
    %eq3A = arith.constant 0 : i32
    %eq3A_17 = arith.cmpi eq, %jit3A_16, %eq3A : i32
    %jit3A_18 = arith.constant 1 : i32
    %select_n3A_19 = arith.select %eq3A_17, %jit3A_18, %jit3A_16 : i32
    %rem3A_20 = arith.remsi %arg0, %select_n3A_19 : i32
    %ne3A_21 = arith.constant 0 : i32
    %ne3A_22 = arith.cmpi ne, %rem3A_20, %ne3A_21 : i32
    %lt3A = arith.constant 0 : i32
    %lt3A_23 = arith.cmpi slt, %rem3A_20, %lt3A : i32
    %lt3A_24 = arith.constant 0 : i32
    %lt3A_25 = arith.cmpi slt, %select_n3A_19, %lt3A_24 : i32
    %ne3A_26 = arith.xori %lt3A_23, %lt3A_25 : i1
    %and3A_27 = arith.andi %ne3A_26, %ne3A_22 : i1
    %add3A = arith.addi %rem3A_20, %select_n3A_19 : i32
    %select_n3A_28 = arith.select %and3A_27, %add3A, %rem3A_20 : i32
    %sub3A_29 = arith.constant 4 : i32
    %sub3A_30 = arith.subi %select_n3A_28, %sub3A_29 : i32
    %max3A = arith.constant 0 : i32
    %max3A_31 = arith.maxsi %sub3A_30, %max3A : i32
    %c0_i32 = arith.constant 0 : i32
    %c0_i32_32 = arith.constant 0 : i32
    return %select_n3A, %c0_i32, %max3A_31 : i32, i32, i32
  }
  func.func @transform_2(%arg0: i32) -> (i32, i32, i32) {
    %jit3A = arith.constant 8 : i32
    %div3A = arith.divsi %arg0, %jit3A : i32
    %sign3A = arith.constant 0 : i32
    %sign3A_0 = arith.cmpi sgt, %arg0, %sign3A : i32
    %sign3A_1 = arith.extui %sign3A_0 : i1 to i32
    %sign3A_2 = arith.constant 0 : i32
    %sign3A_3 = arith.cmpi slt, %arg0, %sign3A_2 : i32
    %sign3A_4 = arith.extui %sign3A_3 : i1 to i32
    %sign3A_5 = arith.subi %sign3A_1, %sign3A_4 : i32
    %sign3A_6 = arith.constant 0 : i32
    %sign3A_7 = arith.cmpi sgt, %jit3A, %sign3A_6 : i32
    %sign3A_8 = arith.extui %sign3A_7 : i1 to i32
    %sign3A_9 = arith.constant 0 : i32
    %sign3A_10 = arith.cmpi slt, %jit3A, %sign3A_9 : i32
    %sign3A_11 = arith.extui %sign3A_10 : i1 to i32
    %sign3A_12 = arith.subi %sign3A_8, %sign3A_11 : i32
    %ne3A = arith.cmpi ne, %sign3A_5, %sign3A_12 : i32
    %rem3A = arith.remsi %arg0, %jit3A : i32
    %ne3A_13 = arith.constant 0 : i32
    %ne3A_14 = arith.cmpi ne, %rem3A, %ne3A_13 : i32
    %and3A = arith.andi %ne3A, %ne3A_14 : i1
    %sub3A = arith.constant 1 : i32
    %sub3A_15 = arith.subi %div3A, %sub3A : i32
    %select_n3A = arith.select %and3A, %sub3A_15, %div3A : i32
    %jit3A_16 = arith.constant 8 : i32
    %eq3A = arith.constant 0 : i32
    %eq3A_17 = arith.cmpi eq, %jit3A_16, %eq3A : i32
    %jit3A_18 = arith.constant 1 : i32
    %select_n3A_19 = arith.select %eq3A_17, %jit3A_18, %jit3A_16 : i32
    %rem3A_20 = arith.remsi %arg0, %select_n3A_19 : i32
    %ne3A_21 = arith.constant 0 : i32
    %ne3A_22 = arith.cmpi ne, %rem3A_20, %ne3A_21 : i32
    %lt3A = arith.constant 0 : i32
    %lt3A_23 = arith.cmpi slt, %rem3A_20, %lt3A : i32
    %lt3A_24 = arith.constant 0 : i32
    %lt3A_25 = arith.cmpi slt, %select_n3A_19, %lt3A_24 : i32
    %ne3A_26 = arith.xori %lt3A_23, %lt3A_25 : i1
    %and3A_27 = arith.andi %ne3A_26, %ne3A_22 : i1
    %add3A = arith.addi %rem3A_20, %select_n3A_19 : i32
    %select_n3A_28 = arith.select %and3A_27, %add3A, %rem3A_20 : i32
    %min3A = arith.constant 3 : i32
    %min3A_29 = arith.minsi %select_n3A_28, %min3A : i32
    %c0_i32 = arith.constant 0 : i32
    %c0_i32_30 = arith.constant 0 : i32
    return %select_n3A, %c0_i32, %min3A_29 : i32, i32, i32
  }
  func.func @transform_3(%arg0: i32) -> (i32, i32, i32) {
    %jit3A = arith.constant 8 : i32
    %div3A = arith.divsi %arg0, %jit3A : i32
    %sign3A = arith.constant 0 : i32
    %sign3A_0 = arith.cmpi sgt, %arg0, %sign3A : i32
    %sign3A_1 = arith.extui %sign3A_0 : i1 to i32
    %sign3A_2 = arith.constant 0 : i32
    %sign3A_3 = arith.cmpi slt, %arg0, %sign3A_2 : i32
    %sign3A_4 = arith.extui %sign3A_3 : i1 to i32
    %sign3A_5 = arith.subi %sign3A_1, %sign3A_4 : i32
    %sign3A_6 = arith.constant 0 : i32
    %sign3A_7 = arith.cmpi sgt, %jit3A, %sign3A_6 : i32
    %sign3A_8 = arith.extui %sign3A_7 : i1 to i32
    %sign3A_9 = arith.constant 0 : i32
    %sign3A_10 = arith.cmpi slt, %jit3A, %sign3A_9 : i32
    %sign3A_11 = arith.extui %sign3A_10 : i1 to i32
    %sign3A_12 = arith.subi %sign3A_8, %sign3A_11 : i32
    %ne3A = arith.cmpi ne, %sign3A_5, %sign3A_12 : i32
    %rem3A = arith.remsi %arg0, %jit3A : i32
    %ne3A_13 = arith.constant 0 : i32
    %ne3A_14 = arith.cmpi ne, %rem3A, %ne3A_13 : i32
    %and3A = arith.andi %ne3A, %ne3A_14 : i1
    %sub3A = arith.constant 1 : i32
    %sub3A_15 = arith.subi %div3A, %sub3A : i32
    %select_n3A = arith.select %and3A, %sub3A_15, %div3A : i32
    %jit3A_16 = arith.constant 8 : i32
    %eq3A = arith.constant 0 : i32
    %eq3A_17 = arith.cmpi eq, %jit3A_16, %eq3A : i32
    %jit3A_18 = arith.constant 1 : i32
    %select_n3A_19 = arith.select %eq3A_17, %jit3A_18, %jit3A_16 : i32
    %rem3A_20 = arith.remsi %arg0, %select_n3A_19 : i32
    %ne3A_21 = arith.constant 0 : i32
    %ne3A_22 = arith.cmpi ne, %rem3A_20, %ne3A_21 : i32
    %lt3A = arith.constant 0 : i32
    %lt3A_23 = arith.cmpi slt, %rem3A_20, %lt3A : i32
    %lt3A_24 = arith.constant 0 : i32
    %lt3A_25 = arith.cmpi slt, %select_n3A_19, %lt3A_24 : i32
    %ne3A_26 = arith.xori %lt3A_23, %lt3A_25 : i1
    %and3A_27 = arith.andi %ne3A_26, %ne3A_22 : i1
    %add3A = arith.addi %rem3A_20, %select_n3A_19 : i32
    %select_n3A_28 = arith.select %and3A_27, %add3A, %rem3A_20 : i32
    %sub3A_29 = arith.constant 4 : i32
    %sub3A_30 = arith.subi %select_n3A_28, %sub3A_29 : i32
    %max3A = arith.constant 0 : i32
    %max3A_31 = arith.maxsi %sub3A_30, %max3A : i32
    %c0_i32 = arith.constant 0 : i32
    %c0_i32_32 = arith.constant 0 : i32
    return %select_n3A, %c0_i32, %max3A_31 : i32, i32, i32
  }
  func.func @transform_4(%arg0: i32) -> (i32, i32) {
    %c0_i32 = arith.constant 0 : i32
    %c0_i32_0 = arith.constant 0 : i32
    return %arg0, %c0_i32 : i32, i32
  }
  func.func @transform_5(%arg0: i32) -> (i32, i32, i32) {
    %jit3A = arith.constant 8 : i32
    %div3A = arith.divsi %arg0, %jit3A : i32
    %sign3A = arith.constant 0 : i32
    %sign3A_0 = arith.cmpi sgt, %arg0, %sign3A : i32
    %sign3A_1 = arith.extui %sign3A_0 : i1 to i32
    %sign3A_2 = arith.constant 0 : i32
    %sign3A_3 = arith.cmpi slt, %arg0, %sign3A_2 : i32
    %sign3A_4 = arith.extui %sign3A_3 : i1 to i32
    %sign3A_5 = arith.subi %sign3A_1, %sign3A_4 : i32
    %sign3A_6 = arith.constant 0 : i32
    %sign3A_7 = arith.cmpi sgt, %jit3A, %sign3A_6 : i32
    %sign3A_8 = arith.extui %sign3A_7 : i1 to i32
    %sign3A_9 = arith.constant 0 : i32
    %sign3A_10 = arith.cmpi slt, %jit3A, %sign3A_9 : i32
    %sign3A_11 = arith.extui %sign3A_10 : i1 to i32
    %sign3A_12 = arith.subi %sign3A_8, %sign3A_11 : i32
    %ne3A = arith.cmpi ne, %sign3A_5, %sign3A_12 : i32
    %rem3A = arith.remsi %arg0, %jit3A : i32
    %ne3A_13 = arith.constant 0 : i32
    %ne3A_14 = arith.cmpi ne, %rem3A, %ne3A_13 : i32
    %and3A = arith.andi %ne3A, %ne3A_14 : i1
    %sub3A = arith.constant 1 : i32
    %sub3A_15 = arith.subi %div3A, %sub3A : i32
    %select_n3A = arith.select %and3A, %sub3A_15, %div3A : i32
    %jit3A_16 = arith.constant 8 : i32
    %eq3A = arith.constant 0 : i32
    %eq3A_17 = arith.cmpi eq, %jit3A_16, %eq3A : i32
    %jit3A_18 = arith.constant 1 : i32
    %select_n3A_19 = arith.select %eq3A_17, %jit3A_18, %jit3A_16 : i32
    %rem3A_20 = arith.remsi %arg0, %select_n3A_19 : i32
    %ne3A_21 = arith.constant 0 : i32
    %ne3A_22 = arith.cmpi ne, %rem3A_20, %ne3A_21 : i32
    %lt3A = arith.constant 0 : i32
    %lt3A_23 = arith.cmpi slt, %rem3A_20, %lt3A : i32
    %lt3A_24 = arith.constant 0 : i32
    %lt3A_25 = arith.cmpi slt, %select_n3A_19, %lt3A_24 : i32
    %ne3A_26 = arith.xori %lt3A_23, %lt3A_25 : i1
    %and3A_27 = arith.andi %ne3A_26, %ne3A_22 : i1
    %add3A = arith.addi %rem3A_20, %select_n3A_19 : i32
    %select_n3A_28 = arith.select %and3A_27, %add3A, %rem3A_20 : i32
    %c0_i32 = arith.constant 0 : i32
    %c0_i32_29 = arith.constant 0 : i32
    return %select_n3A, %c0_i32, %select_n3A_28 : i32, i32, i32
  }
}

module attributes {stable_mosaic.version = 14 : i64} {
  func.func @_knn_body(%arg0: i32, %arg1: i32, %arg2: memref<1x64x512xf32, #tpu.memory_space<vmem>>, %arg3: memref<4096x80xf32, #tpu.memory_space<vmem>>, %arg4: memref<1x1x4096xf32, #tpu.memory_space<vmem>>, %arg5: memref<1x512x16xi32, #tpu.memory_space<vmem>>) attributes {dimension_semantics = [#tpu.dimension_semantics<arbitrary>, #tpu.dimension_semantics<arbitrary>], iteration_bounds = array<i64: 2, 4>, scalar_prefetch = 0 : i64, scratch_operands = 0 : i64, tpu.core_type = #tpu.core_type<tc>, window_params = [{transform_indices = @transform_0, window_bounds = array<i64: 1, 64, 512>}, {transform_indices = @transform_1, window_bounds = array<i64: 4096, 80>}, {transform_indices = @transform_2, window_bounds = array<i64: 1, 1, 4096>}, {transform_indices = @transform_3, window_bounds = array<i64: 1, 512, 16>}]} {
    %get3A = arith.constant 0 : index
    %get3A_0 = arith.constant 0 : index
    %get3A_1 = arith.constant 0 : index
    %get3A_2 = vector.load %arg2[%get3A, %get3A_0, %get3A_1] : memref<1x64x512xf32, #tpu.memory_space<vmem>>, vector<1x64x512xf32>
    %get3A_3 = vector.shape_cast %get3A_2 : vector<1x64x512xf32> to vector<64x512xf32>
    %get3A_4 = arith.constant 0 : index
    %get3A_5 = arith.constant 0 : index
    %get3A_6 = vector.load %arg3[%get3A_4, %get3A_5] : memref<4096x80xf32, #tpu.memory_space<vmem>>, vector<4096x64xf32>
    %mul3A = arith.mulf %get3A_3, %get3A_3 : vector<64x512xf32>
    %reduce_sum3A = arith.constant dense<0.000000e+00> : vector<512xf32>
    %reduce_sum3A_7 = vector.multi_reduction <add>, %mul3A, %reduce_sum3A [0] : vector<64x512xf32> to vector<512xf32>
    %broadcast_in_dim3A = vector.shape_cast %reduce_sum3A_7 : vector<512xf32> to vector<512x1xf32>
    %get3A_8 = arith.constant 0 : index
    %get3A_9 = arith.constant 0 : index
    %get3A_10 = arith.constant 0 : index
    %get3A_11 = vector.load %arg4[%get3A_8, %get3A_9, %get3A_10] : memref<1x1x4096xf32, #tpu.memory_space<vmem>>, vector<1x1x4096xf32>
    %get3A_12 = vector.shape_cast %get3A_11 : vector<1x1x4096xf32> to vector<1x4096xf32>
    %add3A = vector.broadcast %broadcast_in_dim3A : vector<512x1xf32> to vector<512x4096xf32>
    %add3A_13 = vector.broadcast %get3A_12 : vector<1x4096xf32> to vector<512x4096xf32>
    %add3A_14 = arith.addf %add3A, %add3A_13 : vector<512x4096xf32>
    %dot_general3A = arith.constant dense<0.000000e+00> : vector<512x4096xf32>
    %dot_general3A_15 = tpu.matmul %get3A_3, %get3A_6, %dot_general3A {dimension_numbers = #tpu.dot_dimension_numbers<[0], [1], [1], [0], [0, 1, 1, 0], [], []>, transpose_lhs_hint = false} : vector<64x512xf32>, vector<4096x64xf32>, vector<512x4096xf32> -> vector<512x4096xf32>
    %mul3A_16 = arith.constant 2.000000e+00 : f32
    %mul3A_17 = vector.broadcast %mul3A_16 : f32 to vector<512x4096xf32>
    %mul3A_18 = arith.mulf %mul3A_17, %dot_general3A_15 : vector<512x4096xf32>
    %sub3A = arith.subf %add3A_14, %mul3A_18 : vector<512x4096xf32>
    %reshape3A = vector.shape_cast %sub3A : vector<512x4096xf32> to vector<512x32x128xf32>
    %reduce_min3A = arith.constant dense<0x7F800000> : vector<512x128xf32>
    %reduce_min3A_19 = vector.multi_reduction <minimumf>, %reshape3A, %reduce_min3A [1] : vector<512x32x128xf32> to vector<512x128xf32>
    %iota3A = tpu.iota {dimensions = array<i32: 1>} : vector<512x128xi32>
    %argmin3A = tpu.reduce_index %reduce_min3A_19 {axis = 1 : i32, kind = #tpu.reduction_kind<arg_min>} : vector<512x128xf32> -> vector<512xi32>
    %broadcast_in_dim3A_20 = vector.shape_cast %argmin3A : vector<512xi32> to vector<512x1xi32>
    %eq3A = vector.broadcast %broadcast_in_dim3A_20 : vector<512x1xi32> to vector<512x128xi32>
    %eq3A_21 = arith.cmpi eq, %iota3A, %eq3A : vector<512x128xi32>
    %jit3A = arith.constant 0x7F800000 : f32
    %broadcast_in_dim3A_22 = vector.broadcast %jit3A : f32 to vector<512x128xf32>
    %select_n3A = arith.select %eq3A_21, %broadcast_in_dim3A_22, %reduce_min3A_19 : vector<512x128xi1>, vector<512x128xf32>
    %argmin3A_23 = tpu.reduce_index %select_n3A {axis = 1 : i32, kind = #tpu.reduction_kind<arg_min>} : vector<512x128xf32> -> vector<512xi32>
    %broadcast_in_dim3A_24 = vector.shape_cast %argmin3A_23 : vector<512xi32> to vector<512x1xi32>
    %eq3A_25 = vector.broadcast %broadcast_in_dim3A_24 : vector<512x1xi32> to vector<512x128xi32>
    %eq3A_26 = arith.cmpi eq, %iota3A, %eq3A_25 : vector<512x128xi32>
    %jit3A_27 = arith.constant 0x7F800000 : f32
    %broadcast_in_dim3A_28 = vector.broadcast %jit3A_27 : f32 to vector<512x128xf32>
    %select_n3A_29 = arith.select %eq3A_26, %broadcast_in_dim3A_28, %select_n3A : vector<512x128xi1>, vector<512x128xf32>
    %argmin3A_30 = tpu.reduce_index %select_n3A_29 {axis = 1 : i32, kind = #tpu.reduction_kind<arg_min>} : vector<512x128xf32> -> vector<512xi32>
    %broadcast_in_dim3A_31 = vector.shape_cast %argmin3A_30 : vector<512xi32> to vector<512x1xi32>
    %eq3A_32 = vector.broadcast %broadcast_in_dim3A_31 : vector<512x1xi32> to vector<512x128xi32>
    %eq3A_33 = arith.cmpi eq, %iota3A, %eq3A_32 : vector<512x128xi32>
    %jit3A_34 = arith.constant 0x7F800000 : f32
    %broadcast_in_dim3A_35 = vector.broadcast %jit3A_34 : f32 to vector<512x128xf32>
    %select_n3A_36 = arith.select %eq3A_33, %broadcast_in_dim3A_35, %select_n3A_29 : vector<512x128xi1>, vector<512x128xf32>
    %argmin3A_37 = tpu.reduce_index %select_n3A_36 {axis = 1 : i32, kind = #tpu.reduction_kind<arg_min>} : vector<512x128xf32> -> vector<512xi32>
    %broadcast_in_dim3A_38 = vector.shape_cast %argmin3A_37 : vector<512xi32> to vector<512x1xi32>
    %eq3A_39 = vector.broadcast %broadcast_in_dim3A_38 : vector<512x1xi32> to vector<512x128xi32>
    %eq3A_40 = arith.cmpi eq, %iota3A, %eq3A_39 : vector<512x128xi32>
    %jit3A_41 = arith.constant 0x7F800000 : f32
    %broadcast_in_dim3A_42 = vector.broadcast %jit3A_41 : f32 to vector<512x128xf32>
    %select_n3A_43 = arith.select %eq3A_40, %broadcast_in_dim3A_42, %select_n3A_36 : vector<512x128xi1>, vector<512x128xf32>
    %argmin3A_44 = tpu.reduce_index %select_n3A_43 {axis = 1 : i32, kind = #tpu.reduction_kind<arg_min>} : vector<512x128xf32> -> vector<512xi32>
    %broadcast_in_dim3A_45 = vector.shape_cast %argmin3A_44 : vector<512xi32> to vector<512x1xi32>
    %eq3A_46 = vector.broadcast %broadcast_in_dim3A_45 : vector<512x1xi32> to vector<512x128xi32>
    %eq3A_47 = arith.cmpi eq, %iota3A, %eq3A_46 : vector<512x128xi32>
    %jit3A_48 = arith.constant 0x7F800000 : f32
    %broadcast_in_dim3A_49 = vector.broadcast %jit3A_48 : f32 to vector<512x128xf32>
    %select_n3A_50 = arith.select %eq3A_47, %broadcast_in_dim3A_49, %select_n3A_43 : vector<512x128xi1>, vector<512x128xf32>
    %argmin3A_51 = tpu.reduce_index %select_n3A_50 {axis = 1 : i32, kind = #tpu.reduction_kind<arg_min>} : vector<512x128xf32> -> vector<512xi32>
    %broadcast_in_dim3A_52 = vector.shape_cast %argmin3A_51 : vector<512xi32> to vector<512x1xi32>
    %eq3A_53 = vector.broadcast %broadcast_in_dim3A_52 : vector<512x1xi32> to vector<512x128xi32>
    %eq3A_54 = arith.cmpi eq, %iota3A, %eq3A_53 : vector<512x128xi32>
    %jit3A_55 = arith.constant 0x7F800000 : f32
    %broadcast_in_dim3A_56 = vector.broadcast %jit3A_55 : f32 to vector<512x128xf32>
    %select_n3A_57 = arith.select %eq3A_54, %broadcast_in_dim3A_56, %select_n3A_50 : vector<512x128xi1>, vector<512x128xf32>
    %argmin3A_58 = tpu.reduce_index %select_n3A_57 {axis = 1 : i32, kind = #tpu.reduction_kind<arg_min>} : vector<512x128xf32> -> vector<512xi32>
    %broadcast_in_dim3A_59 = vector.shape_cast %argmin3A_58 : vector<512xi32> to vector<512x1xi32>
    %eq3A_60 = vector.broadcast %broadcast_in_dim3A_59 : vector<512x1xi32> to vector<512x128xi32>
    %eq3A_61 = arith.cmpi eq, %iota3A, %eq3A_60 : vector<512x128xi32>
    %jit3A_62 = arith.constant 0x7F800000 : f32
    %broadcast_in_dim3A_63 = vector.broadcast %jit3A_62 : f32 to vector<512x128xf32>
    %select_n3A_64 = arith.select %eq3A_61, %broadcast_in_dim3A_63, %select_n3A_57 : vector<512x128xi1>, vector<512x128xf32>
    %argmin3A_65 = tpu.reduce_index %select_n3A_64 {axis = 1 : i32, kind = #tpu.reduction_kind<arg_min>} : vector<512x128xf32> -> vector<512xi32>
    %broadcast_in_dim3A_66 = vector.shape_cast %argmin3A_65 : vector<512xi32> to vector<512x1xi32>
    %eq3A_67 = vector.broadcast %broadcast_in_dim3A_66 : vector<512x1xi32> to vector<512x128xi32>
    %eq3A_68 = arith.cmpi eq, %iota3A, %eq3A_67 : vector<512x128xi32>
    %jit3A_69 = arith.constant 0x7F800000 : f32
    %broadcast_in_dim3A_70 = vector.broadcast %jit3A_69 : f32 to vector<512x128xf32>
    %select_n3A_71 = arith.select %eq3A_68, %broadcast_in_dim3A_70, %select_n3A_64 : vector<512x128xi1>, vector<512x128xf32>
    %argmin3A_72 = tpu.reduce_index %select_n3A_71 {axis = 1 : i32, kind = #tpu.reduction_kind<arg_min>} : vector<512x128xf32> -> vector<512xi32>
    %broadcast_in_dim3A_73 = vector.shape_cast %argmin3A_72 : vector<512xi32> to vector<512x1xi32>
    %eq3A_74 = vector.broadcast %broadcast_in_dim3A_73 : vector<512x1xi32> to vector<512x128xi32>
    %eq3A_75 = arith.cmpi eq, %iota3A, %eq3A_74 : vector<512x128xi32>
    %jit3A_76 = arith.constant 0x7F800000 : f32
    %broadcast_in_dim3A_77 = vector.broadcast %jit3A_76 : f32 to vector<512x128xf32>
    %select_n3A_78 = arith.select %eq3A_75, %broadcast_in_dim3A_77, %select_n3A_71 : vector<512x128xi1>, vector<512x128xf32>
    %argmin3A_79 = tpu.reduce_index %select_n3A_78 {axis = 1 : i32, kind = #tpu.reduction_kind<arg_min>} : vector<512x128xf32> -> vector<512xi32>
    %broadcast_in_dim3A_80 = vector.shape_cast %argmin3A_79 : vector<512xi32> to vector<512x1xi32>
    %eq3A_81 = vector.broadcast %broadcast_in_dim3A_80 : vector<512x1xi32> to vector<512x128xi32>
    %eq3A_82 = arith.cmpi eq, %iota3A, %eq3A_81 : vector<512x128xi32>
    %jit3A_83 = arith.constant 0x7F800000 : f32
    %broadcast_in_dim3A_84 = vector.broadcast %jit3A_83 : f32 to vector<512x128xf32>
    %select_n3A_85 = arith.select %eq3A_82, %broadcast_in_dim3A_84, %select_n3A_78 : vector<512x128xi1>, vector<512x128xf32>
    %argmin3A_86 = tpu.reduce_index %select_n3A_85 {axis = 1 : i32, kind = #tpu.reduction_kind<arg_min>} : vector<512x128xf32> -> vector<512xi32>
    %broadcast_in_dim3A_87 = vector.shape_cast %argmin3A_86 : vector<512xi32> to vector<512x1xi32>
    %eq3A_88 = vector.broadcast %broadcast_in_dim3A_87 : vector<512x1xi32> to vector<512x128xi32>
    %eq3A_89 = arith.cmpi eq, %iota3A, %eq3A_88 : vector<512x128xi32>
    %jit3A_90 = arith.constant 0x7F800000 : f32
    %broadcast_in_dim3A_91 = vector.broadcast %jit3A_90 : f32 to vector<512x128xf32>
    %select_n3A_92 = arith.select %eq3A_89, %broadcast_in_dim3A_91, %select_n3A_85 : vector<512x128xi1>, vector<512x128xf32>
    %argmin3A_93 = tpu.reduce_index %select_n3A_92 {axis = 1 : i32, kind = #tpu.reduction_kind<arg_min>} : vector<512x128xf32> -> vector<512xi32>
    %broadcast_in_dim3A_94 = vector.shape_cast %argmin3A_93 : vector<512xi32> to vector<512x1xi32>
    %eq3A_95 = vector.broadcast %broadcast_in_dim3A_94 : vector<512x1xi32> to vector<512x128xi32>
    %eq3A_96 = arith.cmpi eq, %iota3A, %eq3A_95 : vector<512x128xi32>
    %jit3A_97 = arith.constant 0x7F800000 : f32
    %broadcast_in_dim3A_98 = vector.broadcast %jit3A_97 : f32 to vector<512x128xf32>
    %select_n3A_99 = arith.select %eq3A_96, %broadcast_in_dim3A_98, %select_n3A_92 : vector<512x128xi1>, vector<512x128xf32>
    %argmin3A_100 = tpu.reduce_index %select_n3A_99 {axis = 1 : i32, kind = #tpu.reduction_kind<arg_min>} : vector<512x128xf32> -> vector<512xi32>
    %broadcast_in_dim3A_101 = vector.shape_cast %argmin3A_100 : vector<512xi32> to vector<512x1xi32>
    %eq3A_102 = vector.broadcast %broadcast_in_dim3A_101 : vector<512x1xi32> to vector<512x128xi32>
    %eq3A_103 = arith.cmpi eq, %iota3A, %eq3A_102 : vector<512x128xi32>
    %jit3A_104 = arith.constant 0x7F800000 : f32
    %broadcast_in_dim3A_105 = vector.broadcast %jit3A_104 : f32 to vector<512x128xf32>
    %select_n3A_106 = arith.select %eq3A_103, %broadcast_in_dim3A_105, %select_n3A_99 : vector<512x128xi1>, vector<512x128xf32>
    %argmin3A_107 = tpu.reduce_index %select_n3A_106 {axis = 1 : i32, kind = #tpu.reduction_kind<arg_min>} : vector<512x128xf32> -> vector<512xi32>
    %broadcast_in_dim3A_108 = vector.shape_cast %argmin3A_107 : vector<512xi32> to vector<512x1xi32>
    %eq3A_109 = vector.broadcast %broadcast_in_dim3A_108 : vector<512x1xi32> to vector<512x128xi32>
    %eq3A_110 = arith.cmpi eq, %iota3A, %eq3A_109 : vector<512x128xi32>
    %jit3A_111 = arith.constant 0x7F800000 : f32
    %broadcast_in_dim3A_112 = vector.broadcast %jit3A_111 : f32 to vector<512x128xf32>
    %select_n3A_113 = arith.select %eq3A_110, %broadcast_in_dim3A_112, %select_n3A_106 : vector<512x128xi1>, vector<512x128xf32>
    %argmin3A_114 = tpu.reduce_index %select_n3A_113 {axis = 1 : i32, kind = #tpu.reduction_kind<arg_min>} : vector<512x128xf32> -> vector<512xi32>
    %broadcast_in_dim3A_115 = vector.shape_cast %argmin3A_114 : vector<512xi32> to vector<512x1xi32>
    %eq3A_116 = vector.broadcast %broadcast_in_dim3A_115 : vector<512x1xi32> to vector<512x128xi32>
    %eq3A_117 = arith.cmpi eq, %iota3A, %eq3A_116 : vector<512x128xi32>
    %jit3A_118 = arith.constant 0x7F800000 : f32
    %broadcast_in_dim3A_119 = vector.broadcast %jit3A_118 : f32 to vector<512x128xf32>
    %select_n3A_120 = arith.select %eq3A_117, %broadcast_in_dim3A_119, %select_n3A_113 : vector<512x128xi1>, vector<512x128xf32>
    %argmin3A_121 = tpu.reduce_index %select_n3A_120 {axis = 1 : i32, kind = #tpu.reduction_kind<arg_min>} : vector<512x128xf32> -> vector<512xi32>
    %broadcast_in_dim3A_122 = vector.shape_cast %argmin3A_121 : vector<512xi32> to vector<512x1xi32>
    %concatenate3A = tpu.concatenate %broadcast_in_dim3A_20, %broadcast_in_dim3A_24, %broadcast_in_dim3A_31, %broadcast_in_dim3A_38, %broadcast_in_dim3A_45, %broadcast_in_dim3A_52, %broadcast_in_dim3A_59, %broadcast_in_dim3A_66, %broadcast_in_dim3A_73, %broadcast_in_dim3A_80, %broadcast_in_dim3A_87, %broadcast_in_dim3A_94, %broadcast_in_dim3A_101, %broadcast_in_dim3A_108, %broadcast_in_dim3A_115, %broadcast_in_dim3A_122 in 1 : vector<512x1xi32>, vector<512x1xi32>, vector<512x1xi32>, vector<512x1xi32>, vector<512x1xi32>, vector<512x1xi32>, vector<512x1xi32>, vector<512x1xi32>, vector<512x1xi32>, vector<512x1xi32>, vector<512x1xi32>, vector<512x1xi32>, vector<512x1xi32>, vector<512x1xi32>, vector<512x1xi32>, vector<512x1xi32> -> vector<512x16xi32>
    %slice3A = vector.extract_strided_slice %sub3A {offsets = [0, 0], sizes = [512, 128], strides = [1, 1]} : vector<512x4096xf32> to vector<512x128xf32>
    %lt3A = arith.constant 0 : i32
    %lt3A_123 = vector.broadcast %lt3A : i32 to vector<512x16xi32>
    %lt3A_124 = arith.cmpi slt, %concatenate3A, %lt3A_123 : vector<512x16xi32>
    %add3A_125 = arith.constant 128 : i32
    %add3A_126 = vector.broadcast %add3A_125 : i32 to vector<512x16xi32>
    %add3A_127 = arith.addi %concatenate3A, %add3A_126 : vector<512x16xi32>
    %select_n3A_128 = arith.select %lt3A_124, %add3A_127, %concatenate3A : vector<512x16xi1>, vector<512x16xi32>
    %reshape3A_129 = vector.shape_cast %select_n3A_128 : vector<512x16xi32> to vector<512x16x1xi32>
    %gather3A = vector.shape_cast %reshape3A_129 : vector<512x16x1xi32> to vector<512x16xi32>
    %gather3A_130 = tpu.dynamic_gather %slice3A[%gather3A] in [1] : vector<512x128xf32>, vector<512x16xi32> -> vector<512x16xf32>
    %add3A_131 = arith.constant 0 : i32
    %add3A_132 = vector.broadcast %add3A_131 : i32 to vector<512x16xi32>
    %add3A_133 = arith.addi %concatenate3A, %add3A_132 : vector<512x16xi32>
    %slice3A_134 = vector.extract_strided_slice %sub3A {offsets = [0, 128], sizes = [512, 128], strides = [1, 1]} : vector<512x4096xf32> to vector<512x128xf32>
    %lt3A_135 = arith.constant 0 : i32
    %lt3A_136 = vector.broadcast %lt3A_135 : i32 to vector<512x16xi32>
    %lt3A_137 = arith.cmpi slt, %concatenate3A, %lt3A_136 : vector<512x16xi32>
    %add3A_138 = arith.constant 128 : i32
    %add3A_139 = vector.broadcast %add3A_138 : i32 to vector<512x16xi32>
    %add3A_140 = arith.addi %concatenate3A, %add3A_139 : vector<512x16xi32>
    %select_n3A_141 = arith.select %lt3A_137, %add3A_140, %concatenate3A : vector<512x16xi1>, vector<512x16xi32>
    %reshape3A_142 = vector.shape_cast %select_n3A_141 : vector<512x16xi32> to vector<512x16x1xi32>
    %gather3A_143 = vector.shape_cast %reshape3A_142 : vector<512x16x1xi32> to vector<512x16xi32>
    %gather3A_144 = tpu.dynamic_gather %slice3A_134[%gather3A_143] in [1] : vector<512x128xf32>, vector<512x16xi32> -> vector<512x16xf32>
    %add3A_145 = arith.constant 128 : i32
    %add3A_146 = vector.broadcast %add3A_145 : i32 to vector<512x16xi32>
    %add3A_147 = arith.addi %concatenate3A, %add3A_146 : vector<512x16xi32>
    %slice3A_148 = vector.extract_strided_slice %sub3A {offsets = [0, 256], sizes = [512, 128], strides = [1, 1]} : vector<512x4096xf32> to vector<512x128xf32>
    %lt3A_149 = arith.constant 0 : i32
    %lt3A_150 = vector.broadcast %lt3A_149 : i32 to vector<512x16xi32>
    %lt3A_151 = arith.cmpi slt, %concatenate3A, %lt3A_150 : vector<512x16xi32>
    %add3A_152 = arith.constant 128 : i32
    %add3A_153 = vector.broadcast %add3A_152 : i32 to vector<512x16xi32>
    %add3A_154 = arith.addi %concatenate3A, %add3A_153 : vector<512x16xi32>
    %select_n3A_155 = arith.select %lt3A_151, %add3A_154, %concatenate3A : vector<512x16xi1>, vector<512x16xi32>
    %reshape3A_156 = vector.shape_cast %select_n3A_155 : vector<512x16xi32> to vector<512x16x1xi32>
    %gather3A_157 = vector.shape_cast %reshape3A_156 : vector<512x16x1xi32> to vector<512x16xi32>
    %gather3A_158 = tpu.dynamic_gather %slice3A_148[%gather3A_157] in [1] : vector<512x128xf32>, vector<512x16xi32> -> vector<512x16xf32>
    %add3A_159 = arith.constant 256 : i32
    %add3A_160 = vector.broadcast %add3A_159 : i32 to vector<512x16xi32>
    %add3A_161 = arith.addi %concatenate3A, %add3A_160 : vector<512x16xi32>
    %slice3A_162 = vector.extract_strided_slice %sub3A {offsets = [0, 384], sizes = [512, 128], strides = [1, 1]} : vector<512x4096xf32> to vector<512x128xf32>
    %lt3A_163 = arith.constant 0 : i32
    %lt3A_164 = vector.broadcast %lt3A_163 : i32 to vector<512x16xi32>
    %lt3A_165 = arith.cmpi slt, %concatenate3A, %lt3A_164 : vector<512x16xi32>
    %add3A_166 = arith.constant 128 : i32
    %add3A_167 = vector.broadcast %add3A_166 : i32 to vector<512x16xi32>
    %add3A_168 = arith.addi %concatenate3A, %add3A_167 : vector<512x16xi32>
    %select_n3A_169 = arith.select %lt3A_165, %add3A_168, %concatenate3A : vector<512x16xi1>, vector<512x16xi32>
    %reshape3A_170 = vector.shape_cast %select_n3A_169 : vector<512x16xi32> to vector<512x16x1xi32>
    %gather3A_171 = vector.shape_cast %reshape3A_170 : vector<512x16x1xi32> to vector<512x16xi32>
    %gather3A_172 = tpu.dynamic_gather %slice3A_162[%gather3A_171] in [1] : vector<512x128xf32>, vector<512x16xi32> -> vector<512x16xf32>
    %add3A_173 = arith.constant 384 : i32
    %add3A_174 = vector.broadcast %add3A_173 : i32 to vector<512x16xi32>
    %add3A_175 = arith.addi %concatenate3A, %add3A_174 : vector<512x16xi32>
    %slice3A_176 = vector.extract_strided_slice %sub3A {offsets = [0, 512], sizes = [512, 128], strides = [1, 1]} : vector<512x4096xf32> to vector<512x128xf32>
    %lt3A_177 = arith.constant 0 : i32
    %lt3A_178 = vector.broadcast %lt3A_177 : i32 to vector<512x16xi32>
    %lt3A_179 = arith.cmpi slt, %concatenate3A, %lt3A_178 : vector<512x16xi32>
    %add3A_180 = arith.constant 128 : i32
    %add3A_181 = vector.broadcast %add3A_180 : i32 to vector<512x16xi32>
    %add3A_182 = arith.addi %concatenate3A, %add3A_181 : vector<512x16xi32>
    %select_n3A_183 = arith.select %lt3A_179, %add3A_182, %concatenate3A : vector<512x16xi1>, vector<512x16xi32>
    %reshape3A_184 = vector.shape_cast %select_n3A_183 : vector<512x16xi32> to vector<512x16x1xi32>
    %gather3A_185 = vector.shape_cast %reshape3A_184 : vector<512x16x1xi32> to vector<512x16xi32>
    %gather3A_186 = tpu.dynamic_gather %slice3A_176[%gather3A_185] in [1] : vector<512x128xf32>, vector<512x16xi32> -> vector<512x16xf32>
    %add3A_187 = arith.constant 512 : i32
    %add3A_188 = vector.broadcast %add3A_187 : i32 to vector<512x16xi32>
    %add3A_189 = arith.addi %concatenate3A, %add3A_188 : vector<512x16xi32>
    %slice3A_190 = vector.extract_strided_slice %sub3A {offsets = [0, 640], sizes = [512, 128], strides = [1, 1]} : vector<512x4096xf32> to vector<512x128xf32>
    %lt3A_191 = arith.constant 0 : i32
    %lt3A_192 = vector.broadcast %lt3A_191 : i32 to vector<512x16xi32>
    %lt3A_193 = arith.cmpi slt, %concatenate3A, %lt3A_192 : vector<512x16xi32>
    %add3A_194 = arith.constant 128 : i32
    %add3A_195 = vector.broadcast %add3A_194 : i32 to vector<512x16xi32>
    %add3A_196 = arith.addi %concatenate3A, %add3A_195 : vector<512x16xi32>
    %select_n3A_197 = arith.select %lt3A_193, %add3A_196, %concatenate3A : vector<512x16xi1>, vector<512x16xi32>
    %reshape3A_198 = vector.shape_cast %select_n3A_197 : vector<512x16xi32> to vector<512x16x1xi32>
    %gather3A_199 = vector.shape_cast %reshape3A_198 : vector<512x16x1xi32> to vector<512x16xi32>
    %gather3A_200 = tpu.dynamic_gather %slice3A_190[%gather3A_199] in [1] : vector<512x128xf32>, vector<512x16xi32> -> vector<512x16xf32>
    %add3A_201 = arith.constant 640 : i32
    %add3A_202 = vector.broadcast %add3A_201 : i32 to vector<512x16xi32>
    %add3A_203 = arith.addi %concatenate3A, %add3A_202 : vector<512x16xi32>
    %slice3A_204 = vector.extract_strided_slice %sub3A {offsets = [0, 768], sizes = [512, 128], strides = [1, 1]} : vector<512x4096xf32> to vector<512x128xf32>
    %lt3A_205 = arith.constant 0 : i32
    %lt3A_206 = vector.broadcast %lt3A_205 : i32 to vector<512x16xi32>
    %lt3A_207 = arith.cmpi slt, %concatenate3A, %lt3A_206 : vector<512x16xi32>
    %add3A_208 = arith.constant 128 : i32
    %add3A_209 = vector.broadcast %add3A_208 : i32 to vector<512x16xi32>
    %add3A_210 = arith.addi %concatenate3A, %add3A_209 : vector<512x16xi32>
    %select_n3A_211 = arith.select %lt3A_207, %add3A_210, %concatenate3A : vector<512x16xi1>, vector<512x16xi32>
    %reshape3A_212 = vector.shape_cast %select_n3A_211 : vector<512x16xi32> to vector<512x16x1xi32>
    %gather3A_213 = vector.shape_cast %reshape3A_212 : vector<512x16x1xi32> to vector<512x16xi32>
    %gather3A_214 = tpu.dynamic_gather %slice3A_204[%gather3A_213] in [1] : vector<512x128xf32>, vector<512x16xi32> -> vector<512x16xf32>
    %add3A_215 = arith.constant 768 : i32
    %add3A_216 = vector.broadcast %add3A_215 : i32 to vector<512x16xi32>
    %add3A_217 = arith.addi %concatenate3A, %add3A_216 : vector<512x16xi32>
    %slice3A_218 = vector.extract_strided_slice %sub3A {offsets = [0, 896], sizes = [512, 128], strides = [1, 1]} : vector<512x4096xf32> to vector<512x128xf32>
    %lt3A_219 = arith.constant 0 : i32
    %lt3A_220 = vector.broadcast %lt3A_219 : i32 to vector<512x16xi32>
    %lt3A_221 = arith.cmpi slt, %concatenate3A, %lt3A_220 : vector<512x16xi32>
    %add3A_222 = arith.constant 128 : i32
    %add3A_223 = vector.broadcast %add3A_222 : i32 to vector<512x16xi32>
    %add3A_224 = arith.addi %concatenate3A, %add3A_223 : vector<512x16xi32>
    %select_n3A_225 = arith.select %lt3A_221, %add3A_224, %concatenate3A : vector<512x16xi1>, vector<512x16xi32>
    %reshape3A_226 = vector.shape_cast %select_n3A_225 : vector<512x16xi32> to vector<512x16x1xi32>
    %gather3A_227 = vector.shape_cast %reshape3A_226 : vector<512x16x1xi32> to vector<512x16xi32>
    %gather3A_228 = tpu.dynamic_gather %slice3A_218[%gather3A_227] in [1] : vector<512x128xf32>, vector<512x16xi32> -> vector<512x16xf32>
    %add3A_229 = arith.constant 896 : i32
    %add3A_230 = vector.broadcast %add3A_229 : i32 to vector<512x16xi32>
    %add3A_231 = arith.addi %concatenate3A, %add3A_230 : vector<512x16xi32>
    %slice3A_232 = vector.extract_strided_slice %sub3A {offsets = [0, 1024], sizes = [512, 128], strides = [1, 1]} : vector<512x4096xf32> to vector<512x128xf32>
    %lt3A_233 = arith.constant 0 : i32
    %lt3A_234 = vector.broadcast %lt3A_233 : i32 to vector<512x16xi32>
    %lt3A_235 = arith.cmpi slt, %concatenate3A, %lt3A_234 : vector<512x16xi32>
    %add3A_236 = arith.constant 128 : i32
    %add3A_237 = vector.broadcast %add3A_236 : i32 to vector<512x16xi32>
    %add3A_238 = arith.addi %concatenate3A, %add3A_237 : vector<512x16xi32>
    %select_n3A_239 = arith.select %lt3A_235, %add3A_238, %concatenate3A : vector<512x16xi1>, vector<512x16xi32>
    %reshape3A_240 = vector.shape_cast %select_n3A_239 : vector<512x16xi32> to vector<512x16x1xi32>
    %gather3A_241 = vector.shape_cast %reshape3A_240 : vector<512x16x1xi32> to vector<512x16xi32>
    %gather3A_242 = tpu.dynamic_gather %slice3A_232[%gather3A_241] in [1] : vector<512x128xf32>, vector<512x16xi32> -> vector<512x16xf32>
    %add3A_243 = arith.constant 1024 : i32
    %add3A_244 = vector.broadcast %add3A_243 : i32 to vector<512x16xi32>
    %add3A_245 = arith.addi %concatenate3A, %add3A_244 : vector<512x16xi32>
    %slice3A_246 = vector.extract_strided_slice %sub3A {offsets = [0, 1152], sizes = [512, 128], strides = [1, 1]} : vector<512x4096xf32> to vector<512x128xf32>
    %lt3A_247 = arith.constant 0 : i32
    %lt3A_248 = vector.broadcast %lt3A_247 : i32 to vector<512x16xi32>
    %lt3A_249 = arith.cmpi slt, %concatenate3A, %lt3A_248 : vector<512x16xi32>
    %add3A_250 = arith.constant 128 : i32
    %add3A_251 = vector.broadcast %add3A_250 : i32 to vector<512x16xi32>
    %add3A_252 = arith.addi %concatenate3A, %add3A_251 : vector<512x16xi32>
    %select_n3A_253 = arith.select %lt3A_249, %add3A_252, %concatenate3A : vector<512x16xi1>, vector<512x16xi32>
    %reshape3A_254 = vector.shape_cast %select_n3A_253 : vector<512x16xi32> to vector<512x16x1xi32>
    %gather3A_255 = vector.shape_cast %reshape3A_254 : vector<512x16x1xi32> to vector<512x16xi32>
    %gather3A_256 = tpu.dynamic_gather %slice3A_246[%gather3A_255] in [1] : vector<512x128xf32>, vector<512x16xi32> -> vector<512x16xf32>
    %add3A_257 = arith.constant 1152 : i32
    %add3A_258 = vector.broadcast %add3A_257 : i32 to vector<512x16xi32>
    %add3A_259 = arith.addi %concatenate3A, %add3A_258 : vector<512x16xi32>
    %slice3A_260 = vector.extract_strided_slice %sub3A {offsets = [0, 1280], sizes = [512, 128], strides = [1, 1]} : vector<512x4096xf32> to vector<512x128xf32>
    %lt3A_261 = arith.constant 0 : i32
    %lt3A_262 = vector.broadcast %lt3A_261 : i32 to vector<512x16xi32>
    %lt3A_263 = arith.cmpi slt, %concatenate3A, %lt3A_262 : vector<512x16xi32>
    %add3A_264 = arith.constant 128 : i32
    %add3A_265 = vector.broadcast %add3A_264 : i32 to vector<512x16xi32>
    %add3A_266 = arith.addi %concatenate3A, %add3A_265 : vector<512x16xi32>
    %select_n3A_267 = arith.select %lt3A_263, %add3A_266, %concatenate3A : vector<512x16xi1>, vector<512x16xi32>
    %reshape3A_268 = vector.shape_cast %select_n3A_267 : vector<512x16xi32> to vector<512x16x1xi32>
    %gather3A_269 = vector.shape_cast %reshape3A_268 : vector<512x16x1xi32> to vector<512x16xi32>
    %gather3A_270 = tpu.dynamic_gather %slice3A_260[%gather3A_269] in [1] : vector<512x128xf32>, vector<512x16xi32> -> vector<512x16xf32>
    %add3A_271 = arith.constant 1280 : i32
    %add3A_272 = vector.broadcast %add3A_271 : i32 to vector<512x16xi32>
    %add3A_273 = arith.addi %concatenate3A, %add3A_272 : vector<512x16xi32>
    %slice3A_274 = vector.extract_strided_slice %sub3A {offsets = [0, 1408], sizes = [512, 128], strides = [1, 1]} : vector<512x4096xf32> to vector<512x128xf32>
    %lt3A_275 = arith.constant 0 : i32
    %lt3A_276 = vector.broadcast %lt3A_275 : i32 to vector<512x16xi32>
    %lt3A_277 = arith.cmpi slt, %concatenate3A, %lt3A_276 : vector<512x16xi32>
    %add3A_278 = arith.constant 128 : i32
    %add3A_279 = vector.broadcast %add3A_278 : i32 to vector<512x16xi32>
    %add3A_280 = arith.addi %concatenate3A, %add3A_279 : vector<512x16xi32>
    %select_n3A_281 = arith.select %lt3A_277, %add3A_280, %concatenate3A : vector<512x16xi1>, vector<512x16xi32>
    %reshape3A_282 = vector.shape_cast %select_n3A_281 : vector<512x16xi32> to vector<512x16x1xi32>
    %gather3A_283 = vector.shape_cast %reshape3A_282 : vector<512x16x1xi32> to vector<512x16xi32>
    %gather3A_284 = tpu.dynamic_gather %slice3A_274[%gather3A_283] in [1] : vector<512x128xf32>, vector<512x16xi32> -> vector<512x16xf32>
    %add3A_285 = arith.constant 1408 : i32
    %add3A_286 = vector.broadcast %add3A_285 : i32 to vector<512x16xi32>
    %add3A_287 = arith.addi %concatenate3A, %add3A_286 : vector<512x16xi32>
    %slice3A_288 = vector.extract_strided_slice %sub3A {offsets = [0, 1536], sizes = [512, 128], strides = [1, 1]} : vector<512x4096xf32> to vector<512x128xf32>
    %lt3A_289 = arith.constant 0 : i32
    %lt3A_290 = vector.broadcast %lt3A_289 : i32 to vector<512x16xi32>
    %lt3A_291 = arith.cmpi slt, %concatenate3A, %lt3A_290 : vector<512x16xi32>
    %add3A_292 = arith.constant 128 : i32
    %add3A_293 = vector.broadcast %add3A_292 : i32 to vector<512x16xi32>
    %add3A_294 = arith.addi %concatenate3A, %add3A_293 : vector<512x16xi32>
    %select_n3A_295 = arith.select %lt3A_291, %add3A_294, %concatenate3A : vector<512x16xi1>, vector<512x16xi32>
    %reshape3A_296 = vector.shape_cast %select_n3A_295 : vector<512x16xi32> to vector<512x16x1xi32>
    %gather3A_297 = vector.shape_cast %reshape3A_296 : vector<512x16x1xi32> to vector<512x16xi32>
    %gather3A_298 = tpu.dynamic_gather %slice3A_288[%gather3A_297] in [1] : vector<512x128xf32>, vector<512x16xi32> -> vector<512x16xf32>
    %add3A_299 = arith.constant 1536 : i32
    %add3A_300 = vector.broadcast %add3A_299 : i32 to vector<512x16xi32>
    %add3A_301 = arith.addi %concatenate3A, %add3A_300 : vector<512x16xi32>
    %slice3A_302 = vector.extract_strided_slice %sub3A {offsets = [0, 1664], sizes = [512, 128], strides = [1, 1]} : vector<512x4096xf32> to vector<512x128xf32>
    %lt3A_303 = arith.constant 0 : i32
    %lt3A_304 = vector.broadcast %lt3A_303 : i32 to vector<512x16xi32>
    %lt3A_305 = arith.cmpi slt, %concatenate3A, %lt3A_304 : vector<512x16xi32>
    %add3A_306 = arith.constant 128 : i32
    %add3A_307 = vector.broadcast %add3A_306 : i32 to vector<512x16xi32>
    %add3A_308 = arith.addi %concatenate3A, %add3A_307 : vector<512x16xi32>
    %select_n3A_309 = arith.select %lt3A_305, %add3A_308, %concatenate3A : vector<512x16xi1>, vector<512x16xi32>
    %reshape3A_310 = vector.shape_cast %select_n3A_309 : vector<512x16xi32> to vector<512x16x1xi32>
    %gather3A_311 = vector.shape_cast %reshape3A_310 : vector<512x16x1xi32> to vector<512x16xi32>
    %gather3A_312 = tpu.dynamic_gather %slice3A_302[%gather3A_311] in [1] : vector<512x128xf32>, vector<512x16xi32> -> vector<512x16xf32>
    %add3A_313 = arith.constant 1664 : i32
    %add3A_314 = vector.broadcast %add3A_313 : i32 to vector<512x16xi32>
    %add3A_315 = arith.addi %concatenate3A, %add3A_314 : vector<512x16xi32>
    %slice3A_316 = vector.extract_strided_slice %sub3A {offsets = [0, 1792], sizes = [512, 128], strides = [1, 1]} : vector<512x4096xf32> to vector<512x128xf32>
    %lt3A_317 = arith.constant 0 : i32
    %lt3A_318 = vector.broadcast %lt3A_317 : i32 to vector<512x16xi32>
    %lt3A_319 = arith.cmpi slt, %concatenate3A, %lt3A_318 : vector<512x16xi32>
    %add3A_320 = arith.constant 128 : i32
    %add3A_321 = vector.broadcast %add3A_320 : i32 to vector<512x16xi32>
    %add3A_322 = arith.addi %concatenate3A, %add3A_321 : vector<512x16xi32>
    %select_n3A_323 = arith.select %lt3A_319, %add3A_322, %concatenate3A : vector<512x16xi1>, vector<512x16xi32>
    %reshape3A_324 = vector.shape_cast %select_n3A_323 : vector<512x16xi32> to vector<512x16x1xi32>
    %gather3A_325 = vector.shape_cast %reshape3A_324 : vector<512x16x1xi32> to vector<512x16xi32>
    %gather3A_326 = tpu.dynamic_gather %slice3A_316[%gather3A_325] in [1] : vector<512x128xf32>, vector<512x16xi32> -> vector<512x16xf32>
    %add3A_327 = arith.constant 1792 : i32
    %add3A_328 = vector.broadcast %add3A_327 : i32 to vector<512x16xi32>
    %add3A_329 = arith.addi %concatenate3A, %add3A_328 : vector<512x16xi32>
    %slice3A_330 = vector.extract_strided_slice %sub3A {offsets = [0, 1920], sizes = [512, 128], strides = [1, 1]} : vector<512x4096xf32> to vector<512x128xf32>
    %lt3A_331 = arith.constant 0 : i32
    %lt3A_332 = vector.broadcast %lt3A_331 : i32 to vector<512x16xi32>
    %lt3A_333 = arith.cmpi slt, %concatenate3A, %lt3A_332 : vector<512x16xi32>
    %add3A_334 = arith.constant 128 : i32
    %add3A_335 = vector.broadcast %add3A_334 : i32 to vector<512x16xi32>
    %add3A_336 = arith.addi %concatenate3A, %add3A_335 : vector<512x16xi32>
    %select_n3A_337 = arith.select %lt3A_333, %add3A_336, %concatenate3A : vector<512x16xi1>, vector<512x16xi32>
    %reshape3A_338 = vector.shape_cast %select_n3A_337 : vector<512x16xi32> to vector<512x16x1xi32>
    %gather3A_339 = vector.shape_cast %reshape3A_338 : vector<512x16x1xi32> to vector<512x16xi32>
    %gather3A_340 = tpu.dynamic_gather %slice3A_330[%gather3A_339] in [1] : vector<512x128xf32>, vector<512x16xi32> -> vector<512x16xf32>
    %add3A_341 = arith.constant 1920 : i32
    %add3A_342 = vector.broadcast %add3A_341 : i32 to vector<512x16xi32>
    %add3A_343 = arith.addi %concatenate3A, %add3A_342 : vector<512x16xi32>
    %slice3A_344 = vector.extract_strided_slice %sub3A {offsets = [0, 2048], sizes = [512, 128], strides = [1, 1]} : vector<512x4096xf32> to vector<512x128xf32>
    %lt3A_345 = arith.constant 0 : i32
    %lt3A_346 = vector.broadcast %lt3A_345 : i32 to vector<512x16xi32>
    %lt3A_347 = arith.cmpi slt, %concatenate3A, %lt3A_346 : vector<512x16xi32>
    %add3A_348 = arith.constant 128 : i32
    %add3A_349 = vector.broadcast %add3A_348 : i32 to vector<512x16xi32>
    %add3A_350 = arith.addi %concatenate3A, %add3A_349 : vector<512x16xi32>
    %select_n3A_351 = arith.select %lt3A_347, %add3A_350, %concatenate3A : vector<512x16xi1>, vector<512x16xi32>
    %reshape3A_352 = vector.shape_cast %select_n3A_351 : vector<512x16xi32> to vector<512x16x1xi32>
    %gather3A_353 = vector.shape_cast %reshape3A_352 : vector<512x16x1xi32> to vector<512x16xi32>
    %gather3A_354 = tpu.dynamic_gather %slice3A_344[%gather3A_353] in [1] : vector<512x128xf32>, vector<512x16xi32> -> vector<512x16xf32>
    %add3A_355 = arith.constant 2048 : i32
    %add3A_356 = vector.broadcast %add3A_355 : i32 to vector<512x16xi32>
    %add3A_357 = arith.addi %concatenate3A, %add3A_356 : vector<512x16xi32>
    %slice3A_358 = vector.extract_strided_slice %sub3A {offsets = [0, 2176], sizes = [512, 128], strides = [1, 1]} : vector<512x4096xf32> to vector<512x128xf32>
    %lt3A_359 = arith.constant 0 : i32
    %lt3A_360 = vector.broadcast %lt3A_359 : i32 to vector<512x16xi32>
    %lt3A_361 = arith.cmpi slt, %concatenate3A, %lt3A_360 : vector<512x16xi32>
    %add3A_362 = arith.constant 128 : i32
    %add3A_363 = vector.broadcast %add3A_362 : i32 to vector<512x16xi32>
    %add3A_364 = arith.addi %concatenate3A, %add3A_363 : vector<512x16xi32>
    %select_n3A_365 = arith.select %lt3A_361, %add3A_364, %concatenate3A : vector<512x16xi1>, vector<512x16xi32>
    %reshape3A_366 = vector.shape_cast %select_n3A_365 : vector<512x16xi32> to vector<512x16x1xi32>
    %gather3A_367 = vector.shape_cast %reshape3A_366 : vector<512x16x1xi32> to vector<512x16xi32>
    %gather3A_368 = tpu.dynamic_gather %slice3A_358[%gather3A_367] in [1] : vector<512x128xf32>, vector<512x16xi32> -> vector<512x16xf32>
    %add3A_369 = arith.constant 2176 : i32
    %add3A_370 = vector.broadcast %add3A_369 : i32 to vector<512x16xi32>
    %add3A_371 = arith.addi %concatenate3A, %add3A_370 : vector<512x16xi32>
    %slice3A_372 = vector.extract_strided_slice %sub3A {offsets = [0, 2304], sizes = [512, 128], strides = [1, 1]} : vector<512x4096xf32> to vector<512x128xf32>
    %lt3A_373 = arith.constant 0 : i32
    %lt3A_374 = vector.broadcast %lt3A_373 : i32 to vector<512x16xi32>
    %lt3A_375 = arith.cmpi slt, %concatenate3A, %lt3A_374 : vector<512x16xi32>
    %add3A_376 = arith.constant 128 : i32
    %add3A_377 = vector.broadcast %add3A_376 : i32 to vector<512x16xi32>
    %add3A_378 = arith.addi %concatenate3A, %add3A_377 : vector<512x16xi32>
    %select_n3A_379 = arith.select %lt3A_375, %add3A_378, %concatenate3A : vector<512x16xi1>, vector<512x16xi32>
    %reshape3A_380 = vector.shape_cast %select_n3A_379 : vector<512x16xi32> to vector<512x16x1xi32>
    %gather3A_381 = vector.shape_cast %reshape3A_380 : vector<512x16x1xi32> to vector<512x16xi32>
    %gather3A_382 = tpu.dynamic_gather %slice3A_372[%gather3A_381] in [1] : vector<512x128xf32>, vector<512x16xi32> -> vector<512x16xf32>
    %add3A_383 = arith.constant 2304 : i32
    %add3A_384 = vector.broadcast %add3A_383 : i32 to vector<512x16xi32>
    %add3A_385 = arith.addi %concatenate3A, %add3A_384 : vector<512x16xi32>
    %slice3A_386 = vector.extract_strided_slice %sub3A {offsets = [0, 2432], sizes = [512, 128], strides = [1, 1]} : vector<512x4096xf32> to vector<512x128xf32>
    %lt3A_387 = arith.constant 0 : i32
    %lt3A_388 = vector.broadcast %lt3A_387 : i32 to vector<512x16xi32>
    %lt3A_389 = arith.cmpi slt, %concatenate3A, %lt3A_388 : vector<512x16xi32>
    %add3A_390 = arith.constant 128 : i32
    %add3A_391 = vector.broadcast %add3A_390 : i32 to vector<512x16xi32>
    %add3A_392 = arith.addi %concatenate3A, %add3A_391 : vector<512x16xi32>
    %select_n3A_393 = arith.select %lt3A_389, %add3A_392, %concatenate3A : vector<512x16xi1>, vector<512x16xi32>
    %reshape3A_394 = vector.shape_cast %select_n3A_393 : vector<512x16xi32> to vector<512x16x1xi32>
    %gather3A_395 = vector.shape_cast %reshape3A_394 : vector<512x16x1xi32> to vector<512x16xi32>
    %gather3A_396 = tpu.dynamic_gather %slice3A_386[%gather3A_395] in [1] : vector<512x128xf32>, vector<512x16xi32> -> vector<512x16xf32>
    %add3A_397 = arith.constant 2432 : i32
    %add3A_398 = vector.broadcast %add3A_397 : i32 to vector<512x16xi32>
    %add3A_399 = arith.addi %concatenate3A, %add3A_398 : vector<512x16xi32>
    %slice3A_400 = vector.extract_strided_slice %sub3A {offsets = [0, 2560], sizes = [512, 128], strides = [1, 1]} : vector<512x4096xf32> to vector<512x128xf32>
    %lt3A_401 = arith.constant 0 : i32
    %lt3A_402 = vector.broadcast %lt3A_401 : i32 to vector<512x16xi32>
    %lt3A_403 = arith.cmpi slt, %concatenate3A, %lt3A_402 : vector<512x16xi32>
    %add3A_404 = arith.constant 128 : i32
    %add3A_405 = vector.broadcast %add3A_404 : i32 to vector<512x16xi32>
    %add3A_406 = arith.addi %concatenate3A, %add3A_405 : vector<512x16xi32>
    %select_n3A_407 = arith.select %lt3A_403, %add3A_406, %concatenate3A : vector<512x16xi1>, vector<512x16xi32>
    %reshape3A_408 = vector.shape_cast %select_n3A_407 : vector<512x16xi32> to vector<512x16x1xi32>
    %gather3A_409 = vector.shape_cast %reshape3A_408 : vector<512x16x1xi32> to vector<512x16xi32>
    %gather3A_410 = tpu.dynamic_gather %slice3A_400[%gather3A_409] in [1] : vector<512x128xf32>, vector<512x16xi32> -> vector<512x16xf32>
    %add3A_411 = arith.constant 2560 : i32
    %add3A_412 = vector.broadcast %add3A_411 : i32 to vector<512x16xi32>
    %add3A_413 = arith.addi %concatenate3A, %add3A_412 : vector<512x16xi32>
    %slice3A_414 = vector.extract_strided_slice %sub3A {offsets = [0, 2688], sizes = [512, 128], strides = [1, 1]} : vector<512x4096xf32> to vector<512x128xf32>
    %lt3A_415 = arith.constant 0 : i32
    %lt3A_416 = vector.broadcast %lt3A_415 : i32 to vector<512x16xi32>
    %lt3A_417 = arith.cmpi slt, %concatenate3A, %lt3A_416 : vector<512x16xi32>
    %add3A_418 = arith.constant 128 : i32
    %add3A_419 = vector.broadcast %add3A_418 : i32 to vector<512x16xi32>
    %add3A_420 = arith.addi %concatenate3A, %add3A_419 : vector<512x16xi32>
    %select_n3A_421 = arith.select %lt3A_417, %add3A_420, %concatenate3A : vector<512x16xi1>, vector<512x16xi32>
    %reshape3A_422 = vector.shape_cast %select_n3A_421 : vector<512x16xi32> to vector<512x16x1xi32>
    %gather3A_423 = vector.shape_cast %reshape3A_422 : vector<512x16x1xi32> to vector<512x16xi32>
    %gather3A_424 = tpu.dynamic_gather %slice3A_414[%gather3A_423] in [1] : vector<512x128xf32>, vector<512x16xi32> -> vector<512x16xf32>
    %add3A_425 = arith.constant 2688 : i32
    %add3A_426 = vector.broadcast %add3A_425 : i32 to vector<512x16xi32>
    %add3A_427 = arith.addi %concatenate3A, %add3A_426 : vector<512x16xi32>
    %slice3A_428 = vector.extract_strided_slice %sub3A {offsets = [0, 2816], sizes = [512, 128], strides = [1, 1]} : vector<512x4096xf32> to vector<512x128xf32>
    %lt3A_429 = arith.constant 0 : i32
    %lt3A_430 = vector.broadcast %lt3A_429 : i32 to vector<512x16xi32>
    %lt3A_431 = arith.cmpi slt, %concatenate3A, %lt3A_430 : vector<512x16xi32>
    %add3A_432 = arith.constant 128 : i32
    %add3A_433 = vector.broadcast %add3A_432 : i32 to vector<512x16xi32>
    %add3A_434 = arith.addi %concatenate3A, %add3A_433 : vector<512x16xi32>
    %select_n3A_435 = arith.select %lt3A_431, %add3A_434, %concatenate3A : vector<512x16xi1>, vector<512x16xi32>
    %reshape3A_436 = vector.shape_cast %select_n3A_435 : vector<512x16xi32> to vector<512x16x1xi32>
    %gather3A_437 = vector.shape_cast %reshape3A_436 : vector<512x16x1xi32> to vector<512x16xi32>
    %gather3A_438 = tpu.dynamic_gather %slice3A_428[%gather3A_437] in [1] : vector<512x128xf32>, vector<512x16xi32> -> vector<512x16xf32>
    %add3A_439 = arith.constant 2816 : i32
    %add3A_440 = vector.broadcast %add3A_439 : i32 to vector<512x16xi32>
    %add3A_441 = arith.addi %concatenate3A, %add3A_440 : vector<512x16xi32>
    %slice3A_442 = vector.extract_strided_slice %sub3A {offsets = [0, 2944], sizes = [512, 128], strides = [1, 1]} : vector<512x4096xf32> to vector<512x128xf32>
    %lt3A_443 = arith.constant 0 : i32
    %lt3A_444 = vector.broadcast %lt3A_443 : i32 to vector<512x16xi32>
    %lt3A_445 = arith.cmpi slt, %concatenate3A, %lt3A_444 : vector<512x16xi32>
    %add3A_446 = arith.constant 128 : i32
    %add3A_447 = vector.broadcast %add3A_446 : i32 to vector<512x16xi32>
    %add3A_448 = arith.addi %concatenate3A, %add3A_447 : vector<512x16xi32>
    %select_n3A_449 = arith.select %lt3A_445, %add3A_448, %concatenate3A : vector<512x16xi1>, vector<512x16xi32>
    %reshape3A_450 = vector.shape_cast %select_n3A_449 : vector<512x16xi32> to vector<512x16x1xi32>
    %gather3A_451 = vector.shape_cast %reshape3A_450 : vector<512x16x1xi32> to vector<512x16xi32>
    %gather3A_452 = tpu.dynamic_gather %slice3A_442[%gather3A_451] in [1] : vector<512x128xf32>, vector<512x16xi32> -> vector<512x16xf32>
    %add3A_453 = arith.constant 2944 : i32
    %add3A_454 = vector.broadcast %add3A_453 : i32 to vector<512x16xi32>
    %add3A_455 = arith.addi %concatenate3A, %add3A_454 : vector<512x16xi32>
    %slice3A_456 = vector.extract_strided_slice %sub3A {offsets = [0, 3072], sizes = [512, 128], strides = [1, 1]} : vector<512x4096xf32> to vector<512x128xf32>
    %lt3A_457 = arith.constant 0 : i32
    %lt3A_458 = vector.broadcast %lt3A_457 : i32 to vector<512x16xi32>
    %lt3A_459 = arith.cmpi slt, %concatenate3A, %lt3A_458 : vector<512x16xi32>
    %add3A_460 = arith.constant 128 : i32
    %add3A_461 = vector.broadcast %add3A_460 : i32 to vector<512x16xi32>
    %add3A_462 = arith.addi %concatenate3A, %add3A_461 : vector<512x16xi32>
    %select_n3A_463 = arith.select %lt3A_459, %add3A_462, %concatenate3A : vector<512x16xi1>, vector<512x16xi32>
    %reshape3A_464 = vector.shape_cast %select_n3A_463 : vector<512x16xi32> to vector<512x16x1xi32>
    %gather3A_465 = vector.shape_cast %reshape3A_464 : vector<512x16x1xi32> to vector<512x16xi32>
    %gather3A_466 = tpu.dynamic_gather %slice3A_456[%gather3A_465] in [1] : vector<512x128xf32>, vector<512x16xi32> -> vector<512x16xf32>
    %add3A_467 = arith.constant 3072 : i32
    %add3A_468 = vector.broadcast %add3A_467 : i32 to vector<512x16xi32>
    %add3A_469 = arith.addi %concatenate3A, %add3A_468 : vector<512x16xi32>
    %slice3A_470 = vector.extract_strided_slice %sub3A {offsets = [0, 3200], sizes = [512, 128], strides = [1, 1]} : vector<512x4096xf32> to vector<512x128xf32>
    %lt3A_471 = arith.constant 0 : i32
    %lt3A_472 = vector.broadcast %lt3A_471 : i32 to vector<512x16xi32>
    %lt3A_473 = arith.cmpi slt, %concatenate3A, %lt3A_472 : vector<512x16xi32>
    %add3A_474 = arith.constant 128 : i32
    %add3A_475 = vector.broadcast %add3A_474 : i32 to vector<512x16xi32>
    %add3A_476 = arith.addi %concatenate3A, %add3A_475 : vector<512x16xi32>
    %select_n3A_477 = arith.select %lt3A_473, %add3A_476, %concatenate3A : vector<512x16xi1>, vector<512x16xi32>
    %reshape3A_478 = vector.shape_cast %select_n3A_477 : vector<512x16xi32> to vector<512x16x1xi32>
    %gather3A_479 = vector.shape_cast %reshape3A_478 : vector<512x16x1xi32> to vector<512x16xi32>
    %gather3A_480 = tpu.dynamic_gather %slice3A_470[%gather3A_479] in [1] : vector<512x128xf32>, vector<512x16xi32> -> vector<512x16xf32>
    %add3A_481 = arith.constant 3200 : i32
    %add3A_482 = vector.broadcast %add3A_481 : i32 to vector<512x16xi32>
    %add3A_483 = arith.addi %concatenate3A, %add3A_482 : vector<512x16xi32>
    %slice3A_484 = vector.extract_strided_slice %sub3A {offsets = [0, 3328], sizes = [512, 128], strides = [1, 1]} : vector<512x4096xf32> to vector<512x128xf32>
    %lt3A_485 = arith.constant 0 : i32
    %lt3A_486 = vector.broadcast %lt3A_485 : i32 to vector<512x16xi32>
    %lt3A_487 = arith.cmpi slt, %concatenate3A, %lt3A_486 : vector<512x16xi32>
    %add3A_488 = arith.constant 128 : i32
    %add3A_489 = vector.broadcast %add3A_488 : i32 to vector<512x16xi32>
    %add3A_490 = arith.addi %concatenate3A, %add3A_489 : vector<512x16xi32>
    %select_n3A_491 = arith.select %lt3A_487, %add3A_490, %concatenate3A : vector<512x16xi1>, vector<512x16xi32>
    %reshape3A_492 = vector.shape_cast %select_n3A_491 : vector<512x16xi32> to vector<512x16x1xi32>
    %gather3A_493 = vector.shape_cast %reshape3A_492 : vector<512x16x1xi32> to vector<512x16xi32>
    %gather3A_494 = tpu.dynamic_gather %slice3A_484[%gather3A_493] in [1] : vector<512x128xf32>, vector<512x16xi32> -> vector<512x16xf32>
    %add3A_495 = arith.constant 3328 : i32
    %add3A_496 = vector.broadcast %add3A_495 : i32 to vector<512x16xi32>
    %add3A_497 = arith.addi %concatenate3A, %add3A_496 : vector<512x16xi32>
    %slice3A_498 = vector.extract_strided_slice %sub3A {offsets = [0, 3456], sizes = [512, 128], strides = [1, 1]} : vector<512x4096xf32> to vector<512x128xf32>
    %lt3A_499 = arith.constant 0 : i32
    %lt3A_500 = vector.broadcast %lt3A_499 : i32 to vector<512x16xi32>
    %lt3A_501 = arith.cmpi slt, %concatenate3A, %lt3A_500 : vector<512x16xi32>
    %add3A_502 = arith.constant 128 : i32
    %add3A_503 = vector.broadcast %add3A_502 : i32 to vector<512x16xi32>
    %add3A_504 = arith.addi %concatenate3A, %add3A_503 : vector<512x16xi32>
    %select_n3A_505 = arith.select %lt3A_501, %add3A_504, %concatenate3A : vector<512x16xi1>, vector<512x16xi32>
    %reshape3A_506 = vector.shape_cast %select_n3A_505 : vector<512x16xi32> to vector<512x16x1xi32>
    %gather3A_507 = vector.shape_cast %reshape3A_506 : vector<512x16x1xi32> to vector<512x16xi32>
    %gather3A_508 = tpu.dynamic_gather %slice3A_498[%gather3A_507] in [1] : vector<512x128xf32>, vector<512x16xi32> -> vector<512x16xf32>
    %add3A_509 = arith.constant 3456 : i32
    %add3A_510 = vector.broadcast %add3A_509 : i32 to vector<512x16xi32>
    %add3A_511 = arith.addi %concatenate3A, %add3A_510 : vector<512x16xi32>
    %slice3A_512 = vector.extract_strided_slice %sub3A {offsets = [0, 3584], sizes = [512, 128], strides = [1, 1]} : vector<512x4096xf32> to vector<512x128xf32>
    %lt3A_513 = arith.constant 0 : i32
    %lt3A_514 = vector.broadcast %lt3A_513 : i32 to vector<512x16xi32>
    %lt3A_515 = arith.cmpi slt, %concatenate3A, %lt3A_514 : vector<512x16xi32>
    %add3A_516 = arith.constant 128 : i32
    %add3A_517 = vector.broadcast %add3A_516 : i32 to vector<512x16xi32>
    %add3A_518 = arith.addi %concatenate3A, %add3A_517 : vector<512x16xi32>
    %select_n3A_519 = arith.select %lt3A_515, %add3A_518, %concatenate3A : vector<512x16xi1>, vector<512x16xi32>
    %reshape3A_520 = vector.shape_cast %select_n3A_519 : vector<512x16xi32> to vector<512x16x1xi32>
    %gather3A_521 = vector.shape_cast %reshape3A_520 : vector<512x16x1xi32> to vector<512x16xi32>
    %gather3A_522 = tpu.dynamic_gather %slice3A_512[%gather3A_521] in [1] : vector<512x128xf32>, vector<512x16xi32> -> vector<512x16xf32>
    %add3A_523 = arith.constant 3584 : i32
    %add3A_524 = vector.broadcast %add3A_523 : i32 to vector<512x16xi32>
    %add3A_525 = arith.addi %concatenate3A, %add3A_524 : vector<512x16xi32>
    %slice3A_526 = vector.extract_strided_slice %sub3A {offsets = [0, 3712], sizes = [512, 128], strides = [1, 1]} : vector<512x4096xf32> to vector<512x128xf32>
    %lt3A_527 = arith.constant 0 : i32
    %lt3A_528 = vector.broadcast %lt3A_527 : i32 to vector<512x16xi32>
    %lt3A_529 = arith.cmpi slt, %concatenate3A, %lt3A_528 : vector<512x16xi32>
    %add3A_530 = arith.constant 128 : i32
    %add3A_531 = vector.broadcast %add3A_530 : i32 to vector<512x16xi32>
    %add3A_532 = arith.addi %concatenate3A, %add3A_531 : vector<512x16xi32>
    %select_n3A_533 = arith.select %lt3A_529, %add3A_532, %concatenate3A : vector<512x16xi1>, vector<512x16xi32>
    %reshape3A_534 = vector.shape_cast %select_n3A_533 : vector<512x16xi32> to vector<512x16x1xi32>
    %gather3A_535 = vector.shape_cast %reshape3A_534 : vector<512x16x1xi32> to vector<512x16xi32>
    %gather3A_536 = tpu.dynamic_gather %slice3A_526[%gather3A_535] in [1] : vector<512x128xf32>, vector<512x16xi32> -> vector<512x16xf32>
    %add3A_537 = arith.constant 3712 : i32
    %add3A_538 = vector.broadcast %add3A_537 : i32 to vector<512x16xi32>
    %add3A_539 = arith.addi %concatenate3A, %add3A_538 : vector<512x16xi32>
    %slice3A_540 = vector.extract_strided_slice %sub3A {offsets = [0, 3840], sizes = [512, 128], strides = [1, 1]} : vector<512x4096xf32> to vector<512x128xf32>
    %lt3A_541 = arith.constant 0 : i32
    %lt3A_542 = vector.broadcast %lt3A_541 : i32 to vector<512x16xi32>
    %lt3A_543 = arith.cmpi slt, %concatenate3A, %lt3A_542 : vector<512x16xi32>
    %add3A_544 = arith.constant 128 : i32
    %add3A_545 = vector.broadcast %add3A_544 : i32 to vector<512x16xi32>
    %add3A_546 = arith.addi %concatenate3A, %add3A_545 : vector<512x16xi32>
    %select_n3A_547 = arith.select %lt3A_543, %add3A_546, %concatenate3A : vector<512x16xi1>, vector<512x16xi32>
    %reshape3A_548 = vector.shape_cast %select_n3A_547 : vector<512x16xi32> to vector<512x16x1xi32>
    %gather3A_549 = vector.shape_cast %reshape3A_548 : vector<512x16x1xi32> to vector<512x16xi32>
    %gather3A_550 = tpu.dynamic_gather %slice3A_540[%gather3A_549] in [1] : vector<512x128xf32>, vector<512x16xi32> -> vector<512x16xf32>
    %add3A_551 = arith.constant 3840 : i32
    %add3A_552 = vector.broadcast %add3A_551 : i32 to vector<512x16xi32>
    %add3A_553 = arith.addi %concatenate3A, %add3A_552 : vector<512x16xi32>
    %slice3A_554 = vector.extract_strided_slice %sub3A {offsets = [0, 3968], sizes = [512, 128], strides = [1, 1]} : vector<512x4096xf32> to vector<512x128xf32>
    %lt3A_555 = arith.constant 0 : i32
    %lt3A_556 = vector.broadcast %lt3A_555 : i32 to vector<512x16xi32>
    %lt3A_557 = arith.cmpi slt, %concatenate3A, %lt3A_556 : vector<512x16xi32>
    %add3A_558 = arith.constant 128 : i32
    %add3A_559 = vector.broadcast %add3A_558 : i32 to vector<512x16xi32>
    %add3A_560 = arith.addi %concatenate3A, %add3A_559 : vector<512x16xi32>
    %select_n3A_561 = arith.select %lt3A_557, %add3A_560, %concatenate3A : vector<512x16xi1>, vector<512x16xi32>
    %reshape3A_562 = vector.shape_cast %select_n3A_561 : vector<512x16xi32> to vector<512x16x1xi32>
    %gather3A_563 = vector.shape_cast %reshape3A_562 : vector<512x16x1xi32> to vector<512x16xi32>
    %gather3A_564 = tpu.dynamic_gather %slice3A_554[%gather3A_563] in [1] : vector<512x128xf32>, vector<512x16xi32> -> vector<512x16xf32>
    %add3A_565 = arith.constant 3968 : i32
    %add3A_566 = vector.broadcast %add3A_565 : i32 to vector<512x16xi32>
    %add3A_567 = arith.addi %concatenate3A, %add3A_566 : vector<512x16xi32>
    %concatenate3A_568 = tpu.concatenate %gather3A_130, %gather3A_144, %gather3A_158, %gather3A_172, %gather3A_186, %gather3A_200, %gather3A_214, %gather3A_228, %gather3A_242, %gather3A_256, %gather3A_270, %gather3A_284, %gather3A_298, %gather3A_312, %gather3A_326, %gather3A_340, %gather3A_354, %gather3A_368, %gather3A_382, %gather3A_396, %gather3A_410, %gather3A_424, %gather3A_438, %gather3A_452, %gather3A_466, %gather3A_480, %gather3A_494, %gather3A_508, %gather3A_522, %gather3A_536, %gather3A_550, %gather3A_564 in 1 : vector<512x16xf32>, vector<512x16xf32>, vector<512x16xf32>, vector<512x16xf32>, vector<512x16xf32>, vector<512x16xf32>, vector<512x16xf32>, vector<512x16xf32>, vector<512x16xf32>, vector<512x16xf32>, vector<512x16xf32>, vector<512x16xf32>, vector<512x16xf32>, vector<512x16xf32>, vector<512x16xf32>, vector<512x16xf32>, vector<512x16xf32>, vector<512x16xf32>, vector<512x16xf32>, vector<512x16xf32>, vector<512x16xf32>, vector<512x16xf32>, vector<512x16xf32>, vector<512x16xf32>, vector<512x16xf32>, vector<512x16xf32>, vector<512x16xf32>, vector<512x16xf32>, vector<512x16xf32>, vector<512x16xf32>, vector<512x16xf32>, vector<512x16xf32> -> vector<512x512xf32>
    %concatenate3A_569 = tpu.concatenate %add3A_133, %add3A_147, %add3A_161, %add3A_175, %add3A_189, %add3A_203, %add3A_217, %add3A_231, %add3A_245, %add3A_259, %add3A_273, %add3A_287, %add3A_301, %add3A_315, %add3A_329, %add3A_343, %add3A_357, %add3A_371, %add3A_385, %add3A_399, %add3A_413, %add3A_427, %add3A_441, %add3A_455, %add3A_469, %add3A_483, %add3A_497, %add3A_511, %add3A_525, %add3A_539, %add3A_553, %add3A_567 in 1 : vector<512x16xi32>, vector<512x16xi32>, vector<512x16xi32>, vector<512x16xi32>, vector<512x16xi32>, vector<512x16xi32>, vector<512x16xi32>, vector<512x16xi32>, vector<512x16xi32>, vector<512x16xi32>, vector<512x16xi32>, vector<512x16xi32>, vector<512x16xi32>, vector<512x16xi32>, vector<512x16xi32>, vector<512x16xi32>, vector<512x16xi32>, vector<512x16xi32>, vector<512x16xi32>, vector<512x16xi32>, vector<512x16xi32>, vector<512x16xi32>, vector<512x16xi32>, vector<512x16xi32>, vector<512x16xi32>, vector<512x16xi32>, vector<512x16xi32>, vector<512x16xi32>, vector<512x16xi32>, vector<512x16xi32>, vector<512x16xi32>, vector<512x16xi32> -> vector<512x512xi32>
    %reduce_min3A_570 = arith.constant dense<0x7F800000> : vector<512xf32>
    %reduce_min3A_571 = vector.multi_reduction <minimumf>, %concatenate3A_568, %reduce_min3A_570 [1] : vector<512x512xf32> to vector<512xf32>
    %broadcast_in_dim3A_572 = vector.shape_cast %reduce_min3A_571 : vector<512xf32> to vector<512x1xf32>
    %eq3A_573 = vector.broadcast %broadcast_in_dim3A_572 : vector<512x1xf32> to vector<512x512xf32>
    %eq3A_574 = arith.cmpf oeq, %concatenate3A_568, %eq3A_573 : vector<512x512xf32>
    %jit3A_575 = arith.constant 4096 : i32
    %broadcast_in_dim3A_576 = vector.broadcast %jit3A_575 : i32 to vector<512x512xi32>
    %select_n3A_577 = arith.select %eq3A_574, %concatenate3A_569, %broadcast_in_dim3A_576 : vector<512x512xi1>, vector<512x512xi32>
    %reduce_min3A_578 = arith.constant dense<2147483647> : vector<512xi32>
    %reduce_min3A_579 = vector.multi_reduction <minsi>, %select_n3A_577, %reduce_min3A_578 [1] : vector<512x512xi32> to vector<512xi32>
    %broadcast_in_dim3A_580 = vector.shape_cast %reduce_min3A_579 : vector<512xi32> to vector<512x1xi32>
    %eq3A_581 = vector.broadcast %broadcast_in_dim3A_580 : vector<512x1xi32> to vector<512x512xi32>
    %eq3A_582 = arith.cmpi eq, %concatenate3A_569, %eq3A_581 : vector<512x512xi32>
    %jit3A_583 = arith.constant 0x7F800000 : f32
    %broadcast_in_dim3A_584 = vector.broadcast %jit3A_583 : f32 to vector<512x512xf32>
    %select_n3A_585 = arith.select %eq3A_582, %broadcast_in_dim3A_584, %concatenate3A_568 : vector<512x512xi1>, vector<512x512xf32>
    %reduce_min3A_586 = arith.constant dense<0x7F800000> : vector<512xf32>
    %reduce_min3A_587 = vector.multi_reduction <minimumf>, %select_n3A_585, %reduce_min3A_586 [1] : vector<512x512xf32> to vector<512xf32>
    %broadcast_in_dim3A_588 = vector.shape_cast %reduce_min3A_587 : vector<512xf32> to vector<512x1xf32>
    %eq3A_589 = vector.broadcast %broadcast_in_dim3A_588 : vector<512x1xf32> to vector<512x512xf32>
    %eq3A_590 = arith.cmpf oeq, %select_n3A_585, %eq3A_589 : vector<512x512xf32>
    %jit3A_591 = arith.constant 4096 : i32
    %broadcast_in_dim3A_592 = vector.broadcast %jit3A_591 : i32 to vector<512x512xi32>
    %select_n3A_593 = arith.select %eq3A_590, %concatenate3A_569, %broadcast_in_dim3A_592 : vector<512x512xi1>, vector<512x512xi32>
    %reduce_min3A_594 = arith.constant dense<2147483647> : vector<512xi32>
    %reduce_min3A_595 = vector.multi_reduction <minsi>, %select_n3A_593, %reduce_min3A_594 [1] : vector<512x512xi32> to vector<512xi32>
    %broadcast_in_dim3A_596 = vector.shape_cast %reduce_min3A_595 : vector<512xi32> to vector<512x1xi32>
    %eq3A_597 = vector.broadcast %broadcast_in_dim3A_596 : vector<512x1xi32> to vector<512x512xi32>
    %eq3A_598 = arith.cmpi eq, %concatenate3A_569, %eq3A_597 : vector<512x512xi32>
    %jit3A_599 = arith.constant 0x7F800000 : f32
    %broadcast_in_dim3A_600 = vector.broadcast %jit3A_599 : f32 to vector<512x512xf32>
    %select_n3A_601 = arith.select %eq3A_598, %broadcast_in_dim3A_600, %select_n3A_585 : vector<512x512xi1>, vector<512x512xf32>
    %reduce_min3A_602 = arith.constant dense<0x7F800000> : vector<512xf32>
    %reduce_min3A_603 = vector.multi_reduction <minimumf>, %select_n3A_601, %reduce_min3A_602 [1] : vector<512x512xf32> to vector<512xf32>
    %broadcast_in_dim3A_604 = vector.shape_cast %reduce_min3A_603 : vector<512xf32> to vector<512x1xf32>
    %eq3A_605 = vector.broadcast %broadcast_in_dim3A_604 : vector<512x1xf32> to vector<512x512xf32>
    %eq3A_606 = arith.cmpf oeq, %select_n3A_601, %eq3A_605 : vector<512x512xf32>
    %jit3A_607 = arith.constant 4096 : i32
    %broadcast_in_dim3A_608 = vector.broadcast %jit3A_607 : i32 to vector<512x512xi32>
    %select_n3A_609 = arith.select %eq3A_606, %concatenate3A_569, %broadcast_in_dim3A_608 : vector<512x512xi1>, vector<512x512xi32>
    %reduce_min3A_610 = arith.constant dense<2147483647> : vector<512xi32>
    %reduce_min3A_611 = vector.multi_reduction <minsi>, %select_n3A_609, %reduce_min3A_610 [1] : vector<512x512xi32> to vector<512xi32>
    %broadcast_in_dim3A_612 = vector.shape_cast %reduce_min3A_611 : vector<512xi32> to vector<512x1xi32>
    %eq3A_613 = vector.broadcast %broadcast_in_dim3A_612 : vector<512x1xi32> to vector<512x512xi32>
    %eq3A_614 = arith.cmpi eq, %concatenate3A_569, %eq3A_613 : vector<512x512xi32>
    %jit3A_615 = arith.constant 0x7F800000 : f32
    %broadcast_in_dim3A_616 = vector.broadcast %jit3A_615 : f32 to vector<512x512xf32>
    %select_n3A_617 = arith.select %eq3A_614, %broadcast_in_dim3A_616, %select_n3A_601 : vector<512x512xi1>, vector<512x512xf32>
    %reduce_min3A_618 = arith.constant dense<0x7F800000> : vector<512xf32>
    %reduce_min3A_619 = vector.multi_reduction <minimumf>, %select_n3A_617, %reduce_min3A_618 [1] : vector<512x512xf32> to vector<512xf32>
    %broadcast_in_dim3A_620 = vector.shape_cast %reduce_min3A_619 : vector<512xf32> to vector<512x1xf32>
    %eq3A_621 = vector.broadcast %broadcast_in_dim3A_620 : vector<512x1xf32> to vector<512x512xf32>
    %eq3A_622 = arith.cmpf oeq, %select_n3A_617, %eq3A_621 : vector<512x512xf32>
    %jit3A_623 = arith.constant 4096 : i32
    %broadcast_in_dim3A_624 = vector.broadcast %jit3A_623 : i32 to vector<512x512xi32>
    %select_n3A_625 = arith.select %eq3A_622, %concatenate3A_569, %broadcast_in_dim3A_624 : vector<512x512xi1>, vector<512x512xi32>
    %reduce_min3A_626 = arith.constant dense<2147483647> : vector<512xi32>
    %reduce_min3A_627 = vector.multi_reduction <minsi>, %select_n3A_625, %reduce_min3A_626 [1] : vector<512x512xi32> to vector<512xi32>
    %broadcast_in_dim3A_628 = vector.shape_cast %reduce_min3A_627 : vector<512xi32> to vector<512x1xi32>
    %eq3A_629 = vector.broadcast %broadcast_in_dim3A_628 : vector<512x1xi32> to vector<512x512xi32>
    %eq3A_630 = arith.cmpi eq, %concatenate3A_569, %eq3A_629 : vector<512x512xi32>
    %jit3A_631 = arith.constant 0x7F800000 : f32
    %broadcast_in_dim3A_632 = vector.broadcast %jit3A_631 : f32 to vector<512x512xf32>
    %select_n3A_633 = arith.select %eq3A_630, %broadcast_in_dim3A_632, %select_n3A_617 : vector<512x512xi1>, vector<512x512xf32>
    %reduce_min3A_634 = arith.constant dense<0x7F800000> : vector<512xf32>
    %reduce_min3A_635 = vector.multi_reduction <minimumf>, %select_n3A_633, %reduce_min3A_634 [1] : vector<512x512xf32> to vector<512xf32>
    %broadcast_in_dim3A_636 = vector.shape_cast %reduce_min3A_635 : vector<512xf32> to vector<512x1xf32>
    %eq3A_637 = vector.broadcast %broadcast_in_dim3A_636 : vector<512x1xf32> to vector<512x512xf32>
    %eq3A_638 = arith.cmpf oeq, %select_n3A_633, %eq3A_637 : vector<512x512xf32>
    %jit3A_639 = arith.constant 4096 : i32
    %broadcast_in_dim3A_640 = vector.broadcast %jit3A_639 : i32 to vector<512x512xi32>
    %select_n3A_641 = arith.select %eq3A_638, %concatenate3A_569, %broadcast_in_dim3A_640 : vector<512x512xi1>, vector<512x512xi32>
    %reduce_min3A_642 = arith.constant dense<2147483647> : vector<512xi32>
    %reduce_min3A_643 = vector.multi_reduction <minsi>, %select_n3A_641, %reduce_min3A_642 [1] : vector<512x512xi32> to vector<512xi32>
    %broadcast_in_dim3A_644 = vector.shape_cast %reduce_min3A_643 : vector<512xi32> to vector<512x1xi32>
    %eq3A_645 = vector.broadcast %broadcast_in_dim3A_644 : vector<512x1xi32> to vector<512x512xi32>
    %eq3A_646 = arith.cmpi eq, %concatenate3A_569, %eq3A_645 : vector<512x512xi32>
    %jit3A_647 = arith.constant 0x7F800000 : f32
    %broadcast_in_dim3A_648 = vector.broadcast %jit3A_647 : f32 to vector<512x512xf32>
    %select_n3A_649 = arith.select %eq3A_646, %broadcast_in_dim3A_648, %select_n3A_633 : vector<512x512xi1>, vector<512x512xf32>
    %reduce_min3A_650 = arith.constant dense<0x7F800000> : vector<512xf32>
    %reduce_min3A_651 = vector.multi_reduction <minimumf>, %select_n3A_649, %reduce_min3A_650 [1] : vector<512x512xf32> to vector<512xf32>
    %broadcast_in_dim3A_652 = vector.shape_cast %reduce_min3A_651 : vector<512xf32> to vector<512x1xf32>
    %eq3A_653 = vector.broadcast %broadcast_in_dim3A_652 : vector<512x1xf32> to vector<512x512xf32>
    %eq3A_654 = arith.cmpf oeq, %select_n3A_649, %eq3A_653 : vector<512x512xf32>
    %jit3A_655 = arith.constant 4096 : i32
    %broadcast_in_dim3A_656 = vector.broadcast %jit3A_655 : i32 to vector<512x512xi32>
    %select_n3A_657 = arith.select %eq3A_654, %concatenate3A_569, %broadcast_in_dim3A_656 : vector<512x512xi1>, vector<512x512xi32>
    %reduce_min3A_658 = arith.constant dense<2147483647> : vector<512xi32>
    %reduce_min3A_659 = vector.multi_reduction <minsi>, %select_n3A_657, %reduce_min3A_658 [1] : vector<512x512xi32> to vector<512xi32>
    %broadcast_in_dim3A_660 = vector.shape_cast %reduce_min3A_659 : vector<512xi32> to vector<512x1xi32>
    %eq3A_661 = vector.broadcast %broadcast_in_dim3A_660 : vector<512x1xi32> to vector<512x512xi32>
    %eq3A_662 = arith.cmpi eq, %concatenate3A_569, %eq3A_661 : vector<512x512xi32>
    %jit3A_663 = arith.constant 0x7F800000 : f32
    %broadcast_in_dim3A_664 = vector.broadcast %jit3A_663 : f32 to vector<512x512xf32>
    %select_n3A_665 = arith.select %eq3A_662, %broadcast_in_dim3A_664, %select_n3A_649 : vector<512x512xi1>, vector<512x512xf32>
    %reduce_min3A_666 = arith.constant dense<0x7F800000> : vector<512xf32>
    %reduce_min3A_667 = vector.multi_reduction <minimumf>, %select_n3A_665, %reduce_min3A_666 [1] : vector<512x512xf32> to vector<512xf32>
    %broadcast_in_dim3A_668 = vector.shape_cast %reduce_min3A_667 : vector<512xf32> to vector<512x1xf32>
    %eq3A_669 = vector.broadcast %broadcast_in_dim3A_668 : vector<512x1xf32> to vector<512x512xf32>
    %eq3A_670 = arith.cmpf oeq, %select_n3A_665, %eq3A_669 : vector<512x512xf32>
    %jit3A_671 = arith.constant 4096 : i32
    %broadcast_in_dim3A_672 = vector.broadcast %jit3A_671 : i32 to vector<512x512xi32>
    %select_n3A_673 = arith.select %eq3A_670, %concatenate3A_569, %broadcast_in_dim3A_672 : vector<512x512xi1>, vector<512x512xi32>
    %reduce_min3A_674 = arith.constant dense<2147483647> : vector<512xi32>
    %reduce_min3A_675 = vector.multi_reduction <minsi>, %select_n3A_673, %reduce_min3A_674 [1] : vector<512x512xi32> to vector<512xi32>
    %broadcast_in_dim3A_676 = vector.shape_cast %reduce_min3A_675 : vector<512xi32> to vector<512x1xi32>
    %eq3A_677 = vector.broadcast %broadcast_in_dim3A_676 : vector<512x1xi32> to vector<512x512xi32>
    %eq3A_678 = arith.cmpi eq, %concatenate3A_569, %eq3A_677 : vector<512x512xi32>
    %jit3A_679 = arith.constant 0x7F800000 : f32
    %broadcast_in_dim3A_680 = vector.broadcast %jit3A_679 : f32 to vector<512x512xf32>
    %select_n3A_681 = arith.select %eq3A_678, %broadcast_in_dim3A_680, %select_n3A_665 : vector<512x512xi1>, vector<512x512xf32>
    %reduce_min3A_682 = arith.constant dense<0x7F800000> : vector<512xf32>
    %reduce_min3A_683 = vector.multi_reduction <minimumf>, %select_n3A_681, %reduce_min3A_682 [1] : vector<512x512xf32> to vector<512xf32>
    %broadcast_in_dim3A_684 = vector.shape_cast %reduce_min3A_683 : vector<512xf32> to vector<512x1xf32>
    %eq3A_685 = vector.broadcast %broadcast_in_dim3A_684 : vector<512x1xf32> to vector<512x512xf32>
    %eq3A_686 = arith.cmpf oeq, %select_n3A_681, %eq3A_685 : vector<512x512xf32>
    %jit3A_687 = arith.constant 4096 : i32
    %broadcast_in_dim3A_688 = vector.broadcast %jit3A_687 : i32 to vector<512x512xi32>
    %select_n3A_689 = arith.select %eq3A_686, %concatenate3A_569, %broadcast_in_dim3A_688 : vector<512x512xi1>, vector<512x512xi32>
    %reduce_min3A_690 = arith.constant dense<2147483647> : vector<512xi32>
    %reduce_min3A_691 = vector.multi_reduction <minsi>, %select_n3A_689, %reduce_min3A_690 [1] : vector<512x512xi32> to vector<512xi32>
    %broadcast_in_dim3A_692 = vector.shape_cast %reduce_min3A_691 : vector<512xi32> to vector<512x1xi32>
    %eq3A_693 = vector.broadcast %broadcast_in_dim3A_692 : vector<512x1xi32> to vector<512x512xi32>
    %eq3A_694 = arith.cmpi eq, %concatenate3A_569, %eq3A_693 : vector<512x512xi32>
    %jit3A_695 = arith.constant 0x7F800000 : f32
    %broadcast_in_dim3A_696 = vector.broadcast %jit3A_695 : f32 to vector<512x512xf32>
    %select_n3A_697 = arith.select %eq3A_694, %broadcast_in_dim3A_696, %select_n3A_681 : vector<512x512xi1>, vector<512x512xf32>
    %reduce_min3A_698 = arith.constant dense<0x7F800000> : vector<512xf32>
    %reduce_min3A_699 = vector.multi_reduction <minimumf>, %select_n3A_697, %reduce_min3A_698 [1] : vector<512x512xf32> to vector<512xf32>
    %broadcast_in_dim3A_700 = vector.shape_cast %reduce_min3A_699 : vector<512xf32> to vector<512x1xf32>
    %eq3A_701 = vector.broadcast %broadcast_in_dim3A_700 : vector<512x1xf32> to vector<512x512xf32>
    %eq3A_702 = arith.cmpf oeq, %select_n3A_697, %eq3A_701 : vector<512x512xf32>
    %jit3A_703 = arith.constant 4096 : i32
    %broadcast_in_dim3A_704 = vector.broadcast %jit3A_703 : i32 to vector<512x512xi32>
    %select_n3A_705 = arith.select %eq3A_702, %concatenate3A_569, %broadcast_in_dim3A_704 : vector<512x512xi1>, vector<512x512xi32>
    %reduce_min3A_706 = arith.constant dense<2147483647> : vector<512xi32>
    %reduce_min3A_707 = vector.multi_reduction <minsi>, %select_n3A_705, %reduce_min3A_706 [1] : vector<512x512xi32> to vector<512xi32>
    %broadcast_in_dim3A_708 = vector.shape_cast %reduce_min3A_707 : vector<512xi32> to vector<512x1xi32>
    %eq3A_709 = vector.broadcast %broadcast_in_dim3A_708 : vector<512x1xi32> to vector<512x512xi32>
    %eq3A_710 = arith.cmpi eq, %concatenate3A_569, %eq3A_709 : vector<512x512xi32>
    %jit3A_711 = arith.constant 0x7F800000 : f32
    %broadcast_in_dim3A_712 = vector.broadcast %jit3A_711 : f32 to vector<512x512xf32>
    %select_n3A_713 = arith.select %eq3A_710, %broadcast_in_dim3A_712, %select_n3A_697 : vector<512x512xi1>, vector<512x512xf32>
    %reduce_min3A_714 = arith.constant dense<0x7F800000> : vector<512xf32>
    %reduce_min3A_715 = vector.multi_reduction <minimumf>, %select_n3A_713, %reduce_min3A_714 [1] : vector<512x512xf32> to vector<512xf32>
    %broadcast_in_dim3A_716 = vector.shape_cast %reduce_min3A_715 : vector<512xf32> to vector<512x1xf32>
    %eq3A_717 = vector.broadcast %broadcast_in_dim3A_716 : vector<512x1xf32> to vector<512x512xf32>
    %eq3A_718 = arith.cmpf oeq, %select_n3A_713, %eq3A_717 : vector<512x512xf32>
    %jit3A_719 = arith.constant 4096 : i32
    %broadcast_in_dim3A_720 = vector.broadcast %jit3A_719 : i32 to vector<512x512xi32>
    %select_n3A_721 = arith.select %eq3A_718, %concatenate3A_569, %broadcast_in_dim3A_720 : vector<512x512xi1>, vector<512x512xi32>
    %reduce_min3A_722 = arith.constant dense<2147483647> : vector<512xi32>
    %reduce_min3A_723 = vector.multi_reduction <minsi>, %select_n3A_721, %reduce_min3A_722 [1] : vector<512x512xi32> to vector<512xi32>
    %broadcast_in_dim3A_724 = vector.shape_cast %reduce_min3A_723 : vector<512xi32> to vector<512x1xi32>
    %eq3A_725 = vector.broadcast %broadcast_in_dim3A_724 : vector<512x1xi32> to vector<512x512xi32>
    %eq3A_726 = arith.cmpi eq, %concatenate3A_569, %eq3A_725 : vector<512x512xi32>
    %jit3A_727 = arith.constant 0x7F800000 : f32
    %broadcast_in_dim3A_728 = vector.broadcast %jit3A_727 : f32 to vector<512x512xf32>
    %select_n3A_729 = arith.select %eq3A_726, %broadcast_in_dim3A_728, %select_n3A_713 : vector<512x512xi1>, vector<512x512xf32>
    %reduce_min3A_730 = arith.constant dense<0x7F800000> : vector<512xf32>
    %reduce_min3A_731 = vector.multi_reduction <minimumf>, %select_n3A_729, %reduce_min3A_730 [1] : vector<512x512xf32> to vector<512xf32>
    %broadcast_in_dim3A_732 = vector.shape_cast %reduce_min3A_731 : vector<512xf32> to vector<512x1xf32>
    %eq3A_733 = vector.broadcast %broadcast_in_dim3A_732 : vector<512x1xf32> to vector<512x512xf32>
    %eq3A_734 = arith.cmpf oeq, %select_n3A_729, %eq3A_733 : vector<512x512xf32>
    %jit3A_735 = arith.constant 4096 : i32
    %broadcast_in_dim3A_736 = vector.broadcast %jit3A_735 : i32 to vector<512x512xi32>
    %select_n3A_737 = arith.select %eq3A_734, %concatenate3A_569, %broadcast_in_dim3A_736 : vector<512x512xi1>, vector<512x512xi32>
    %reduce_min3A_738 = arith.constant dense<2147483647> : vector<512xi32>
    %reduce_min3A_739 = vector.multi_reduction <minsi>, %select_n3A_737, %reduce_min3A_738 [1] : vector<512x512xi32> to vector<512xi32>
    %broadcast_in_dim3A_740 = vector.shape_cast %reduce_min3A_739 : vector<512xi32> to vector<512x1xi32>
    %eq3A_741 = vector.broadcast %broadcast_in_dim3A_740 : vector<512x1xi32> to vector<512x512xi32>
    %eq3A_742 = arith.cmpi eq, %concatenate3A_569, %eq3A_741 : vector<512x512xi32>
    %jit3A_743 = arith.constant 0x7F800000 : f32
    %broadcast_in_dim3A_744 = vector.broadcast %jit3A_743 : f32 to vector<512x512xf32>
    %select_n3A_745 = arith.select %eq3A_742, %broadcast_in_dim3A_744, %select_n3A_729 : vector<512x512xi1>, vector<512x512xf32>
    %reduce_min3A_746 = arith.constant dense<0x7F800000> : vector<512xf32>
    %reduce_min3A_747 = vector.multi_reduction <minimumf>, %select_n3A_745, %reduce_min3A_746 [1] : vector<512x512xf32> to vector<512xf32>
    %broadcast_in_dim3A_748 = vector.shape_cast %reduce_min3A_747 : vector<512xf32> to vector<512x1xf32>
    %eq3A_749 = vector.broadcast %broadcast_in_dim3A_748 : vector<512x1xf32> to vector<512x512xf32>
    %eq3A_750 = arith.cmpf oeq, %select_n3A_745, %eq3A_749 : vector<512x512xf32>
    %jit3A_751 = arith.constant 4096 : i32
    %broadcast_in_dim3A_752 = vector.broadcast %jit3A_751 : i32 to vector<512x512xi32>
    %select_n3A_753 = arith.select %eq3A_750, %concatenate3A_569, %broadcast_in_dim3A_752 : vector<512x512xi1>, vector<512x512xi32>
    %reduce_min3A_754 = arith.constant dense<2147483647> : vector<512xi32>
    %reduce_min3A_755 = vector.multi_reduction <minsi>, %select_n3A_753, %reduce_min3A_754 [1] : vector<512x512xi32> to vector<512xi32>
    %broadcast_in_dim3A_756 = vector.shape_cast %reduce_min3A_755 : vector<512xi32> to vector<512x1xi32>
    %eq3A_757 = vector.broadcast %broadcast_in_dim3A_756 : vector<512x1xi32> to vector<512x512xi32>
    %eq3A_758 = arith.cmpi eq, %concatenate3A_569, %eq3A_757 : vector<512x512xi32>
    %jit3A_759 = arith.constant 0x7F800000 : f32
    %broadcast_in_dim3A_760 = vector.broadcast %jit3A_759 : f32 to vector<512x512xf32>
    %select_n3A_761 = arith.select %eq3A_758, %broadcast_in_dim3A_760, %select_n3A_745 : vector<512x512xi1>, vector<512x512xf32>
    %reduce_min3A_762 = arith.constant dense<0x7F800000> : vector<512xf32>
    %reduce_min3A_763 = vector.multi_reduction <minimumf>, %select_n3A_761, %reduce_min3A_762 [1] : vector<512x512xf32> to vector<512xf32>
    %broadcast_in_dim3A_764 = vector.shape_cast %reduce_min3A_763 : vector<512xf32> to vector<512x1xf32>
    %eq3A_765 = vector.broadcast %broadcast_in_dim3A_764 : vector<512x1xf32> to vector<512x512xf32>
    %eq3A_766 = arith.cmpf oeq, %select_n3A_761, %eq3A_765 : vector<512x512xf32>
    %jit3A_767 = arith.constant 4096 : i32
    %broadcast_in_dim3A_768 = vector.broadcast %jit3A_767 : i32 to vector<512x512xi32>
    %select_n3A_769 = arith.select %eq3A_766, %concatenate3A_569, %broadcast_in_dim3A_768 : vector<512x512xi1>, vector<512x512xi32>
    %reduce_min3A_770 = arith.constant dense<2147483647> : vector<512xi32>
    %reduce_min3A_771 = vector.multi_reduction <minsi>, %select_n3A_769, %reduce_min3A_770 [1] : vector<512x512xi32> to vector<512xi32>
    %broadcast_in_dim3A_772 = vector.shape_cast %reduce_min3A_771 : vector<512xi32> to vector<512x1xi32>
    %eq3A_773 = vector.broadcast %broadcast_in_dim3A_772 : vector<512x1xi32> to vector<512x512xi32>
    %eq3A_774 = arith.cmpi eq, %concatenate3A_569, %eq3A_773 : vector<512x512xi32>
    %jit3A_775 = arith.constant 0x7F800000 : f32
    %broadcast_in_dim3A_776 = vector.broadcast %jit3A_775 : f32 to vector<512x512xf32>
    %select_n3A_777 = arith.select %eq3A_774, %broadcast_in_dim3A_776, %select_n3A_761 : vector<512x512xi1>, vector<512x512xf32>
    %reduce_min3A_778 = arith.constant dense<0x7F800000> : vector<512xf32>
    %reduce_min3A_779 = vector.multi_reduction <minimumf>, %select_n3A_777, %reduce_min3A_778 [1] : vector<512x512xf32> to vector<512xf32>
    %broadcast_in_dim3A_780 = vector.shape_cast %reduce_min3A_779 : vector<512xf32> to vector<512x1xf32>
    %eq3A_781 = vector.broadcast %broadcast_in_dim3A_780 : vector<512x1xf32> to vector<512x512xf32>
    %eq3A_782 = arith.cmpf oeq, %select_n3A_777, %eq3A_781 : vector<512x512xf32>
    %jit3A_783 = arith.constant 4096 : i32
    %broadcast_in_dim3A_784 = vector.broadcast %jit3A_783 : i32 to vector<512x512xi32>
    %select_n3A_785 = arith.select %eq3A_782, %concatenate3A_569, %broadcast_in_dim3A_784 : vector<512x512xi1>, vector<512x512xi32>
    %reduce_min3A_786 = arith.constant dense<2147483647> : vector<512xi32>
    %reduce_min3A_787 = vector.multi_reduction <minsi>, %select_n3A_785, %reduce_min3A_786 [1] : vector<512x512xi32> to vector<512xi32>
    %broadcast_in_dim3A_788 = vector.shape_cast %reduce_min3A_787 : vector<512xi32> to vector<512x1xi32>
    %eq3A_789 = vector.broadcast %broadcast_in_dim3A_788 : vector<512x1xi32> to vector<512x512xi32>
    %eq3A_790 = arith.cmpi eq, %concatenate3A_569, %eq3A_789 : vector<512x512xi32>
    %jit3A_791 = arith.constant 0x7F800000 : f32
    %broadcast_in_dim3A_792 = vector.broadcast %jit3A_791 : f32 to vector<512x512xf32>
    %select_n3A_793 = arith.select %eq3A_790, %broadcast_in_dim3A_792, %select_n3A_777 : vector<512x512xi1>, vector<512x512xf32>
    %reduce_min3A_794 = arith.constant dense<0x7F800000> : vector<512xf32>
    %reduce_min3A_795 = vector.multi_reduction <minimumf>, %select_n3A_793, %reduce_min3A_794 [1] : vector<512x512xf32> to vector<512xf32>
    %broadcast_in_dim3A_796 = vector.shape_cast %reduce_min3A_795 : vector<512xf32> to vector<512x1xf32>
    %eq3A_797 = vector.broadcast %broadcast_in_dim3A_796 : vector<512x1xf32> to vector<512x512xf32>
    %eq3A_798 = arith.cmpf oeq, %select_n3A_793, %eq3A_797 : vector<512x512xf32>
    %jit3A_799 = arith.constant 4096 : i32
    %broadcast_in_dim3A_800 = vector.broadcast %jit3A_799 : i32 to vector<512x512xi32>
    %select_n3A_801 = arith.select %eq3A_798, %concatenate3A_569, %broadcast_in_dim3A_800 : vector<512x512xi1>, vector<512x512xi32>
    %reduce_min3A_802 = arith.constant dense<2147483647> : vector<512xi32>
    %reduce_min3A_803 = vector.multi_reduction <minsi>, %select_n3A_801, %reduce_min3A_802 [1] : vector<512x512xi32> to vector<512xi32>
    %broadcast_in_dim3A_804 = vector.shape_cast %reduce_min3A_803 : vector<512xi32> to vector<512x1xi32>
    %eq3A_805 = vector.broadcast %broadcast_in_dim3A_804 : vector<512x1xi32> to vector<512x512xi32>
    %eq3A_806 = arith.cmpi eq, %concatenate3A_569, %eq3A_805 : vector<512x512xi32>
    %jit3A_807 = arith.constant 0x7F800000 : f32
    %broadcast_in_dim3A_808 = vector.broadcast %jit3A_807 : f32 to vector<512x512xf32>
    %select_n3A_809 = arith.select %eq3A_806, %broadcast_in_dim3A_808, %select_n3A_793 : vector<512x512xi1>, vector<512x512xf32>
    %reduce_min3A_810 = arith.constant dense<0x7F800000> : vector<512xf32>
    %reduce_min3A_811 = vector.multi_reduction <minimumf>, %select_n3A_809, %reduce_min3A_810 [1] : vector<512x512xf32> to vector<512xf32>
    %broadcast_in_dim3A_812 = vector.shape_cast %reduce_min3A_811 : vector<512xf32> to vector<512x1xf32>
    %eq3A_813 = vector.broadcast %broadcast_in_dim3A_812 : vector<512x1xf32> to vector<512x512xf32>
    %eq3A_814 = arith.cmpf oeq, %select_n3A_809, %eq3A_813 : vector<512x512xf32>
    %jit3A_815 = arith.constant 4096 : i32
    %broadcast_in_dim3A_816 = vector.broadcast %jit3A_815 : i32 to vector<512x512xi32>
    %select_n3A_817 = arith.select %eq3A_814, %concatenate3A_569, %broadcast_in_dim3A_816 : vector<512x512xi1>, vector<512x512xi32>
    %reduce_min3A_818 = arith.constant dense<2147483647> : vector<512xi32>
    %reduce_min3A_819 = vector.multi_reduction <minsi>, %select_n3A_817, %reduce_min3A_818 [1] : vector<512x512xi32> to vector<512xi32>
    %broadcast_in_dim3A_820 = vector.shape_cast %reduce_min3A_819 : vector<512xi32> to vector<512x1xi32>
    %concatenate3A_821 = tpu.concatenate %broadcast_in_dim3A_580, %broadcast_in_dim3A_596, %broadcast_in_dim3A_612, %broadcast_in_dim3A_628, %broadcast_in_dim3A_644, %broadcast_in_dim3A_660, %broadcast_in_dim3A_676, %broadcast_in_dim3A_692, %broadcast_in_dim3A_708, %broadcast_in_dim3A_724, %broadcast_in_dim3A_740, %broadcast_in_dim3A_756, %broadcast_in_dim3A_772, %broadcast_in_dim3A_788, %broadcast_in_dim3A_804, %broadcast_in_dim3A_820 in 1 : vector<512x1xi32>, vector<512x1xi32>, vector<512x1xi32>, vector<512x1xi32>, vector<512x1xi32>, vector<512x1xi32>, vector<512x1xi32>, vector<512x1xi32>, vector<512x1xi32>, vector<512x1xi32>, vector<512x1xi32>, vector<512x1xi32>, vector<512x1xi32>, vector<512x1xi32>, vector<512x1xi32>, vector<512x1xi32> -> vector<512x16xi32>
    %mul3A_822 = arith.constant 4096 : i32
    %mul3A_823 = arith.muli %arg0, %mul3A_822 : i32
    %add3A_824 = vector.broadcast %mul3A_823 : i32 to vector<512x16xi32>
    %add3A_825 = arith.addi %concatenate3A_821, %add3A_824 : vector<512x16xi32>
    %swap3A = arith.constant 0 : index
    %swap3A_826 = arith.constant 0 : index
    %swap3A_827 = arith.constant 0 : index
    %swap3A_828 = vector.load %arg5[%swap3A, %swap3A_826, %swap3A_827] : memref<1x512x16xi32, #tpu.memory_space<vmem>>, vector<1x512x16xi32>
    %swap3A_829 = vector.shape_cast %swap3A_828 : vector<1x512x16xi32> to vector<512x16xi32>
    %swap3A_830 = vector.shape_cast %add3A_825 : vector<512x16xi32> to vector<1x512x16xi32>
    tpu.vector_store %arg5[%swap3A, %swap3A_826, %swap3A_827], %swap3A_830 {strides = array<i32>} : memref<1x512x16xi32, #tpu.memory_space<vmem>>, vector<1x512x16xi32>,
    return
  }
  func.func @transform_0(%arg0: i32, %arg1: i32) -> (i32, i32, i32) {
    %c0_i32 = arith.constant 0 : i32
    %c0_i32_0 = arith.constant 0 : i32
    return %arg0, %c0_i32, %arg1 : i32, i32, i32
  }
  func.func @transform_1(%arg0: i32, %arg1: i32) -> (i32, i32) {
    %c0_i32 = arith.constant 0 : i32
    %c0_i32_0 = arith.constant 0 : i32
    return %arg0, %c0_i32 : i32, i32
  }
  func.func @transform_2(%arg0: i32, %arg1: i32) -> (i32, i32, i32) {
    %c0_i32 = arith.constant 0 : i32
    %c0_i32_0 = arith.constant 0 : i32
    %c0_i32_1 = arith.constant 0 : i32
    return %arg0, %c0_i32, %c0_i32_0 : i32, i32, i32
  }
  func.func @transform_3(%arg0: i32, %arg1: i32) -> (i32, i32, i32) {
    %c0_i32 = arith.constant 0 : i32
    %c0_i32_0 = arith.constant 0 : i32
    return %arg0, %arg1, %c0_i32 : i32, i32, i32
  }
}

module attributes {stable_mosaic.version = 14 : i64} {
  func.func @_fused_body(%arg0: i32, %arg1: memref<4096x80xf32, #tpu.memory_space<vmem>>, %arg2: memref<1x3x256xf32, #tpu.memory_space<vmem>>, %arg3: memref<1x64x256xf32, #tpu.memory_space<vmem>>, %arg4: memref<64x16xf32, #tpu.memory_space<vmem>>, %arg5: memref<1x64xf32, #tpu.memory_space<vmem>>, %arg6: memref<1x64xf32, #tpu.memory_space<vmem>>, %arg7: memref<1x64xf32, #tpu.memory_space<vmem>>, %arg8: memref<64x64xf32, #tpu.memory_space<vmem>>, %arg9: memref<1x64xf32, #tpu.memory_space<vmem>>, %arg10: memref<256x64xf32, #tpu.memory_space<vmem>>, %arg11: memref<1x256xf32, #tpu.memory_space<vmem>>, %arg12: memref<1x256xf32, #tpu.memory_space<vmem>>, %arg13: memref<1x256xf32, #tpu.memory_space<vmem>>, %arg14: memref<64x256xf32, #tpu.memory_space<vmem>>, %arg15: memref<1x64xf32, #tpu.memory_space<vmem>>, %arg16: memref<1x64x256xf32, #tpu.memory_space<vmem>>, %arg17: memref<24x16xf32, #tpu.memory_space<vmem>>, %arg18: memref<72x64xf32, #tpu.memory_space<vmem>>) attributes {dimension_semantics = [#tpu.dimension_semantics<arbitrary>], iteration_bounds = array<i64: 48>, scalar_prefetch = 0 : i64, scratch_operands = 0 : i64, tpu.core_type = #tpu.core_type<tc>, window_params = [{transform_indices = @transform_0, window_bounds = array<i64: 4096, 80>}, {transform_indices = @transform_1, window_bounds = array<i64: 1, 3, 256>}, {transform_indices = @transform_2, window_bounds = array<i64: 1, 64, 256>}, {pipeline_mode = #tpu.pipeline_mode<synchronous>, transform_indices = @transform_3, window_bounds = array<i64: 64, 16>}, {pipeline_mode = #tpu.pipeline_mode<synchronous>, transform_indices = @transform_4, window_bounds = array<i64: 1, 64>}, {pipeline_mode = #tpu.pipeline_mode<synchronous>, transform_indices = @transform_5, window_bounds = array<i64: 1, 64>}, {pipeline_mode = #tpu.pipeline_mode<synchronous>, transform_indices = @transform_6, window_bounds = array<i64: 1, 64>}, {pipeline_mode = #tpu.pipeline_mode<synchronous>, transform_indices = @transform_7, window_bounds = array<i64: 64, 64>}, {pipeline_mode = #tpu.pipeline_mode<synchronous>, transform_indices = @transform_8, window_bounds = array<i64: 1, 64>}, {pipeline_mode = #tpu.pipeline_mode<synchronous>, transform_indices = @transform_9, window_bounds = array<i64: 256, 64>}, {pipeline_mode = #tpu.pipeline_mode<synchronous>, transform_indices = @transform_10, window_bounds = array<i64: 1, 256>}, {pipeline_mode = #tpu.pipeline_mode<synchronous>, transform_indices = @transform_11, window_bounds = array<i64: 1, 256>}, {pipeline_mode = #tpu.pipeline_mode<synchronous>, transform_indices = @transform_12, window_bounds = array<i64: 1, 256>}, {pipeline_mode = #tpu.pipeline_mode<synchronous>, transform_indices = @transform_13, window_bounds = array<i64: 64, 256>}, {pipeline_mode = #tpu.pipeline_mode<synchronous>, transform_indices = @transform_14, window_bounds = array<i64: 1, 64>}, {transform_indices = @transform_15, window_bounds = array<i64: 1, 64, 256>}, {pipeline_mode = #tpu.pipeline_mode<synchronous>, transform_indices = @transform_16, window_bounds = array<i64: 24, 16>}, {pipeline_mode = #tpu.pipeline_mode<synchronous>, transform_indices = @transform_17, window_bounds = array<i64: 72, 64>}]} {
    %jit3A = arith.constant 16 : i32
    %div3A = arith.divsi %arg0, %jit3A : i32
    %sign3A = arith.constant 0 : i32
    %sign3A_0 = arith.cmpi sgt, %arg0, %sign3A : i32
    %sign3A_1 = arith.extui %sign3A_0 : i1 to i32
    %sign3A_2 = arith.constant 0 : i32
    %sign3A_3 = arith.cmpi slt, %arg0, %sign3A_2 : i32
    %sign3A_4 = arith.extui %sign3A_3 : i1 to i32
    %sign3A_5 = arith.subi %sign3A_1, %sign3A_4 : i32
    %sign3A_6 = arith.constant 0 : i32
    %sign3A_7 = arith.cmpi sgt, %jit3A, %sign3A_6 : i32
    %sign3A_8 = arith.extui %sign3A_7 : i1 to i32
    %sign3A_9 = arith.constant 0 : i32
    %sign3A_10 = arith.cmpi slt, %jit3A, %sign3A_9 : i32
    %sign3A_11 = arith.extui %sign3A_10 : i1 to i32
    %sign3A_12 = arith.subi %sign3A_8, %sign3A_11 : i32
    %ne3A = arith.cmpi ne, %sign3A_5, %sign3A_12 : i32
    %rem3A = arith.remsi %arg0, %jit3A : i32
    %ne3A_13 = arith.constant 0 : i32
    %ne3A_14 = arith.cmpi ne, %rem3A, %ne3A_13 : i32
    %and3A = arith.andi %ne3A, %ne3A_14 : i1
    %sub3A = arith.constant 1 : i32
    %sub3A_15 = arith.subi %div3A, %sub3A : i32
    %select_n3A = arith.select %and3A, %sub3A_15, %div3A : i32
    %eq3A = arith.constant 0 : i32
    %eq3A_16 = arith.cmpi eq, %arg0, %eq3A : i32
    %convert_element_type3A = arith.extui %eq3A_16 : i1 to i32
    %cond3A = arith.constant 0 : i32
    %cond3A_17 = arith.cmpi ne, %convert_element_type3A, %cond3A : i32
    scf.if %cond3A_17 {
      %broadcast_in_dim3A = arith.constant 0.000000e+00 : f32
      %broadcast_in_dim3A_38 = vector.broadcast %broadcast_in_dim3A : f32 to vector<24x16xf32>
      %swap3A = arith.constant 0 : index
      %swap3A_39 = arith.constant 0 : index
      %swap3A_40 = vector.load %arg17[%swap3A, %swap3A_39] : memref<24x16xf32, #tpu.memory_space<vmem>>, vector<24x16xf32>
      tpu.vector_store %arg17[%swap3A, %swap3A_39], %broadcast_in_dim3A_38 {strides = array<i32>} : memref<24x16xf32, #tpu.memory_space<vmem>>, vector<24x16xf32>,
    } else {
    }
    %eq3A_18 = arith.constant 16 : i32
    %eq3A_19 = arith.cmpi eq, %arg0, %eq3A_18 : i32
    %convert_element_type3A_20 = arith.extui %eq3A_19 : i1 to i32
    %cond3A_21 = arith.constant 0 : i32
    %cond3A_22 = arith.cmpi ne, %convert_element_type3A_20, %cond3A_21 : i32
    scf.if %cond3A_22 {
      %broadcast_in_dim3A = arith.constant 0.000000e+00 : f32
      %broadcast_in_dim3A_38 = vector.broadcast %broadcast_in_dim3A : f32 to vector<72x64xf32>
      %swap3A = arith.constant 0 : index
      %swap3A_39 = arith.constant 0 : index
      %swap3A_40 = vector.load %arg18[%swap3A, %swap3A_39] : memref<72x64xf32, #tpu.memory_space<vmem>>, vector<72x64xf32>
      tpu.vector_store %arg18[%swap3A, %swap3A_39], %broadcast_in_dim3A_38 {strides = array<i32>} : memref<72x64xf32, #tpu.memory_space<vmem>>, vector<72x64xf32>,
    } else {
    }
    %eq3A_23 = arith.constant 0 : i32
    %eq3A_24 = arith.cmpi eq, %select_n3A, %eq3A_23 : i32
    %convert_element_type3A_25 = arith.extui %eq3A_24 : i1 to i32
    %cond3A_26 = arith.constant 0 : i32
    %cond3A_27 = arith.cmpi ne, %convert_element_type3A_25, %cond3A_26 : i32
    scf.if %cond3A_27 {
      %get3A = arith.constant 0 : index
      %get3A_38 = arith.constant 64 : index
      %get3A_39 = vector.load %arg1[%get3A, %get3A_38] : memref<4096x80xf32, #tpu.memory_space<vmem>>, vector<4096x16xf32>
      %get3A_40 = arith.constant 0 : index
      %get3A_41 = arith.constant 0 : index
      %get3A_42 = arith.constant 0 : index
      %get3A_43 = vector.load %arg2[%get3A_40, %get3A_41, %get3A_42] : memref<1x3x256xf32, #tpu.memory_space<vmem>>, vector<1x3x256xf32>
      %get3A_44 = vector.shape_cast %get3A_43 : vector<1x3x256xf32> to vector<3x256xf32>
      %broadcast_in_dim3A = arith.constant 0.000000e+00 : f32
      %broadcast_in_dim3A_45 = vector.broadcast %broadcast_in_dim3A : f32 to vector<13x256xf32>
      %concatenate3A = tpu.concatenate %get3A_44, %broadcast_in_dim3A_45 in 0 : vector<3x256xf32>, vector<13x256xf32> -> vector<16x256xf32>
      %transpose3A = tpu.transpose %concatenate3A, [1, 0] : vector<16x256xf32> -> vector<256x16xf32>
      %broadcast_in_dim3A_46 = vector.shape_cast %transpose3A : vector<256x16xf32> to vector<256x1x16xf32>
      %broadcast_in_dim3A_47 = vector.shape_cast %broadcast_in_dim3A_46 : vector<256x1x16xf32> to vector<256x1x16xf32>
      %broadcast_in_dim3A_48 = vector.broadcast %broadcast_in_dim3A_47 : vector<256x1x16xf32> to vector<256x16x16xf32>
      %reshape3A = vector.shape_cast %broadcast_in_dim3A_48 : vector<256x16x16xf32> to vector<4096x16xf32>
      %sub3A_49 = arith.subf %reshape3A, %get3A_39 : vector<4096x16xf32>
      %dot_general3A = arith.constant dense<0.000000e+00> : vector<16x16xf32>
      %dot_general3A_50 = tpu.matmul %sub3A_49, %sub3A_49, %dot_general3A {dimension_numbers = #tpu.dot_dimension_numbers<[0], [0], [1], [1], [0, 1, 1, 1], [], []>, transpose_lhs_hint = false} : vector<4096x16xf32>, vector<4096x16xf32>, vector<16x16xf32> -> vector<16x16xf32>
      %get3A_51 = arith.constant 0 : index
      %get3A_52 = arith.constant 0 : index
      %get3A_53 = vector.load %arg17[%get3A_51, %get3A_52] : memref<24x16xf32, #tpu.memory_space<vmem>>, vector<16x16xf32>
      %add3A = arith.addf %get3A_53, %dot_general3A_50 : vector<16x16xf32>
      %swap3A = arith.constant 0 : index
      %swap3A_54 = arith.constant 0 : index
      %swap3A_55 = vector.load %arg17[%swap3A, %swap3A_54] : memref<24x16xf32, #tpu.memory_space<vmem>>, vector<16x16xf32>
      tpu.vector_store %arg17[%swap3A, %swap3A_54], %add3A {strides = array<i32>} : memref<24x16xf32, #tpu.memory_space<vmem>>, vector<16x16xf32>,
      %get3A_56 = arith.constant 16 : index
      %get3A_57 = arith.constant 0 : index
      %get3A_58 = vector.load %arg17[%get3A_56, %get3A_57] : memref<24x16xf32, #tpu.memory_space<vmem>>, vector<1x16xf32>
      %reduce_sum3A = arith.constant dense<0.000000e+00> : vector<16xf32>
      %reduce_sum3A_59 = vector.multi_reduction <add>, %sub3A_49, %reduce_sum3A [0] : vector<4096x16xf32> to vector<16xf32>
      %broadcast_in_dim3A_60 = vector.shape_cast %reduce_sum3A_59 : vector<16xf32> to vector<1x16xf32>
      %add3A_61 = arith.addf %get3A_58, %broadcast_in_dim3A_60 : vector<1x16xf32>
      %swap3A_62 = arith.constant 16 : index
      %swap3A_63 = arith.constant 0 : index
      %swap3A_64 = vector.load %arg17[%swap3A_62, %swap3A_63] : memref<24x16xf32, #tpu.memory_space<vmem>>, vector<1x16xf32>
      tpu.vector_store %arg17[%swap3A_62, %swap3A_63], %add3A_61 {strides = array<i32>} : memref<24x16xf32, #tpu.memory_space<vmem>>, vector<1x16xf32>,
    } else {
    }
    %eq3A_28 = arith.constant 1 : i32
    %eq3A_29 = arith.cmpi eq, %select_n3A, %eq3A_28 : i32
    %convert_element_type3A_30 = arith.extui %eq3A_29 : i1 to i32
    %cond3A_31 = arith.constant 0 : i32
    %cond3A_32 = arith.cmpi ne, %convert_element_type3A_30, %cond3A_31 : i32
    scf.if %cond3A_32 {
      %get3A = arith.constant 0 : index
      %get3A_38 = arith.constant 0 : index
      %get3A_39 = vector.load %arg17[%get3A, %get3A_38] : memref<24x16xf32, #tpu.memory_space<vmem>>, vector<24x16xf32>
      %get3A_40 = arith.constant 0 : index
      %get3A_41 = arith.constant 0 : index
      %get3A_42 = vector.load %arg4[%get3A_40, %get3A_41] : memref<64x16xf32, #tpu.memory_space<vmem>>, vector<64x16xf32>
      %get3A_43 = arith.constant 0 : index
      %get3A_44 = arith.constant 0 : index
      %get3A_45 = vector.load %arg5[%get3A_43, %get3A_44] : memref<1x64xf32, #tpu.memory_space<vmem>>, vector<1x64xf32>
      %slice3A = vector.extract_strided_slice %get3A_39 {offsets = [16, 0], sizes = [1, 16], strides = [1, 1]} : vector<24x16xf32> to vector<1x16xf32>
      %slice3A_46 = vector.extract_strided_slice %get3A_39 {offsets = [0, 0], sizes = [16, 16], strides = [1, 1]} : vector<24x16xf32> to vector<16x16xf32>
      %div3A_47 = arith.constant 6.553600e+04 : f32
      %div3A_48 = vector.broadcast %div3A_47 : f32 to vector<1x16xf32>
      %div3A_49 = arith.divf %slice3A, %div3A_48 : vector<1x16xf32>
      %div3A_50 = arith.constant 6.553600e+04 : f32
      %div3A_51 = vector.broadcast %div3A_50 : f32 to vector<16x16xf32>
      %div3A_52 = arith.divf %slice3A_46, %div3A_51 : vector<16x16xf32>
      %reshape3A = vector.shape_cast %div3A_49 : vector<1x16xf32> to vector<16x1xf32>
      %mul3A = vector.broadcast %div3A_49 : vector<1x16xf32> to vector<16x16xf32>
      %mul3A_53 = vector.broadcast %reshape3A : vector<16x1xf32> to vector<16x16xf32>
      %mul3A_54 = arith.mulf %mul3A, %mul3A_53 : vector<16x16xf32>
      %sub3A_55 = arith.subf %div3A_52, %mul3A_54 : vector<16x16xf32>
      %dot_general3A = arith.constant dense<0.000000e+00> : vector<1x64xf32>
      %dot_general3A_56 = tpu.matmul %div3A_49, %get3A_42, %dot_general3A {dimension_numbers = #tpu.dot_dimension_numbers<[1], [1], [0], [0], [0, 0, 1, 0], [], []>, transpose_lhs_hint = false} : vector<1x16xf32>, vector<64x16xf32>, vector<1x64xf32> -> vector<1x64xf32>
      %add3A = arith.addf %dot_general3A_56, %get3A_45 : vector<1x64xf32>
      %dot_general3A_57 = arith.constant dense<0.000000e+00> : vector<64x16xf32>
      %dot_general3A_58 = tpu.matmul %get3A_42, %sub3A_55, %dot_general3A_57 {dimension_numbers = #tpu.dot_dimension_numbers<[1], [0], [0], [1], [0, 0, 1, 1], [], []>, transpose_lhs_hint = false} : vector<64x16xf32>, vector<16x16xf32>, vector<64x16xf32> -> vector<64x16xf32>
      %mul3A_59 = arith.mulf %dot_general3A_58, %get3A_42 : vector<64x16xf32>
      %reduce_sum3A = arith.constant dense<0.000000e+00> : vector<64xf32>
      %reduce_sum3A_60 = vector.multi_reduction <add>, %mul3A_59, %reduce_sum3A [1] : vector<64x16xf32> to vector<64xf32>
      %reshape3A_61 = vector.shape_cast %reduce_sum3A_60 : vector<64xf32> to vector<1x64xf32>
      %get3A_62 = arith.constant 0 : index
      %get3A_63 = arith.constant 64 : index
      %get3A_64 = vector.load %arg1[%get3A_62, %get3A_63] : memref<4096x80xf32, #tpu.memory_space<vmem>>, vector<4096x16xf32>
      %get3A_65 = arith.constant 0 : index
      %get3A_66 = arith.constant 0 : index
      %get3A_67 = arith.constant 0 : index
      %get3A_68 = vector.load %arg2[%get3A_65, %get3A_66, %get3A_67] : memref<1x3x256xf32, #tpu.memory_space<vmem>>, vector<1x3x256xf32>
      %get3A_69 = vector.shape_cast %get3A_68 : vector<1x3x256xf32> to vector<3x256xf32>
      %broadcast_in_dim3A = arith.constant 0.000000e+00 : f32
      %broadcast_in_dim3A_70 = vector.broadcast %broadcast_in_dim3A : f32 to vector<13x256xf32>
      %concatenate3A = tpu.concatenate %get3A_69, %broadcast_in_dim3A_70 in 0 : vector<3x256xf32>, vector<13x256xf32> -> vector<16x256xf32>
      %transpose3A = tpu.transpose %concatenate3A, [1, 0] : vector<16x256xf32> -> vector<256x16xf32>
      %broadcast_in_dim3A_71 = vector.shape_cast %transpose3A : vector<256x16xf32> to vector<256x1x16xf32>
      %broadcast_in_dim3A_72 = vector.shape_cast %broadcast_in_dim3A_71 : vector<256x1x16xf32> to vector<256x1x16xf32>
      %broadcast_in_dim3A_73 = vector.broadcast %broadcast_in_dim3A_72 : vector<256x1x16xf32> to vector<256x16x16xf32>
      %reshape3A_74 = vector.shape_cast %broadcast_in_dim3A_73 : vector<256x16x16xf32> to vector<4096x16xf32>
      %sub3A_75 = arith.subf %reshape3A_74, %get3A_64 : vector<4096x16xf32>
      %get3A_76 = arith.constant 0 : index
      %get3A_77 = arith.constant 0 : index
      %get3A_78 = vector.load %arg4[%get3A_76, %get3A_77] : memref<64x16xf32, #tpu.memory_space<vmem>>, vector<64x16xf32>
      %dot_general3A_79 = arith.constant dense<0.000000e+00> : vector<4096x64xf32>
      %dot_general3A_80 = tpu.matmul %sub3A_75, %get3A_78, %dot_general3A_79 {dimension_numbers = #tpu.dot_dimension_numbers<[1], [1], [0], [0], [0, 0, 1, 0], [], []>, transpose_lhs_hint = false} : vector<4096x16xf32>, vector<64x16xf32>, vector<4096x64xf32> -> vector<4096x64xf32>
      %get3A_81 = arith.constant 0 : index
      %get3A_82 = arith.constant 0 : index
      %get3A_83 = vector.load %arg5[%get3A_81, %get3A_82] : memref<1x64xf32, #tpu.memory_space<vmem>>, vector<1x64xf32>
      %add3A_84 = vector.broadcast %get3A_83 : vector<1x64xf32> to vector<4096x64xf32>
      %add3A_85 = arith.addf %dot_general3A_80, %add3A_84 : vector<4096x64xf32>
      %sub3A_86 = vector.broadcast %add3A : vector<1x64xf32> to vector<4096x64xf32>
      %sub3A_87 = arith.subf %add3A_85, %sub3A_86 : vector<4096x64xf32>
      %add3A_88 = arith.constant 9.99999974E-6 : f32
      %add3A_89 = vector.broadcast %add3A_88 : f32 to vector<1x64xf32>
      %add3A_90 = arith.addf %reshape3A_61, %add3A_89 : vector<1x64xf32>
      %rsqrt3A = math.rsqrt %add3A_90 : vector<1x64xf32>
      %mul3A_91 = vector.broadcast %rsqrt3A : vector<1x64xf32> to vector<4096x64xf32>
      %mul3A_92 = arith.mulf %sub3A_87, %mul3A_91 : vector<4096x64xf32>
      %get3A_93 = arith.constant 0 : index
      %get3A_94 = arith.constant 0 : index
      %get3A_95 = vector.load %arg6[%get3A_93, %get3A_94] : memref<1x64xf32, #tpu.memory_space<vmem>>, vector<1x64xf32>
      %mul3A_96 = vector.broadcast %get3A_95 : vector<1x64xf32> to vector<4096x64xf32>
      %mul3A_97 = arith.mulf %mul3A_92, %mul3A_96 : vector<4096x64xf32>
      %get3A_98 = arith.constant 0 : index
      %get3A_99 = arith.constant 0 : index
      %get3A_100 = vector.load %arg7[%get3A_98, %get3A_99] : memref<1x64xf32, #tpu.memory_space<vmem>>, vector<1x64xf32>
      %add3A_101 = vector.broadcast %get3A_100 : vector<1x64xf32> to vector<4096x64xf32>
      %add3A_102 = arith.addf %mul3A_97, %add3A_101 : vector<4096x64xf32>
      %max3A = arith.constant 0.000000e+00 : f32
      %max3A_103 = vector.broadcast %max3A : f32 to vector<4096x64xf32>
      %max3A_104 = arith.maximumf %add3A_102, %max3A_103 : vector<4096x64xf32>
      %get3A_105 = arith.constant 0 : index
      %get3A_106 = arith.constant 0 : index
      %get3A_107 = vector.load %arg8[%get3A_105, %get3A_106] : memref<64x64xf32, #tpu.memory_space<vmem>>, vector<64x64xf32>
      %dot_general3A_108 = arith.constant dense<0.000000e+00> : vector<4096x64xf32>
      %dot_general3A_109 = tpu.matmul %max3A_104, %get3A_107, %dot_general3A_108 {dimension_numbers = #tpu.dot_dimension_numbers<[1], [1], [0], [0], [0, 0, 1, 0], [], []>, transpose_lhs_hint = false} : vector<4096x64xf32>, vector<64x64xf32>, vector<4096x64xf32> -> vector<4096x64xf32>
      %get3A_110 = arith.constant 0 : index
      %get3A_111 = arith.constant 0 : index
      %get3A_112 = vector.load %arg9[%get3A_110, %get3A_111] : memref<1x64xf32, #tpu.memory_space<vmem>>, vector<1x64xf32>
      %add3A_113 = vector.broadcast %get3A_112 : vector<1x64xf32> to vector<4096x64xf32>
      %add3A_114 = arith.addf %dot_general3A_109, %add3A_113 : vector<4096x64xf32>
      %get3A_115 = arith.constant 0 : index
      %get3A_116 = arith.constant 0 : index
      %get3A_117 = arith.constant 0 : index
      %get3A_118 = vector.load %arg3[%get3A_115, %get3A_116, %get3A_117] : memref<1x64x256xf32, #tpu.memory_space<vmem>>, vector<1x64x256xf32>
      %get3A_119 = vector.shape_cast %get3A_118 : vector<1x64x256xf32> to vector<64x256xf32>
      %transpose3A_120 = tpu.transpose %get3A_119, [1, 0] : vector<64x256xf32> -> vector<256x64xf32>
      %broadcast_in_dim3A_121 = vector.shape_cast %transpose3A_120 : vector<256x64xf32> to vector<256x1x64xf32>
      %broadcast_in_dim3A_122 = vector.shape_cast %broadcast_in_dim3A_121 : vector<256x1x64xf32> to vector<256x1x64xf32>
      %broadcast_in_dim3A_123 = vector.broadcast %broadcast_in_dim3A_122 : vector<256x1x64xf32> to vector<256x16x64xf32>
      %reshape3A_124 = vector.shape_cast %broadcast_in_dim3A_123 : vector<256x16x64xf32> to vector<4096x64xf32>
      %get3A_125 = arith.constant 0 : index
      %get3A_126 = arith.constant 0 : index
      %get3A_127 = vector.load %arg1[%get3A_125, %get3A_126] : memref<4096x80xf32, #tpu.memory_space<vmem>>, vector<4096x64xf32>
      %sub3A_128 = arith.subf %reshape3A_124, %get3A_127 : vector<4096x64xf32>
      %add3A_129 = arith.addf %sub3A_128, %add3A_114 : vector<4096x64xf32>
      %dot_general3A_130 = arith.constant dense<0.000000e+00> : vector<64x64xf32>
      %dot_general3A_131 = tpu.matmul %add3A_129, %add3A_129, %dot_general3A_130 {dimension_numbers = #tpu.dot_dimension_numbers<[0], [0], [1], [1], [0, 1, 1, 1], [], []>, transpose_lhs_hint = false} : vector<4096x64xf32>, vector<4096x64xf32>, vector<64x64xf32> -> vector<64x64xf32>
      %get3A_132 = arith.constant 0 : index
      %get3A_133 = arith.constant 0 : index
      %get3A_134 = vector.load %arg18[%get3A_132, %get3A_133] : memref<72x64xf32, #tpu.memory_space<vmem>>, vector<64x64xf32>
      %add3A_135 = arith.addf %get3A_134, %dot_general3A_131 : vector<64x64xf32>
      %swap3A = arith.constant 0 : index
      %swap3A_136 = arith.constant 0 : index
      %swap3A_137 = vector.load %arg18[%swap3A, %swap3A_136] : memref<72x64xf32, #tpu.memory_space<vmem>>, vector<64x64xf32>
      tpu.vector_store %arg18[%swap3A, %swap3A_136], %add3A_135 {strides = array<i32>} : memref<72x64xf32, #tpu.memory_space<vmem>>, vector<64x64xf32>,
      %get3A_138 = arith.constant 64 : index
      %get3A_139 = arith.constant 0 : index
      %get3A_140 = vector.load %arg18[%get3A_138, %get3A_139] : memref<72x64xf32, #tpu.memory_space<vmem>>, vector<1x64xf32>
      %reduce_sum3A_141 = arith.constant dense<0.000000e+00> : vector<64xf32>
      %reduce_sum3A_142 = vector.multi_reduction <add>, %add3A_129, %reduce_sum3A_141 [0] : vector<4096x64xf32> to vector<64xf32>
      %broadcast_in_dim3A_143 = vector.shape_cast %reduce_sum3A_142 : vector<64xf32> to vector<1x64xf32>
      %add3A_144 = arith.addf %get3A_140, %broadcast_in_dim3A_143 : vector<1x64xf32>
      %swap3A_145 = arith.constant 64 : index
      %swap3A_146 = arith.constant 0 : index
      %swap3A_147 = vector.load %arg18[%swap3A_145, %swap3A_146] : memref<72x64xf32, #tpu.memory_space<vmem>>, vector<1x64xf32>
      tpu.vector_store %arg18[%swap3A_145, %swap3A_146], %add3A_144 {strides = array<i32>} : memref<72x64xf32, #tpu.memory_space<vmem>>, vector<1x64xf32>,
    } else {
    }
    %eq3A_33 = arith.constant 2 : i32
    %eq3A_34 = arith.cmpi eq, %select_n3A, %eq3A_33 : i32
    %convert_element_type3A_35 = arith.extui %eq3A_34 : i1 to i32
    %cond3A_36 = arith.constant 0 : i32
    %cond3A_37 = arith.cmpi ne, %convert_element_type3A_35, %cond3A_36 : i32
    scf.if %cond3A_37 {
      %get3A = arith.constant 0 : index
      %get3A_38 = arith.constant 0 : index
      %get3A_39 = vector.load %arg17[%get3A, %get3A_38] : memref<24x16xf32, #tpu.memory_space<vmem>>, vector<24x16xf32>
      %get3A_40 = arith.constant 0 : index
      %get3A_41 = arith.constant 0 : index
      %get3A_42 = vector.load %arg4[%get3A_40, %get3A_41] : memref<64x16xf32, #tpu.memory_space<vmem>>, vector<64x16xf32>
      %get3A_43 = arith.constant 0 : index
      %get3A_44 = arith.constant 0 : index
      %get3A_45 = vector.load %arg5[%get3A_43, %get3A_44] : memref<1x64xf32, #tpu.memory_space<vmem>>, vector<1x64xf32>
      %slice3A = vector.extract_strided_slice %get3A_39 {offsets = [16, 0], sizes = [1, 16], strides = [1, 1]} : vector<24x16xf32> to vector<1x16xf32>
      %slice3A_46 = vector.extract_strided_slice %get3A_39 {offsets = [0, 0], sizes = [16, 16], strides = [1, 1]} : vector<24x16xf32> to vector<16x16xf32>
      %div3A_47 = arith.constant 6.553600e+04 : f32
      %div3A_48 = vector.broadcast %div3A_47 : f32 to vector<1x16xf32>
      %div3A_49 = arith.divf %slice3A, %div3A_48 : vector<1x16xf32>
      %div3A_50 = arith.constant 6.553600e+04 : f32
      %div3A_51 = vector.broadcast %div3A_50 : f32 to vector<16x16xf32>
      %div3A_52 = arith.divf %slice3A_46, %div3A_51 : vector<16x16xf32>
      %reshape3A = vector.shape_cast %div3A_49 : vector<1x16xf32> to vector<16x1xf32>
      %mul3A = vector.broadcast %div3A_49 : vector<1x16xf32> to vector<16x16xf32>
      %mul3A_53 = vector.broadcast %reshape3A : vector<16x1xf32> to vector<16x16xf32>
      %mul3A_54 = arith.mulf %mul3A, %mul3A_53 : vector<16x16xf32>
      %sub3A_55 = arith.subf %div3A_52, %mul3A_54 : vector<16x16xf32>
      %dot_general3A = arith.constant dense<0.000000e+00> : vector<1x64xf32>
      %dot_general3A_56 = tpu.matmul %div3A_49, %get3A_42, %dot_general3A {dimension_numbers = #tpu.dot_dimension_numbers<[1], [1], [0], [0], [0, 0, 1, 0], [], []>, transpose_lhs_hint = false} : vector<1x16xf32>, vector<64x16xf32>, vector<1x64xf32> -> vector<1x64xf32>
      %add3A = arith.addf %dot_general3A_56, %get3A_45 : vector<1x64xf32>
      %dot_general3A_57 = arith.constant dense<0.000000e+00> : vector<64x16xf32>
      %dot_general3A_58 = tpu.matmul %get3A_42, %sub3A_55, %dot_general3A_57 {dimension_numbers = #tpu.dot_dimension_numbers<[1], [0], [0], [1], [0, 0, 1, 1], [], []>, transpose_lhs_hint = false} : vector<64x16xf32>, vector<16x16xf32>, vector<64x16xf32> -> vector<64x16xf32>
      %mul3A_59 = arith.mulf %dot_general3A_58, %get3A_42 : vector<64x16xf32>
      %reduce_sum3A = arith.constant dense<0.000000e+00> : vector<64xf32>
      %reduce_sum3A_60 = vector.multi_reduction <add>, %mul3A_59, %reduce_sum3A [1] : vector<64x16xf32> to vector<64xf32>
      %reshape3A_61 = vector.shape_cast %reduce_sum3A_60 : vector<64xf32> to vector<1x64xf32>
      %get3A_62 = arith.constant 0 : index
      %get3A_63 = arith.constant 64 : index
      %get3A_64 = vector.load %arg1[%get3A_62, %get3A_63] : memref<4096x80xf32, #tpu.memory_space<vmem>>, vector<4096x16xf32>
      %get3A_65 = arith.constant 0 : index
      %get3A_66 = arith.constant 0 : index
      %get3A_67 = arith.constant 0 : index
      %get3A_68 = vector.load %arg2[%get3A_65, %get3A_66, %get3A_67] : memref<1x3x256xf32, #tpu.memory_space<vmem>>, vector<1x3x256xf32>
      %get3A_69 = vector.shape_cast %get3A_68 : vector<1x3x256xf32> to vector<3x256xf32>
      %broadcast_in_dim3A = arith.constant 0.000000e+00 : f32
      %broadcast_in_dim3A_70 = vector.broadcast %broadcast_in_dim3A : f32 to vector<13x256xf32>
      %concatenate3A = tpu.concatenate %get3A_69, %broadcast_in_dim3A_70 in 0 : vector<3x256xf32>, vector<13x256xf32> -> vector<16x256xf32>
      %transpose3A = tpu.transpose %concatenate3A, [1, 0] : vector<16x256xf32> -> vector<256x16xf32>
      %broadcast_in_dim3A_71 = vector.shape_cast %transpose3A : vector<256x16xf32> to vector<256x1x16xf32>
      %broadcast_in_dim3A_72 = vector.shape_cast %broadcast_in_dim3A_71 : vector<256x1x16xf32> to vector<256x1x16xf32>
      %broadcast_in_dim3A_73 = vector.broadcast %broadcast_in_dim3A_72 : vector<256x1x16xf32> to vector<256x16x16xf32>
      %reshape3A_74 = vector.shape_cast %broadcast_in_dim3A_73 : vector<256x16x16xf32> to vector<4096x16xf32>
      %sub3A_75 = arith.subf %reshape3A_74, %get3A_64 : vector<4096x16xf32>
      %get3A_76 = arith.constant 0 : index
      %get3A_77 = arith.constant 0 : index
      %get3A_78 = vector.load %arg4[%get3A_76, %get3A_77] : memref<64x16xf32, #tpu.memory_space<vmem>>, vector<64x16xf32>
      %dot_general3A_79 = arith.constant dense<0.000000e+00> : vector<4096x64xf32>
      %dot_general3A_80 = tpu.matmul %sub3A_75, %get3A_78, %dot_general3A_79 {dimension_numbers = #tpu.dot_dimension_numbers<[1], [1], [0], [0], [0, 0, 1, 0], [], []>, transpose_lhs_hint = false} : vector<4096x16xf32>, vector<64x16xf32>, vector<4096x64xf32> -> vector<4096x64xf32>
      %get3A_81 = arith.constant 0 : index
      %get3A_82 = arith.constant 0 : index
      %get3A_83 = vector.load %arg5[%get3A_81, %get3A_82] : memref<1x64xf32, #tpu.memory_space<vmem>>, vector<1x64xf32>
      %add3A_84 = vector.broadcast %get3A_83 : vector<1x64xf32> to vector<4096x64xf32>
      %add3A_85 = arith.addf %dot_general3A_80, %add3A_84 : vector<4096x64xf32>
      %sub3A_86 = vector.broadcast %add3A : vector<1x64xf32> to vector<4096x64xf32>
      %sub3A_87 = arith.subf %add3A_85, %sub3A_86 : vector<4096x64xf32>
      %add3A_88 = arith.constant 9.99999974E-6 : f32
      %add3A_89 = vector.broadcast %add3A_88 : f32 to vector<1x64xf32>
      %add3A_90 = arith.addf %reshape3A_61, %add3A_89 : vector<1x64xf32>
      %rsqrt3A = math.rsqrt %add3A_90 : vector<1x64xf32>
      %mul3A_91 = vector.broadcast %rsqrt3A : vector<1x64xf32> to vector<4096x64xf32>
      %mul3A_92 = arith.mulf %sub3A_87, %mul3A_91 : vector<4096x64xf32>
      %get3A_93 = arith.constant 0 : index
      %get3A_94 = arith.constant 0 : index
      %get3A_95 = vector.load %arg6[%get3A_93, %get3A_94] : memref<1x64xf32, #tpu.memory_space<vmem>>, vector<1x64xf32>
      %mul3A_96 = vector.broadcast %get3A_95 : vector<1x64xf32> to vector<4096x64xf32>
      %mul3A_97 = arith.mulf %mul3A_92, %mul3A_96 : vector<4096x64xf32>
      %get3A_98 = arith.constant 0 : index
      %get3A_99 = arith.constant 0 : index
      %get3A_100 = vector.load %arg7[%get3A_98, %get3A_99] : memref<1x64xf32, #tpu.memory_space<vmem>>, vector<1x64xf32>
      %add3A_101 = vector.broadcast %get3A_100 : vector<1x64xf32> to vector<4096x64xf32>
      %add3A_102 = arith.addf %mul3A_97, %add3A_101 : vector<4096x64xf32>
      %max3A = arith.constant 0.000000e+00 : f32
      %max3A_103 = vector.broadcast %max3A : f32 to vector<4096x64xf32>
      %max3A_104 = arith.maximumf %add3A_102, %max3A_103 : vector<4096x64xf32>
      %get3A_105 = arith.constant 0 : index
      %get3A_106 = arith.constant 0 : index
      %get3A_107 = vector.load %arg8[%get3A_105, %get3A_106] : memref<64x64xf32, #tpu.memory_space<vmem>>, vector<64x64xf32>
      %dot_general3A_108 = arith.constant dense<0.000000e+00> : vector<4096x64xf32>
      %dot_general3A_109 = tpu.matmul %max3A_104, %get3A_107, %dot_general3A_108 {dimension_numbers = #tpu.dot_dimension_numbers<[1], [1], [0], [0], [0, 0, 1, 0], [], []>, transpose_lhs_hint = false} : vector<4096x64xf32>, vector<64x64xf32>, vector<4096x64xf32> -> vector<4096x64xf32>
      %get3A_110 = arith.constant 0 : index
      %get3A_111 = arith.constant 0 : index
      %get3A_112 = vector.load %arg9[%get3A_110, %get3A_111] : memref<1x64xf32, #tpu.memory_space<vmem>>, vector<1x64xf32>
      %add3A_113 = vector.broadcast %get3A_112 : vector<1x64xf32> to vector<4096x64xf32>
      %add3A_114 = arith.addf %dot_general3A_109, %add3A_113 : vector<4096x64xf32>
      %get3A_115 = arith.constant 0 : index
      %get3A_116 = arith.constant 0 : index
      %get3A_117 = vector.load %arg18[%get3A_115, %get3A_116] : memref<72x64xf32, #tpu.memory_space<vmem>>, vector<72x64xf32>
      %get3A_118 = arith.constant 0 : index
      %get3A_119 = arith.constant 0 : index
      %get3A_120 = vector.load %arg10[%get3A_118, %get3A_119] : memref<256x64xf32, #tpu.memory_space<vmem>>, vector<256x64xf32>
      %get3A_121 = arith.constant 0 : index
      %get3A_122 = arith.constant 0 : index
      %get3A_123 = vector.load %arg11[%get3A_121, %get3A_122] : memref<1x256xf32, #tpu.memory_space<vmem>>, vector<1x256xf32>
      %slice3A_124 = vector.extract_strided_slice %get3A_117 {offsets = [64, 0], sizes = [1, 64], strides = [1, 1]} : vector<72x64xf32> to vector<1x64xf32>
      %slice3A_125 = vector.extract_strided_slice %get3A_117 {offsets = [0, 0], sizes = [64, 64], strides = [1, 1]} : vector<72x64xf32> to vector<64x64xf32>
      %div3A_126 = arith.constant 6.553600e+04 : f32
      %div3A_127 = vector.broadcast %div3A_126 : f32 to vector<1x64xf32>
      %div3A_128 = arith.divf %slice3A_124, %div3A_127 : vector<1x64xf32>
      %div3A_129 = arith.constant 6.553600e+04 : f32
      %div3A_130 = vector.broadcast %div3A_129 : f32 to vector<64x64xf32>
      %div3A_131 = arith.divf %slice3A_125, %div3A_130 : vector<64x64xf32>
      %reshape3A_132 = vector.shape_cast %div3A_128 : vector<1x64xf32> to vector<64x1xf32>
      %mul3A_133 = vector.broadcast %div3A_128 : vector<1x64xf32> to vector<64x64xf32>
      %mul3A_134 = vector.broadcast %reshape3A_132 : vector<64x1xf32> to vector<64x64xf32>
      %mul3A_135 = arith.mulf %mul3A_133, %mul3A_134 : vector<64x64xf32>
      %sub3A_136 = arith.subf %div3A_131, %mul3A_135 : vector<64x64xf32>
      %dot_general3A_137 = arith.constant dense<0.000000e+00> : vector<1x256xf32>
      %dot_general3A_138 = tpu.matmul %div3A_128, %get3A_120, %dot_general3A_137 {dimension_numbers = #tpu.dot_dimension_numbers<[1], [1], [0], [0], [0, 0, 1, 0], [], []>, transpose_lhs_hint = false} : vector<1x64xf32>, vector<256x64xf32>, vector<1x256xf32> -> vector<1x256xf32>
      %add3A_139 = arith.addf %dot_general3A_138, %get3A_123 : vector<1x256xf32>
      %dot_general3A_140 = arith.constant dense<0.000000e+00> : vector<256x64xf32>
      %dot_general3A_141 = tpu.matmul %get3A_120, %sub3A_136, %dot_general3A_140 {dimension_numbers = #tpu.dot_dimension_numbers<[1], [0], [0], [1], [0, 0, 1, 1], [], []>, transpose_lhs_hint = false} : vector<256x64xf32>, vector<64x64xf32>, vector<256x64xf32> -> vector<256x64xf32>
      %mul3A_142 = arith.mulf %dot_general3A_141, %get3A_120 : vector<256x64xf32>
      %reduce_sum3A_143 = arith.constant dense<0.000000e+00> : vector<256xf32>
      %reduce_sum3A_144 = vector.multi_reduction <add>, %mul3A_142, %reduce_sum3A_143 [1] : vector<256x64xf32> to vector<256xf32>
      %reshape3A_145 = vector.shape_cast %reduce_sum3A_144 : vector<256xf32> to vector<1x256xf32>
      %get3A_146 = arith.constant 0 : index
      %get3A_147 = arith.constant 0 : index
      %get3A_148 = arith.constant 0 : index
      %get3A_149 = vector.load %arg3[%get3A_146, %get3A_147, %get3A_148] : memref<1x64x256xf32, #tpu.memory_space<vmem>>, vector<1x64x256xf32>
      %get3A_150 = vector.shape_cast %get3A_149 : vector<1x64x256xf32> to vector<64x256xf32>
      %transpose3A_151 = tpu.transpose %get3A_150, [1, 0] : vector<64x256xf32> -> vector<256x64xf32>
      %broadcast_in_dim3A_152 = vector.shape_cast %transpose3A_151 : vector<256x64xf32> to vector<256x1x64xf32>
      %broadcast_in_dim3A_153 = vector.shape_cast %broadcast_in_dim3A_152 : vector<256x1x64xf32> to vector<256x1x64xf32>
      %broadcast_in_dim3A_154 = vector.broadcast %broadcast_in_dim3A_153 : vector<256x1x64xf32> to vector<256x16x64xf32>
      %reshape3A_155 = vector.shape_cast %broadcast_in_dim3A_154 : vector<256x16x64xf32> to vector<4096x64xf32>
      %get3A_156 = arith.constant 0 : index
      %get3A_157 = arith.constant 0 : index
      %get3A_158 = vector.load %arg1[%get3A_156, %get3A_157] : memref<4096x80xf32, #tpu.memory_space<vmem>>, vector<4096x64xf32>
      %sub3A_159 = arith.subf %reshape3A_155, %get3A_158 : vector<4096x64xf32>
      %add3A_160 = arith.addf %sub3A_159, %add3A_114 : vector<4096x64xf32>
      %get3A_161 = arith.constant 0 : index
      %get3A_162 = arith.constant 0 : index
      %get3A_163 = vector.load %arg10[%get3A_161, %get3A_162] : memref<256x64xf32, #tpu.memory_space<vmem>>, vector<256x64xf32>
      %dot_general3A_164 = arith.constant dense<0.000000e+00> : vector<4096x256xf32>
      %dot_general3A_165 = tpu.matmul %add3A_160, %get3A_163, %dot_general3A_164 {dimension_numbers = #tpu.dot_dimension_numbers<[1], [1], [0], [0], [0, 0, 1, 0], [], []>, transpose_lhs_hint = false} : vector<4096x64xf32>, vector<256x64xf32>, vector<4096x256xf32> -> vector<4096x256xf32>
      %get3A_166 = arith.constant 0 : index
      %get3A_167 = arith.constant 0 : index
      %get3A_168 = vector.load %arg11[%get3A_166, %get3A_167] : memref<1x256xf32, #tpu.memory_space<vmem>>, vector<1x256xf32>
      %add3A_169 = vector.broadcast %get3A_168 : vector<1x256xf32> to vector<4096x256xf32>
      %add3A_170 = arith.addf %dot_general3A_165, %add3A_169 : vector<4096x256xf32>
      %sub3A_171 = vector.broadcast %add3A_139 : vector<1x256xf32> to vector<4096x256xf32>
      %sub3A_172 = arith.subf %add3A_170, %sub3A_171 : vector<4096x256xf32>
      %add3A_173 = arith.constant 9.99999974E-6 : f32
      %add3A_174 = vector.broadcast %add3A_173 : f32 to vector<1x256xf32>
      %add3A_175 = arith.addf %reshape3A_145, %add3A_174 : vector<1x256xf32>
      %rsqrt3A_176 = math.rsqrt %add3A_175 : vector<1x256xf32>
      %mul3A_177 = vector.broadcast %rsqrt3A_176 : vector<1x256xf32> to vector<4096x256xf32>
      %mul3A_178 = arith.mulf %sub3A_172, %mul3A_177 : vector<4096x256xf32>
      %get3A_179 = arith.constant 0 : index
      %get3A_180 = arith.constant 0 : index
      %get3A_181 = vector.load %arg12[%get3A_179, %get3A_180] : memref<1x256xf32, #tpu.memory_space<vmem>>, vector<1x256xf32>
      %mul3A_182 = vector.broadcast %get3A_181 : vector<1x256xf32> to vector<4096x256xf32>
      %mul3A_183 = arith.mulf %mul3A_178, %mul3A_182 : vector<4096x256xf32>
      %get3A_184 = arith.constant 0 : index
      %get3A_185 = arith.constant 0 : index
      %get3A_186 = vector.load %arg13[%get3A_184, %get3A_185] : memref<1x256xf32, #tpu.memory_space<vmem>>, vector<1x256xf32>
      %add3A_187 = vector.broadcast %get3A_186 : vector<1x256xf32> to vector<4096x256xf32>
      %add3A_188 = arith.addf %mul3A_183, %add3A_187 : vector<4096x256xf32>
      %max3A_189 = arith.constant 0.000000e+00 : f32
      %max3A_190 = vector.broadcast %max3A_189 : f32 to vector<4096x256xf32>
      %max3A_191 = arith.maximumf %add3A_188, %max3A_190 : vector<4096x256xf32>
      %get3A_192 = arith.constant 0 : index
      %get3A_193 = arith.constant 0 : index
      %get3A_194 = vector.load %arg14[%get3A_192, %get3A_193] : memref<64x256xf32, #tpu.memory_space<vmem>>, vector<64x256xf32>
      %dot_general3A_195 = arith.constant dense<0.000000e+00> : vector<4096x64xf32>
      %dot_general3A_196 = tpu.matmul %max3A_191, %get3A_194, %dot_general3A_195 {dimension_numbers = #tpu.dot_dimension_numbers<[1], [1], [0], [0], [0, 0, 1, 0], [], []>, transpose_lhs_hint = false} : vector<4096x256xf32>, vector<64x256xf32>, vector<4096x64xf32> -> vector<4096x64xf32>
      %get3A_197 = arith.constant 0 : index
      %get3A_198 = arith.constant 0 : index
      %get3A_199 = vector.load %arg15[%get3A_197, %get3A_198] : memref<1x64xf32, #tpu.memory_space<vmem>>, vector<1x64xf32>
      %add3A_200 = vector.broadcast %get3A_199 : vector<1x64xf32> to vector<4096x64xf32>
      %add3A_201 = arith.addf %dot_general3A_196, %add3A_200 : vector<4096x64xf32>
      %reshape3A_202 = vector.shape_cast %add3A_201 : vector<4096x64xf32> to vector<256x16x64xf32>
      %reduce_max3A = arith.constant dense<0xFF800000> : vector<256x64xf32>
      %reduce_max3A_203 = vector.multi_reduction <maximumf>, %reshape3A_202, %reduce_max3A [1] : vector<256x16x64xf32> to vector<256x64xf32>
      %broadcast_in_dim3A_204 = vector.shape_cast %reduce_max3A_203 : vector<256x64xf32> to vector<256x1x64xf32>
      %sub3A_205 = vector.broadcast %broadcast_in_dim3A_204 : vector<256x1x64xf32> to vector<256x16x64xf32>
      %sub3A_206 = arith.subf %reshape3A_202, %sub3A_205 : vector<256x16x64xf32>
      %exp3A = math.exp %sub3A_206 : vector<256x16x64xf32>
      %reduce_sum3A_207 = arith.constant dense<0.000000e+00> : vector<256x64xf32>
      %reduce_sum3A_208 = vector.multi_reduction <add>, %exp3A, %reduce_sum3A_207 [1] : vector<256x16x64xf32> to vector<256x64xf32>
      %broadcast_in_dim3A_209 = vector.shape_cast %reduce_sum3A_208 : vector<256x64xf32> to vector<256x1x64xf32>
      %div3A_210 = vector.broadcast %broadcast_in_dim3A_209 : vector<256x1x64xf32> to vector<256x16x64xf32>
      %div3A_211 = arith.divf %exp3A, %div3A_210 : vector<256x16x64xf32>
      %add3A_212 = arith.addf %get3A_158, %add3A_114 : vector<4096x64xf32>
      %reshape3A_213 = vector.shape_cast %add3A_212 : vector<4096x64xf32> to vector<256x16x64xf32>
      %mul3A_214 = arith.mulf %div3A_211, %reshape3A_213 : vector<256x16x64xf32>
      %reduce_sum3A_215 = arith.constant dense<0.000000e+00> : vector<256x64xf32>
      %reduce_sum3A_216 = vector.multi_reduction <add>, %mul3A_214, %reduce_sum3A_215 [1] : vector<256x16x64xf32> to vector<256x64xf32>
      %transpose3A_217 = tpu.transpose %reduce_sum3A_216, [1, 0] : vector<256x64xf32> -> vector<64x256xf32>
      %swap3A = arith.constant 0 : index
      %swap3A_218 = arith.constant 0 : index
      %swap3A_219 = arith.constant 0 : index
      %swap3A_220 = vector.load %arg16[%swap3A, %swap3A_218, %swap3A_219] : memref<1x64x256xf32, #tpu.memory_space<vmem>>, vector<1x64x256xf32>
      %swap3A_221 = vector.shape_cast %swap3A_220 : vector<1x64x256xf32> to vector<64x256xf32>
      %swap3A_222 = vector.shape_cast %transpose3A_217 : vector<64x256xf32> to vector<1x64x256xf32>
      tpu.vector_store %arg16[%swap3A, %swap3A_218, %swap3A_219], %swap3A_222 {strides = array<i32>} : memref<1x64x256xf32, #tpu.memory_space<vmem>>, vector<1x64x256xf32>,
    } else {
    }
    return
  }
  func.func @transform_0(%arg0: i32) -> (i32, i32) {
    %jit3A = arith.constant 16 : i32
    %eq3A = arith.constant 0 : i32
    %eq3A_0 = arith.cmpi eq, %jit3A, %eq3A : i32
    %jit3A_1 = arith.constant 1 : i32
    %select_n3A = arith.select %eq3A_0, %jit3A_1, %jit3A : i32
    %rem3A = arith.remsi %arg0, %select_n3A : i32
    %ne3A = arith.constant 0 : i32
    %ne3A_2 = arith.cmpi ne, %rem3A, %ne3A : i32
    %lt3A = arith.constant 0 : i32
    %lt3A_3 = arith.cmpi slt, %rem3A, %lt3A : i32
    %lt3A_4 = arith.constant 0 : i32
    %lt3A_5 = arith.cmpi slt, %select_n3A, %lt3A_4 : i32
    %ne3A_6 = arith.xori %lt3A_3, %lt3A_5 : i1
    %and3A = arith.andi %ne3A_6, %ne3A_2 : i1
    %add3A = arith.addi %rem3A, %select_n3A : i32
    %select_n3A_7 = arith.select %and3A, %add3A, %rem3A : i32
    %c0_i32 = arith.constant 0 : i32
    %c0_i32_8 = arith.constant 0 : i32
    return %select_n3A_7, %c0_i32 : i32, i32
  }
  func.func @transform_1(%arg0: i32) -> (i32, i32, i32) {
    %jit3A = arith.constant 16 : i32
    %eq3A = arith.constant 0 : i32
    %eq3A_0 = arith.cmpi eq, %jit3A, %eq3A : i32
    %jit3A_1 = arith.constant 1 : i32
    %select_n3A = arith.select %eq3A_0, %jit3A_1, %jit3A : i32
    %rem3A = arith.remsi %arg0, %select_n3A : i32
    %ne3A = arith.constant 0 : i32
    %ne3A_2 = arith.cmpi ne, %rem3A, %ne3A : i32
    %lt3A = arith.constant 0 : i32
    %lt3A_3 = arith.cmpi slt, %rem3A, %lt3A : i32
    %lt3A_4 = arith.constant 0 : i32
    %lt3A_5 = arith.cmpi slt, %select_n3A, %lt3A_4 : i32
    %ne3A_6 = arith.xori %lt3A_3, %lt3A_5 : i1
    %and3A = arith.andi %ne3A_6, %ne3A_2 : i1
    %add3A = arith.addi %rem3A, %select_n3A : i32
    %select_n3A_7 = arith.select %and3A, %add3A, %rem3A : i32
    %jit3A_8 = arith.constant 8 : i32
    %div3A = arith.divsi %select_n3A_7, %jit3A_8 : i32
    %sign3A = arith.constant 0 : i32
    %sign3A_9 = arith.cmpi sgt, %select_n3A_7, %sign3A : i32
    %sign3A_10 = arith.extui %sign3A_9 : i1 to i32
    %sign3A_11 = arith.constant 0 : i32
    %sign3A_12 = arith.cmpi slt, %select_n3A_7, %sign3A_11 : i32
    %sign3A_13 = arith.extui %sign3A_12 : i1 to i32
    %sign3A_14 = arith.subi %sign3A_10, %sign3A_13 : i32
    %sign3A_15 = arith.constant 0 : i32
    %sign3A_16 = arith.cmpi sgt, %jit3A_8, %sign3A_15 : i32
    %sign3A_17 = arith.extui %sign3A_16 : i1 to i32
    %sign3A_18 = arith.constant 0 : i32
    %sign3A_19 = arith.cmpi slt, %jit3A_8, %sign3A_18 : i32
    %sign3A_20 = arith.extui %sign3A_19 : i1 to i32
    %sign3A_21 = arith.subi %sign3A_17, %sign3A_20 : i32
    %ne3A_22 = arith.cmpi ne, %sign3A_14, %sign3A_21 : i32
    %rem3A_23 = arith.remsi %select_n3A_7, %jit3A_8 : i32
    %ne3A_24 = arith.constant 0 : i32
    %ne3A_25 = arith.cmpi ne, %rem3A_23, %ne3A_24 : i32
    %and3A_26 = arith.andi %ne3A_22, %ne3A_25 : i1
    %sub3A = arith.constant 1 : i32
    %sub3A_27 = arith.subi %div3A, %sub3A : i32
    %select_n3A_28 = arith.select %and3A_26, %sub3A_27, %div3A : i32
    %jit3A_29 = arith.constant 16 : i32
    %eq3A_30 = arith.constant 0 : i32
    %eq3A_31 = arith.cmpi eq, %jit3A_29, %eq3A_30 : i32
    %jit3A_32 = arith.constant 1 : i32
    %select_n3A_33 = arith.select %eq3A_31, %jit3A_32, %jit3A_29 : i32
    %rem3A_34 = arith.remsi %arg0, %select_n3A_33 : i32
    %ne3A_35 = arith.constant 0 : i32
    %ne3A_36 = arith.cmpi ne, %rem3A_34, %ne3A_35 : i32
    %lt3A_37 = arith.constant 0 : i32
    %lt3A_38 = arith.cmpi slt, %rem3A_34, %lt3A_37 : i32
    %lt3A_39 = arith.constant 0 : i32
    %lt3A_40 = arith.cmpi slt, %select_n3A_33, %lt3A_39 : i32
    %ne3A_41 = arith.xori %lt3A_38, %lt3A_40 : i1
    %and3A_42 = arith.andi %ne3A_41, %ne3A_36 : i1
    %add3A_43 = arith.addi %rem3A_34, %select_n3A_33 : i32
    %select_n3A_44 = arith.select %and3A_42, %add3A_43, %rem3A_34 : i32
    %jit3A_45 = arith.constant 8 : i32
    %eq3A_46 = arith.constant 0 : i32
    %eq3A_47 = arith.cmpi eq, %jit3A_45, %eq3A_46 : i32
    %jit3A_48 = arith.constant 1 : i32
    %select_n3A_49 = arith.select %eq3A_47, %jit3A_48, %jit3A_45 : i32
    %rem3A_50 = arith.remsi %select_n3A_44, %select_n3A_49 : i32
    %ne3A_51 = arith.constant 0 : i32
    %ne3A_52 = arith.cmpi ne, %rem3A_50, %ne3A_51 : i32
    %lt3A_53 = arith.constant 0 : i32
    %lt3A_54 = arith.cmpi slt, %rem3A_50, %lt3A_53 : i32
    %lt3A_55 = arith.constant 0 : i32
    %lt3A_56 = arith.cmpi slt, %select_n3A_49, %lt3A_55 : i32
    %ne3A_57 = arith.xori %lt3A_54, %lt3A_56 : i1
    %and3A_58 = arith.andi %ne3A_57, %ne3A_52 : i1
    %add3A_59 = arith.addi %rem3A_50, %select_n3A_49 : i32
    %select_n3A_60 = arith.select %and3A_58, %add3A_59, %rem3A_50 : i32
    %c0_i32 = arith.constant 0 : i32
    %c0_i32_61 = arith.constant 0 : i32
    return %select_n3A_28, %c0_i32, %select_n3A_60 : i32, i32, i32
  }
  func.func @transform_2(%arg0: i32) -> (i32, i32, i32) {
    %jit3A = arith.constant 16 : i32
    %eq3A = arith.constant 0 : i32
    %eq3A_0 = arith.cmpi eq, %jit3A, %eq3A : i32
    %jit3A_1 = arith.constant 1 : i32
    %select_n3A = arith.select %eq3A_0, %jit3A_1, %jit3A : i32
    %rem3A = arith.remsi %arg0, %select_n3A : i32
    %ne3A = arith.constant 0 : i32
    %ne3A_2 = arith.cmpi ne, %rem3A, %ne3A : i32
    %lt3A = arith.constant 0 : i32
    %lt3A_3 = arith.cmpi slt, %rem3A, %lt3A : i32
    %lt3A_4 = arith.constant 0 : i32
    %lt3A_5 = arith.cmpi slt, %select_n3A, %lt3A_4 : i32
    %ne3A_6 = arith.xori %lt3A_3, %lt3A_5 : i1
    %and3A = arith.andi %ne3A_6, %ne3A_2 : i1
    %add3A = arith.addi %rem3A, %select_n3A : i32
    %select_n3A_7 = arith.select %and3A, %add3A, %rem3A : i32
    %jit3A_8 = arith.constant 8 : i32
    %div3A = arith.divsi %select_n3A_7, %jit3A_8 : i32
    %sign3A = arith.constant 0 : i32
    %sign3A_9 = arith.cmpi sgt, %select_n3A_7, %sign3A : i32
    %sign3A_10 = arith.extui %sign3A_9 : i1 to i32
    %sign3A_11 = arith.constant 0 : i32
    %sign3A_12 = arith.cmpi slt, %select_n3A_7, %sign3A_11 : i32
    %sign3A_13 = arith.extui %sign3A_12 : i1 to i32
    %sign3A_14 = arith.subi %sign3A_10, %sign3A_13 : i32
    %sign3A_15 = arith.constant 0 : i32
    %sign3A_16 = arith.cmpi sgt, %jit3A_8, %sign3A_15 : i32
    %sign3A_17 = arith.extui %sign3A_16 : i1 to i32
    %sign3A_18 = arith.constant 0 : i32
    %sign3A_19 = arith.cmpi slt, %jit3A_8, %sign3A_18 : i32
    %sign3A_20 = arith.extui %sign3A_19 : i1 to i32
    %sign3A_21 = arith.subi %sign3A_17, %sign3A_20 : i32
    %ne3A_22 = arith.cmpi ne, %sign3A_14, %sign3A_21 : i32
    %rem3A_23 = arith.remsi %select_n3A_7, %jit3A_8 : i32
    %ne3A_24 = arith.constant 0 : i32
    %ne3A_25 = arith.cmpi ne, %rem3A_23, %ne3A_24 : i32
    %and3A_26 = arith.andi %ne3A_22, %ne3A_25 : i1
    %sub3A = arith.constant 1 : i32
    %sub3A_27 = arith.subi %div3A, %sub3A : i32
    %select_n3A_28 = arith.select %and3A_26, %sub3A_27, %div3A : i32
    %jit3A_29 = arith.constant 16 : i32
    %eq3A_30 = arith.constant 0 : i32
    %eq3A_31 = arith.cmpi eq, %jit3A_29, %eq3A_30 : i32
    %jit3A_32 = arith.constant 1 : i32
    %select_n3A_33 = arith.select %eq3A_31, %jit3A_32, %jit3A_29 : i32
    %rem3A_34 = arith.remsi %arg0, %select_n3A_33 : i32
    %ne3A_35 = arith.constant 0 : i32
    %ne3A_36 = arith.cmpi ne, %rem3A_34, %ne3A_35 : i32
    %lt3A_37 = arith.constant 0 : i32
    %lt3A_38 = arith.cmpi slt, %rem3A_34, %lt3A_37 : i32
    %lt3A_39 = arith.constant 0 : i32
    %lt3A_40 = arith.cmpi slt, %select_n3A_33, %lt3A_39 : i32
    %ne3A_41 = arith.xori %lt3A_38, %lt3A_40 : i1
    %and3A_42 = arith.andi %ne3A_41, %ne3A_36 : i1
    %add3A_43 = arith.addi %rem3A_34, %select_n3A_33 : i32
    %select_n3A_44 = arith.select %and3A_42, %add3A_43, %rem3A_34 : i32
    %jit3A_45 = arith.constant 8 : i32
    %eq3A_46 = arith.constant 0 : i32
    %eq3A_47 = arith.cmpi eq, %jit3A_45, %eq3A_46 : i32
    %jit3A_48 = arith.constant 1 : i32
    %select_n3A_49 = arith.select %eq3A_47, %jit3A_48, %jit3A_45 : i32
    %rem3A_50 = arith.remsi %select_n3A_44, %select_n3A_49 : i32
    %ne3A_51 = arith.constant 0 : i32
    %ne3A_52 = arith.cmpi ne, %rem3A_50, %ne3A_51 : i32
    %lt3A_53 = arith.constant 0 : i32
    %lt3A_54 = arith.cmpi slt, %rem3A_50, %lt3A_53 : i32
    %lt3A_55 = arith.constant 0 : i32
    %lt3A_56 = arith.cmpi slt, %select_n3A_49, %lt3A_55 : i32
    %ne3A_57 = arith.xori %lt3A_54, %lt3A_56 : i1
    %and3A_58 = arith.andi %ne3A_57, %ne3A_52 : i1
    %add3A_59 = arith.addi %rem3A_50, %select_n3A_49 : i32
    %select_n3A_60 = arith.select %and3A_58, %add3A_59, %rem3A_50 : i32
    %c0_i32 = arith.constant 0 : i32
    %c0_i32_61 = arith.constant 0 : i32
    return %select_n3A_28, %c0_i32, %select_n3A_60 : i32, i32, i32
  }
  func.func @transform_3(%arg0: i32) -> (i32, i32) {
    %c0_i32 = arith.constant 0 : i32
    %c0_i32_0 = arith.constant 0 : i32
    %c0_i32_1 = arith.constant 0 : i32
    return %c0_i32, %c0_i32_0 : i32, i32
  }
  func.func @transform_4(%arg0: i32) -> (i32, i32) {
    %c0_i32 = arith.constant 0 : i32
    %c0_i32_0 = arith.constant 0 : i32
    %c0_i32_1 = arith.constant 0 : i32
    return %c0_i32, %c0_i32_0 : i32, i32
  }
  func.func @transform_5(%arg0: i32) -> (i32, i32) {
    %c0_i32 = arith.constant 0 : i32
    %c0_i32_0 = arith.constant 0 : i32
    %c0_i32_1 = arith.constant 0 : i32
    return %c0_i32, %c0_i32_0 : i32, i32
  }
  func.func @transform_6(%arg0: i32) -> (i32, i32) {
    %c0_i32 = arith.constant 0 : i32
    %c0_i32_0 = arith.constant 0 : i32
    %c0_i32_1 = arith.constant 0 : i32
    return %c0_i32, %c0_i32_0 : i32, i32
  }
  func.func @transform_7(%arg0: i32) -> (i32, i32) {
    %c0_i32 = arith.constant 0 : i32
    %c0_i32_0 = arith.constant 0 : i32
    %c0_i32_1 = arith.constant 0 : i32
    return %c0_i32, %c0_i32_0 : i32, i32
  }
  func.func @transform_8(%arg0: i32) -> (i32, i32) {
    %c0_i32 = arith.constant 0 : i32
    %c0_i32_0 = arith.constant 0 : i32
    %c0_i32_1 = arith.constant 0 : i32
    return %c0_i32, %c0_i32_0 : i32, i32
  }
  func.func @transform_9(%arg0: i32) -> (i32, i32) {
    %c0_i32 = arith.constant 0 : i32
    %c0_i32_0 = arith.constant 0 : i32
    %c0_i32_1 = arith.constant 0 : i32
    return %c0_i32, %c0_i32_0 : i32, i32
  }
  func.func @transform_10(%arg0: i32) -> (i32, i32) {
    %c0_i32 = arith.constant 0 : i32
    %c0_i32_0 = arith.constant 0 : i32
    %c0_i32_1 = arith.constant 0 : i32
    return %c0_i32, %c0_i32_0 : i32, i32
  }
  func.func @transform_11(%arg0: i32) -> (i32, i32) {
    %c0_i32 = arith.constant 0 : i32
    %c0_i32_0 = arith.constant 0 : i32
    %c0_i32_1 = arith.constant 0 : i32
    return %c0_i32, %c0_i32_0 : i32, i32
  }
  func.func @transform_12(%arg0: i32) -> (i32, i32) {
    %c0_i32 = arith.constant 0 : i32
    %c0_i32_0 = arith.constant 0 : i32
    %c0_i32_1 = arith.constant 0 : i32
    return %c0_i32, %c0_i32_0 : i32, i32
  }
  func.func @transform_13(%arg0: i32) -> (i32, i32) {
    %c0_i32 = arith.constant 0 : i32
    %c0_i32_0 = arith.constant 0 : i32
    %c0_i32_1 = arith.constant 0 : i32
    return %c0_i32, %c0_i32_0 : i32, i32
  }
  func.func @transform_14(%arg0: i32) -> (i32, i32) {
    %c0_i32 = arith.constant 0 : i32
    %c0_i32_0 = arith.constant 0 : i32
    %c0_i32_1 = arith.constant 0 : i32
    return %c0_i32, %c0_i32_0 : i32, i32
  }
  func.func @transform_15(%arg0: i32) -> (i32, i32, i32) {
    %jit3A = arith.constant 16 : i32
    %eq3A = arith.constant 0 : i32
    %eq3A_0 = arith.cmpi eq, %jit3A, %eq3A : i32
    %jit3A_1 = arith.constant 1 : i32
    %select_n3A = arith.select %eq3A_0, %jit3A_1, %jit3A : i32
    %rem3A = arith.remsi %arg0, %select_n3A : i32
    %ne3A = arith.constant 0 : i32
    %ne3A_2 = arith.cmpi ne, %rem3A, %ne3A : i32
    %lt3A = arith.constant 0 : i32
    %lt3A_3 = arith.cmpi slt, %rem3A, %lt3A : i32
    %lt3A_4 = arith.constant 0 : i32
    %lt3A_5 = arith.cmpi slt, %select_n3A, %lt3A_4 : i32
    %ne3A_6 = arith.xori %lt3A_3, %lt3A_5 : i1
    %and3A = arith.andi %ne3A_6, %ne3A_2 : i1
    %add3A = arith.addi %rem3A, %select_n3A : i32
    %select_n3A_7 = arith.select %and3A, %add3A, %rem3A : i32
    %jit3A_8 = arith.constant 8 : i32
    %div3A = arith.divsi %select_n3A_7, %jit3A_8 : i32
    %sign3A = arith.constant 0 : i32
    %sign3A_9 = arith.cmpi sgt, %select_n3A_7, %sign3A : i32
    %sign3A_10 = arith.extui %sign3A_9 : i1 to i32
    %sign3A_11 = arith.constant 0 : i32
    %sign3A_12 = arith.cmpi slt, %select_n3A_7, %sign3A_11 : i32
    %sign3A_13 = arith.extui %sign3A_12 : i1 to i32
    %sign3A_14 = arith.subi %sign3A_10, %sign3A_13 : i32
    %sign3A_15 = arith.constant 0 : i32
    %sign3A_16 = arith.cmpi sgt, %jit3A_8, %sign3A_15 : i32
    %sign3A_17 = arith.extui %sign3A_16 : i1 to i32
    %sign3A_18 = arith.constant 0 : i32
    %sign3A_19 = arith.cmpi slt, %jit3A_8, %sign3A_18 : i32
    %sign3A_20 = arith.extui %sign3A_19 : i1 to i32
    %sign3A_21 = arith.subi %sign3A_17, %sign3A_20 : i32
    %ne3A_22 = arith.cmpi ne, %sign3A_14, %sign3A_21 : i32
    %rem3A_23 = arith.remsi %select_n3A_7, %jit3A_8 : i32
    %ne3A_24 = arith.constant 0 : i32
    %ne3A_25 = arith.cmpi ne, %rem3A_23, %ne3A_24 : i32
    %and3A_26 = arith.andi %ne3A_22, %ne3A_25 : i1
    %sub3A = arith.constant 1 : i32
    %sub3A_27 = arith.subi %div3A, %sub3A : i32
    %select_n3A_28 = arith.select %and3A_26, %sub3A_27, %div3A : i32
    %jit3A_29 = arith.constant 16 : i32
    %eq3A_30 = arith.constant 0 : i32
    %eq3A_31 = arith.cmpi eq, %jit3A_29, %eq3A_30 : i32
    %jit3A_32 = arith.constant 1 : i32
    %select_n3A_33 = arith.select %eq3A_31, %jit3A_32, %jit3A_29 : i32
    %rem3A_34 = arith.remsi %arg0, %select_n3A_33 : i32
    %ne3A_35 = arith.constant 0 : i32
    %ne3A_36 = arith.cmpi ne, %rem3A_34, %ne3A_35 : i32
    %lt3A_37 = arith.constant 0 : i32
    %lt3A_38 = arith.cmpi slt, %rem3A_34, %lt3A_37 : i32
    %lt3A_39 = arith.constant 0 : i32
    %lt3A_40 = arith.cmpi slt, %select_n3A_33, %lt3A_39 : i32
    %ne3A_41 = arith.xori %lt3A_38, %lt3A_40 : i1
    %and3A_42 = arith.andi %ne3A_41, %ne3A_36 : i1
    %add3A_43 = arith.addi %rem3A_34, %select_n3A_33 : i32
    %select_n3A_44 = arith.select %and3A_42, %add3A_43, %rem3A_34 : i32
    %jit3A_45 = arith.constant 8 : i32
    %eq3A_46 = arith.constant 0 : i32
    %eq3A_47 = arith.cmpi eq, %jit3A_45, %eq3A_46 : i32
    %jit3A_48 = arith.constant 1 : i32
    %select_n3A_49 = arith.select %eq3A_47, %jit3A_48, %jit3A_45 : i32
    %rem3A_50 = arith.remsi %select_n3A_44, %select_n3A_49 : i32
    %ne3A_51 = arith.constant 0 : i32
    %ne3A_52 = arith.cmpi ne, %rem3A_50, %ne3A_51 : i32
    %lt3A_53 = arith.constant 0 : i32
    %lt3A_54 = arith.cmpi slt, %rem3A_50, %lt3A_53 : i32
    %lt3A_55 = arith.constant 0 : i32
    %lt3A_56 = arith.cmpi slt, %select_n3A_49, %lt3A_55 : i32
    %ne3A_57 = arith.xori %lt3A_54, %lt3A_56 : i1
    %and3A_58 = arith.andi %ne3A_57, %ne3A_52 : i1
    %add3A_59 = arith.addi %rem3A_50, %select_n3A_49 : i32
    %select_n3A_60 = arith.select %and3A_58, %add3A_59, %rem3A_50 : i32
    %c0_i32 = arith.constant 0 : i32
    %c0_i32_61 = arith.constant 0 : i32
    return %select_n3A_28, %c0_i32, %select_n3A_60 : i32, i32, i32
  }
  func.func @transform_16(%arg0: i32) -> (i32, i32) {
    %c0_i32 = arith.constant 0 : i32
    %c0_i32_0 = arith.constant 0 : i32
    %c0_i32_1 = arith.constant 0 : i32
    return %c0_i32, %c0_i32_0 : i32, i32
  }
  func.func @transform_17(%arg0: i32) -> (i32, i32) {
    %c0_i32 = arith.constant 0 : i32
    %c0_i32_0 = arith.constant 0 : i32
    %c0_i32_1 = arith.constant 0 : i32
    return %c0_i32, %c0_i32_0 : i32, i32
  }
}

</mosaic_0001>

<sc_bundles>
// kernel: kernel.6.cloned.1.call-start
scs
__scs_entry_jumppad:
0x0: {  	(pc) =	sbr.rel $0x88, $3  }
0x1: {  	(tag) =	ssettag $0x0;
	lr =	simm.s32 $0x1  }
0x2: {  	[smem:$0x3F91] =	sst lr;
	_ =	strace $0xD0000000  }
0x3: {  	_ = 	snop  }
0x4: {  	_ = 	snop  }
0x5: {  	_ = 	snop  }
0x6: {  	_ = 	snop  }
0x7: {  	_ = 	snop  }
__scs_overlays_trampoline_lowered:
0x8: {  	[smem:$0x3FA0] =	sst s0  }
0x9: {  	[smem:$0x3FA1] =	sst s1  }
0xa: {  	[smem:$0x3FA2] =	sst s2  }
0xb: {  	[smem:$0x3FA3] =	sst s3  }
0xc: {  	[smem:$0x3FA4] =	sst s4  }
0xd: {  	[smem:$0x3FA5] =	sst s5  }
0xe: {  	[smem:$0x3FA6] =	sst s6  }
0xf: {  	[smem:$0x3FA7] =	sst s7  }
0x10: {  	[smem:$0x3FA8] =	sst s8  }
0x11: {  	[smem:$0x3FA9] =	sst s9;
	s0 =	simm.s32 @!p0 $0x0  }
0x12: {  	s1 =	sld [smem:$0x3F8F];
	s0 =	simm.s32 @p0 $0x1  }
0x13: {  	[smem:$0x3FAA] =	sst s0;
	s0 =	simm.s32 @!p1 $0x0  }
0x14: {  	s2 =	sld [smem:$0x3F8E];
	s0 =	simm.s32 @p1 $0x1  }
0x15: {  	[smem:$0x3FAB] =	sst s0;
	s0 =	simm.s32 @!p2 $0x0  }
0x16: {  	s3 =	sld [smem:$0x3FDB];
	s0 =	simm.s32 @p2 $0x1  }
0x17: {  	s4 =	simm.s32 $0x1BF5;
	[smem:$0x3FAD] =	sst s0  }
0x18: {  	s0 =	sld [smem:$0x3F90];
	_ =	swait.ge [sflag:s4], $0x0  }
0x19: {  	s7 =	sld [smem:$0x3F91]  }
0x1a: {  	s8 =	sadd.s32 $0xFFFFE003, lr  }
0x1b: {  	s9 =	sadd.s32 $0xFFFFFEF7, lr;
	s5 =	simm.s32 $0xFFFFFFFF;
	p2 =	slt.u32 s8, $0xFFFFF086  }
0x1c: {  	p1 =	slt.u32 s9, $0xF7A;
	s5 =	simm.s32 @!p2 $0x0  }
0x1d: {  	s5 =	simm.s32 @p1 $0x1;
	p0 =	seq.s32 s7, s2  }
0x1e: {  	s7 =	smul.u32 @!p0 $0xF7A, s2;
	p2 =	seq.s32 @!p0 s5, $0x0  }
0x1f: {  	s9 =	smul.u32 $0xF7A, s1;
	s8 =	simm.s32 @!p0 $0x1BF5;
	p2 =	por !p2, p0  }
0x20: {  	[sflag:s8] =	ssyncset.s32 @!p0 $0xFFFFF086;
	s6 =	sadd.s32 @!p0 s3, s7;
	s7 =	simm.s32 @!p0 $0x108  }
0x21: {  	s3 =	sadd.s32 s3, s9;
	s6 =	sadd.s32 @!p0 $0x88, s6;
	s7 =	simm.s32 @p2 $0x1082  }
0x22: {  	[simem:s7], [sflag:s8] =	dma.local @!p0 [hbm:s6], $0xF7A  }
0x23: {  	s9 =	sor.u32 $0xD0000000, s2;
	s6 =	simm.s32 $0x108;
	_ =	swait.ge @!p0 [sflag:s8], $0x0  }
0x24: {  	s3 =	sadd.s32 $0x88, s3;
	s6 =	simm.s32 @!p1 $0x1082;
	[sflag:s4] =	ssyncset.s32 $0xFFFFF086  }
0x25: {  	[simem:s6], [sflag:s4] =	dma.local [hbm:s3], $0xF7A  }
0x26: {  	[smem:$0x3F91] =	sst s1;
	(tag) =	ssettag s2;
	_ =	strace s9  }
0x27: {  	s1 =	sld [smem:$0x3FA1]  }
0x28: {  	s2 =	sld [smem:$0x3FA2]  }
0x29: {  	s4 =	sld [smem:$0x3FA4]  }
0x2a: {  	p0 =	seq.s32 s5, $0x0;
	s5 =	sld [smem:$0x3FA5]  }
0x2b: {  	s6 =	sld [smem:$0x3FA6]  }
0x2c: {  	s7 =	sld [smem:$0x3FA7]  }
0x2d: {  	s3 =	simm.s32 $0x108;
	s8 =	sld [smem:$0x3FA8]  }
0x2e: {  	s3 =	simm.s32 @!p0 $0x1082;
	s9 =	sld [smem:$0x3FA9]  }
0x2f: {  	lr =	sadd.s32 s0, s3;
	s0 =	sld [smem:$0x3FA0]  }
0x30: {  	s3 =	sld [smem:$0x3FA3]  }
0x31: {  	[smem:$0x3FAC] =	sst s10  }
0x32: {  	s10 =	sld [smem:$0x3FAA];
	_ =	sdelay $0x3  }
0x33: {  	p0 =	seq.s32 s10, $0x1;
	s10 =	sld [smem:$0x3FAC];
	_ =	sdelay $0x3  }
0x34: {  	[smem:$0x3FAC] =	sst s10  }
0x35: {  	s10 =	sld [smem:$0x3FAB];
	_ =	sdelay $0x3  }
0x36: {  	p1 =	seq.s32 s10, $0x1;
	s10 =	sld [smem:$0x3FAC];
	_ =	sdelay $0x3  }
0x37: {  	[smem:$0x3FAC] =	sst s10  }
0x38: {  	s10 =	sld [smem:$0x3FAD]  }
0x39: {  	_ = 	snop;
	(pc) =	sbr.ind lr, $3  }
0x3a: {  	_ = 	snop  }
0x3b: {  	_ = 	snop  }
0x3c: {  	p2 =	seq.s32 s10, $0x1;
	s10 =	sld [smem:$0x3FAC]  }
0x3d: {  	_ =	shalt  }
0x3e: {  	_ =	shalt  }
0x3f: {  	_ =	shalt  }
0x40: {  	_ =	shalt  }
0x41: {  	_ =	shalt  }
0x42: {  	_ =	shalt  }
0x43: {  	_ =	shalt  }
0x44: {  	_ =	shalt  }
0x45: {  	_ =	shalt  }
0x46: {  	_ =	shalt  }
0x47: {  	_ =	shalt  }
0x48: {  	_ =	shalt  }
0x49: {  	_ =	shalt  }
0x4a: {  	_ =	shalt  }
0x4b: {  	_ =	shalt  }
0x4c: {  	_ =	shalt  }
0x4d: {  	_ =	shalt  }
0x4e: {  	_ =	shalt  }
0x4f: {  	_ =	shalt  }
0x50: {  	_ =	shalt  }
0x51: {  	_ =	shalt  }
0x52: {  	_ =	shalt  }
0x53: {  	_ =	shalt  }
0x54: {  	_ =	shalt  }
0x55: {  	_ =	shalt  }
0x56: {  	_ =	shalt  }
0x57: {  	_ =	shalt  }
0x58: {  	_ =	shalt  }
0x59: {  	_ =	shalt  }
0x5a: {  	_ =	shalt  }
0x5b: {  	_ =	shalt  }
0x5c: {  	_ =	shalt  }
0x5d: {  	_ =	shalt  }
0x5e: {  	_ =	shalt  }
0x5f: {  	_ =	shalt  }
0x60: {  	_ =	shalt  }
0x61: {  	_ =	shalt  }
0x62: {  	_ =	shalt  }
0x63: {  	_ =	shalt  }
0x64: {  	_ =	shalt  }
0x65: {  	_ =	shalt  }
0x66: {  	_ =	shalt  }
0x67: {  	_ =	shalt  }
0x68: {  	_ =	shalt  }
0x69: {  	_ =	shalt  }
0x6a: {  	_ =	shalt  }
0x6b: {  	_ =	shalt  }
0x6c: {  	_ =	shalt  }
0x6d: {  	_ =	shalt  }
0x6e: {  	_ =	shalt  }
0x6f: {  	_ =	shalt  }
0x70: {  	_ =	shalt  }
0x71: {  	_ =	shalt  }
0x72: {  	_ =	shalt  }
0x73: {  	_ =	shalt  }
0x74: {  	_ =	shalt  }
0x75: {  	_ =	shalt  }
0x76: {  	_ =	shalt  }
0x77: {  	_ =	shalt  }
0x78: {  	_ =	shalt  }
0x79: {  	_ =	shalt  }
0x7a: {  	_ =	shalt  }
0x7b: {  	_ =	shalt  }
0x7c: {  	_ =	shalt  }
0x7d: {  	_ =	shalt  }
0x7e: {  	_ =	shalt  }
0x7f: {  	_ =	shalt  }
0x80: {  	_ =	shalt  }
0x81: {  	_ =	shalt  }
0x82: {  	_ =	shalt  }
0x83: {  	_ =	shalt  }
0x84: {  	_ =	shalt  }
0x85: {  	_ =	shalt  }
0x86: {  	_ =	shalt  }
0x87: {  	_ =	shalt  }
.Lfunc_end0:
.L_simem_size_0:
called_computation_lowered:
.L_overlay_start_0:
0x88: {  	s2 =	sld [smem:$0x3FD9]  }
0x89: {  	s3 =	sld [smem:$0x3FFE];
	_ =	sdelay $0x1  }
0x8a: {  	s1 =	srdreg.scid  }
0x8b: {  	s0 =	sand.u32 $0x1, s1  }
0x8c: {  	s17 =	sshll.u32 s0, $0xA;
	s2 =	sadd.s32 s3, s2  }
0x8d: {  	s2 =	sadd.s32 s2, s17  }
0x8e: {  	[smem:$0x3FB8] =	sst s2  }
0x8f: {  	_ = 	snop  }
0x90: {  	s2 =	sld [smem:$0x3FD0];
	(tm) =	ssettm $0x1  }
0x91: {  	s18 =	sld [smem:$0x3FFB];
	_ =	sdelay $0x3  }
0x92: {  	_ =	strace s18  }
0x93: {  	s3 =	sld [smem:$0x3FFC];
	_ =	sdelay $0x3  }
0x94: {  	_ =	strace s3  }
0x95: {  	s3 =	sld [smem:$0x3FFD];
	_ =	sdelay $0x3  }
0x96: {  	_ =	strace s3  }
0x97: {  	_ =	strace $0x8FFFFFFF  }
0x98: {  	s19 =	sld [smem:$0x3FDB];
	_ =	sdelay $0x1  }
0x99: {  	s4 =	simm.s32 $_scs_section_size  }
0x9a: {  	s5 =	simm.s32 $_size__tile_overlayer_lowered;
	s6 =	simm.s32 $_tile_overlayer_lowered  }
0x9b: {  	s22 =	simm.s32 $0x1BFF;
	s21 =	sshll.u32 s6, $0x1;
	s3 =	sadd.s32 s4, s19  }
0x9c: {  	s7 =	simm.s32 $0x0;
	s20 =	sshll.u32 s5, $0x1;
	s5 =	sadd.s32 s21, s3  }
0x9d: {  	[timem:s7], [sflag:s22] =	dma.local [hbm:s5], s20  }
0x9e: {  	_ =	swait.ge [sflag:s22], s20  }
0x9f: {  	s4 =	ssub.s32 $0x0, s20;
	[sflag:s22] =	ssyncset.done $0x0  }
0xa0: {  	[sflag:s22] =	ssyncadd.s32 s4;
	_ =	sdelay $0x1  }
0xa1: {  	s23 =	simm.s32 $0x1B8B  }
0xa2: {  	_ =	swait.ge [sflag:s23], $0x1  }
0xa3: {  	[sflag:s23] =	ssyncset.done $0x0  }
0xa4: {  	s25 =	simm.s32 $0x1B8E;
	s24 =	sld [smem:$0x3FFE];
	[sflag:s23] =	ssyncadd.s32 $0xFFFFFFFF  }
0xa5: {  	s26 =	simm.s32 $execute0_lowered;
	[smem:$0x3FD2] =	sst s25  }
0xa6: {  	s5 =	sshll.u32 s26, $0x1;
	_ =	strace $0x80000046;
	[dreg:$0x1] =	wrdreg $0xFFFFFFFF  }
0xa7: {  	s28 =	simm.s32 $_size_execute0_lowered;
	s3 =	sadd.s32 s3, s5;
	[dreg:$0x0] =	wrdreg $0x0  }
0xa8: {  	s5 =	sshll.u32 s28, $0x1;
	[dreg:$0x2] =	wrdreg s3  }
0xa9: {  	[dreg:$0x3] =	wrdreg s5  }
0xaa: {  	[dreg:$0x4] =	wrdreg $0xC0  }
0xab: {  	_ =	task [dreg:s7], $0x5FFFF  }
0xac: {  	[dreg:$0x1] =	wrdreg $0xFFFFFFFF  }
0xad: {  	[dreg:$0x0] =	wrdreg $0x60  }
0xae: {  	[dreg:$0x2] =	wrdreg s24  }
0xaf: {  	[dreg:$0x3] =	wrdreg s2  }
0xb0: {  	[dreg:$0x4] =	wrdreg $0x9  }
0xb1: {  	_ =	task.clear_ibuf [dreg:s7], $0x5FFFF;
	_ =	strace $0x90000046  }
0xb2: {  	s29 =	simm.s32 $0x9;
	_ =	strace $0x80000048  }
0xb3: {  	_ =	swait.ge [sflag:s29], $0x1  }
0xb4: {  	[sflag:s29] =	ssyncadd.s32 $0xFFFFFFFF  }
0xb5: {  	_ =	strace $0x90000048  }
0xb6: {  	_ =	sfence  }
0xb7: {  	s30 =	sld [smem:$0x0];
	_ =	sdelay $0x2  }
0xb8: {  	s31 =	sshll.u32 s1, $0xD;
	s1 =	sshrl.u32 s1, $0x2  }
0xb9: {  	s3 =	sand.u32 $0x4000, s31;
	s1 =	sadd.s32 s1, s30  }
0xba: {  	s0 =	sor.u32 s3, s0;
	s1 =	sshll.u32 s1, $0x11  }
0xbb: {  	s0 =	sor.u32 s1, s0  }
0xbc: {  	s0 =	sadd.s32 $0x8F2B, s0  }
0xbd: {  	[sflag:s0] =	ssyncadd.remote.s32 $0x1  }
0xbe: {  	_ =	sfence.sel $0xFFFF  }
0xbf: {  	[dreg:$0x0] =	wrdreg $0xFFFFFFFF;
	(pc) =	sbr.abs _section_cstart, $3  }
0xc0: {  	[dreg:$0x1] =	wrdreg $0xFFFFFFFF  }
0xc1: {  	_ =	task.clear_ibuf [dreg:s7], $0x2FFFF;
	_ =	strace $0x9FFFFFFF  }
0xc2: {  	(tm) =	ssettm $0x7FFFFFFF  }
0xc3: {  	_ =	shalt  }
tec
execute0_lowered:
.L_overlay_start_1:
0x0: {  	(tag) =	ssettag $0x1  }
0x1: {  	s4 =	rddreg [dreg:$0x0]  }
0x2: {  	s15 =	rddreg [dreg:$0x1]  }
0x3: {  	s0 =	rddreg [dreg:$0x2]  }
0x4: {  	s2 =	simm.s32 $0x0;
	s3 =	srdreg.scid;
	s1 =	stileid.u32  }
0x5: {  	s19 =	simm.s32 $0x2900;
	s20 =	simm.s32 $0x1;
	s21 =	simm.s32 $0x2  }
0x6: {  	s22 =	simm.s32 $0x0;
	[smem:$0x7FF] =	sst s2;
	s11 =	sand.u32 $0x1, s3  }
0x7: {  	s6 =	sshll.u32 s1, $0xC;
	s3 =	sadd.s32 $0x2400, s4;
	s14 =	sadd.s32 $0x16400, s4  }
0x8: {  	s17 =	smul.u32 $0xA000, s1;
	s5 =	ssub.s32 $0x2, s11;
	s7 =	sshll.u32 s11, $0xB  }
0x9: {  	_ =	strace $0x80000047;
	s8 =	sshrl.u32 s5, $0x1;
	s13 =	sor.u32 s7, s6  }
0xa: {  	s18 =	smul.u32 $0x5000, s11;
	s5 =	ssub.s32 s5, s8;
	s24 =	sshrl.u32 s13, $0x3  }
0xb: {  	s7 =	sor.u32 $0x80, s13;
	s25 =	sor.u32 $0x100, s13;
	s9 =	smul.u32 $0xA, s13  }
0xc: {  	s12 =	sor.u32 $0x780, s13;
	s28 =	sor.u32 $0x200, s13;
	s29 =	sor.u32 $0x180, s13  }
0xd: {  	s4 =	sadd.s32 s15, s24;
	s5 =	smax.u32 s5, $0x1;
	s10 =	smul.u32 $0xA, s7  }
0xe: {  	s26 =	sshrl.u32 s7, $0x3;
	s8 =	sshrl.u32 s25, $0x3;
	s16 =	smul.u32 $0xA, s12  }
0xf: {  	s12 =	sshrl.u32 s12, $0x3;
	s30 =	sshrl.u32 s28, $0x3;
	s31 =	sshrl.u32 s29, $0x3  }
0x10: {  	s6 =	sadd.s32 s15, s26;
	s7 =	sadd.s32 s14, s9;
	s8 =	sadd.s32 s15, s8  }
0x11: {  	s9 =	sadd.s32 s14, s10;
	s10 =	sadd.s32 s15, s12;
	s11 =	sadd.s32 $0x4600, s7  }
0x12: {  	s12 =	sadd.s32 s14, s16;
	s14 =	sadd.s32 s17, s14;
	s16 =	simm.s32 $0x3  }
0x13: {  	s17 =	simm.s32 $0x80;
	s14 =	sadd.s32 s18, s14;
	s18 =	simm.s32 $0x100  }
0x14: {  	s13 =	sadd.s32 $0xA00, s14;
	s14 =	sadd.s32 s30, s15;
	s15 =	sadd.s32 s31, s15  }
.LBB2_1:
0x15: {  	[tilespmem:s2], [sflag:$0x3] =	stream.linear.gather [hbm4b:s4+s2], $0x80, $0x38;
	[tilespmem:$0x5100] =	vst v63  }
0x16: {  	_ =	swait.ge [sflag:s16], $0x80  }
0x17: {  	[sflag:s16] =	ssyncset.done $0x0  }
0x18: {  	[sflag:s16] =	ssyncadd.s32 $0xFFFFFF80  }
0x19: {  	[tilespmem:s18], [sflag:$0x1] =	stream.indirect.gather [hbm4b:s3+s17], $0x50, s2, s17, $0xb8;
	[tilespmem:$0x5100] =	vst v63  }
0x1a: {  	_ = 	snop  }
0x1b: {  	[tilespmem:s17], [sflag:$0x3] =	stream.linear.gather [hbm4b:s6+s2], $0x80, $0x38;
	[tilespmem:$0x5100] =	vst v63  }
0x1c: {  	_ =	swait.ge [sflag:s16], $0x80  }
0x1d: {  	[sflag:s16] =	ssyncset.done $0x0  }
0x1e: {  	[sflag:s16] =	ssyncadd.s32 $0xFFFFFF80  }
0x1f: {  	[tilespmem:s19], [sflag:$0x1] =	stream.indirect.gather [hbm4b:s3+s17], $0x50, s17, s17, $0xb8;
	[tilespmem:$0x5100] =	vst v63  }
0x20: {  	_ =	swait.ge [sflag:s20], $0x2800  }
0x21: {  	[sflag:s20] =	ssyncset.done $0x0  }
0x22: {  	[sflag:s20] =	ssyncadd.s32 $0xFFFFD800  }
0x23: {  	[hbm4b:s7+s2] =	stream.linear.scatter [tilespmem:s18], [sflag:$0x2], $0x2800, $0x38;
	[tilespmem:$0x5100] =	vst v63  }
0x24: {  	_ = 	snop  }
0x25: {  	[tilespmem:s2], [sflag:$0x3] =	stream.linear.gather [hbm4b:s8+s2], $0x80, $0x38;
	[tilespmem:$0x5100] =	vst v63  }
0x26: {  	_ =	swait.ge [sflag:s16], $0x80  }
0x27: {  	[sflag:s16] =	ssyncset.done $0x0  }
0x28: {  	[sflag:s16] =	ssyncadd.s32 $0xFFFFFF80  }
0x29: {  	_ =	swait.ge [sflag:s21], $0x2800  }
0x2a: {  	[sflag:s21] =	ssyncset.done $0x0  }
0x2b: {  	[sflag:s21] =	ssyncadd.s32 $0xFFFFD800  }
0x2c: {  	[tilespmem:s18], [sflag:$0x1] =	stream.indirect.gather [hbm4b:s3+s17], $0x50, s2, s17, $0xb8;
	[tilespmem:$0x5100] =	vst v63  }
0x2d: {  	_ =	swait.ge [sflag:s20], $0x2800  }
0x2e: {  	[sflag:s20] =	ssyncset.done $0x0  }
0x2f: {  	[sflag:s20] =	ssyncadd.s32 $0xFFFFD800  }
0x30: {  	[hbm4b:s9+s2] =	stream.linear.scatter [tilespmem:s19], [sflag:$0x2], $0x2800, $0x38;
	[tilespmem:$0x5100] =	vst v63  }
0x31: {  	s23 =	sadd.s32 $0x0, s15  }
0x32: {  	[tilespmem:s17], [sflag:$0x3] =	stream.linear.gather [hbm4b:s23+s2], $0x80, $0x38;
	[tilespmem:$0x5100] =	vst v63  }
0x33: {  	_ =	swait.ge [sflag:s16], $0x80  }
0x34: {  	[sflag:s16] =	ssyncset.done $0x0  }
0x35: {  	[sflag:s16] =	ssyncadd.s32 $0xFFFFFF80  }
0x36: {  	_ =	swait.ge [sflag:s21], $0x2800  }
0x37: {  	[sflag:s21] =	ssyncset.done $0x0  }
0x38: {  	[sflag:s21] =	ssyncadd.s32 $0xFFFFD800  }
0x39: {  	[tilespmem:s19], [sflag:$0x1] =	stream.indirect.gather [hbm4b:s3+s17], $0x50, s17, s17, $0xb8;
	[tilespmem:$0x5100] =	vst v63  }
0x3a: {  	_ =	swait.ge [sflag:s20], $0x2800  }
0x3b: {  	[sflag:s20] =	ssyncset.done $0x0  }
0x3c: {  	[sflag:s20] =	ssyncadd.s32 $0xFFFFD800  }
0x3d: {  	[hbm4b:s13+s2] =	stream.linear.scatter [tilespmem:s18], [sflag:$0x2], $0x2800, $0x38;
	[tilespmem:$0x5100] =	vst v63  }
0x3e: {  	s31 =	sadd.s32 $0x0, s14  }
0x3f: {  	[tilespmem:s2], [sflag:$0x3] =	stream.linear.gather [hbm4b:s31+s2], $0x80, $0x38;
	[tilespmem:$0x5100] =	vst v63  }
0x40: {  	_ =	swait.ge [sflag:s16], $0x80  }
0x41: {  	[sflag:s16] =	ssyncset.done $0x0  }
0x42: {  	[sflag:s16] =	ssyncadd.s32 $0xFFFFFF80  }
0x43: {  	_ =	swait.ge [sflag:s21], $0x2800  }
0x44: {  	[sflag:s21] =	ssyncset.done $0x0  }
0x45: {  	[sflag:s21] =	ssyncadd.s32 $0xFFFFD800  }
0x46: {  	[tilespmem:s18], [sflag:$0x1] =	stream.indirect.gather [hbm4b:s3+s17], $0x50, s2, s17, $0xb8;
	[tilespmem:$0x5100] =	vst v63  }
0x47: {  	_ =	swait.ge [sflag:s20], $0x2800  }
0x48: {  	s25 =	sadd.s32 $0x500, s13;
	[sflag:s20] =	ssyncset.done $0x0  }
0x49: {  	s24 =	sadd.s32 $0xA00, s13;
	s23 =	simm.s32 $0x20;
	[sflag:s20] =	ssyncadd.s32 $0xFFFFD800  }
.LBB2_2:
0x4a: {  	[hbm4b:s25+s2] =	stream.linear.scatter [tilespmem:s19], [sflag:$0x2], $0x2800, $0x38;
	[tilespmem:$0x5100] =	vst v63  }
0x4b: {  	s25 =	smov.u32 s23  }
0x4c: {  	p0 =	sne.s32 s23, $0xA0;
	s23 =	sadd.s32 $0x20, s23;
	s26 =	sadd.s32 s25, s15  }
0x4d: {  	[tilespmem:s17], [sflag:$0x3] =	stream.linear.gather [hbm4b:s26+s2], $0x80, $0x38;
	[tilespmem:$0x5100] =	vst v63  }
0x4e: {  	_ =	swait.ge [sflag:s16], $0x80  }
0x4f: {  	[sflag:s16] =	ssyncset.done $0x0  }
0x50: {  	[sflag:s16] =	ssyncadd.s32 $0xFFFFFF80  }
0x51: {  	_ =	swait.ge [sflag:s21], $0x2800  }
0x52: {  	[sflag:s21] =	ssyncset.done $0x0  }
0x53: {  	[sflag:s21] =	ssyncadd.s32 $0xFFFFD800  }
0x54: {  	[tilespmem:s19], [sflag:$0x1] =	stream.indirect.gather [hbm4b:s3+s17], $0x50, s17, s17, $0xb8;
	[tilespmem:$0x5100] =	vst v63  }
0x55: {  	_ =	swait.ge [sflag:s20], $0x2800  }
0x56: {  	[sflag:s20] =	ssyncset.done $0x0  }
0x57: {  	[sflag:s20] =	ssyncadd.s32 $0xFFFFD800  }
0x58: {  	[hbm4b:s24+s2] =	stream.linear.scatter [tilespmem:s18], [sflag:$0x2], $0x2800, $0x38;
	[tilespmem:$0x5100] =	vst v63  }
0x59: {  	s25 =	sadd.s32 s25, s14  }
0x5a: {  	[tilespmem:s2], [sflag:$0x3] =	stream.linear.gather [hbm4b:s25+s2], $0x80, $0x38;
	[tilespmem:$0x5100] =	vst v63  }
0x5b: {  	_ =	swait.ge [sflag:s16], $0x80  }
0x5c: {  	[sflag:s16] =	ssyncset.done $0x0  }
0x5d: {  	[sflag:s16] =	ssyncadd.s32 $0xFFFFFF80  }
0x5e: {  	_ =	swait.ge [sflag:s21], $0x2800  }
0x5f: {  	[sflag:s21] =	ssyncset.done $0x0  }
.Ltmp0:
0x60: {  	[sflag:s21] =	ssyncadd.s32 $0xFFFFD800;
	(pc) =	sbr.rel @p0 .LBB2_2-.Ltmp0, $4  }
0x61: {  	[tilespmem:s18], [sflag:$0x1] =	stream.indirect.gather [hbm4b:s3+s17], $0x50, s2, s17, $0xb8;
	[tilespmem:$0x5100] =	vst v63  }
0x62: {  	_ =	swait.ge [sflag:s20], $0x2800  }
0x63: {  	[sflag:s20] =	ssyncset.done $0x0  }
0x64: {  	s25 =	sadd.s32 $0x500, s24;
	s24 =	sadd.s32 $0xA00, s24;
	[sflag:s20] =	ssyncadd.s32 $0xFFFFD800  }
0x65: {  	[hbm4b:s25+s2] =	stream.linear.scatter [tilespmem:s19], [sflag:$0x2], $0x2800, $0x38;
	[tilespmem:$0x5100] =	vst v63  }
0x66: {  	_ = 	snop  }
0x67: {  	[tilespmem:s17], [sflag:$0x3] =	stream.linear.gather [hbm4b:s10+s2], $0x80, $0x38;
	[tilespmem:$0x5100] =	vst v63  }
0x68: {  	_ =	swait.ge [sflag:s16], $0x80  }
0x69: {  	[sflag:s16] =	ssyncset.done $0x0  }
0x6a: {  	[sflag:s16] =	ssyncadd.s32 $0xFFFFFF80  }
0x6b: {  	_ =	swait.ge [sflag:s21], $0x2800  }
0x6c: {  	[sflag:s21] =	ssyncset.done $0x0  }
0x6d: {  	[sflag:s21] =	ssyncadd.s32 $0xFFFFD800  }
0x6e: {  	[tilespmem:s19], [sflag:$0x1] =	stream.indirect.gather [hbm4b:s3+s17], $0x50, s17, s17, $0xb8;
	[tilespmem:$0x5100] =	vst v63  }
0x6f: {  	_ =	swait.ge [sflag:s20], $0x2800  }
0x70: {  	[sflag:s20] =	ssyncset.done $0x0  }
0x71: {  	[sflag:s20] =	ssyncadd.s32 $0xFFFFD800  }
0x72: {  	[hbm4b:s11+s2] =	stream.linear.scatter [tilespmem:s18], [sflag:$0x2], $0x2800, $0x38;
	[tilespmem:$0x5100] =	vst v63  }
0x73: {  	_ =	swait.ge [sflag:s20], $0x2800  }
0x74: {  	[sflag:s20] =	ssyncset.done $0x0  }
0x75: {  	s22 =	sadd.s32 $0x1, s22;
	[sflag:s20] =	ssyncadd.s32 $0xFFFFD800  }
0x76: {  	[hbm4b:s12+s2] =	stream.linear.scatter [tilespmem:s19], [sflag:$0x2], $0x2800, $0x38;
	[tilespmem:$0x5100] =	vst v63  }
0x77: {  	p0 =	sne.s32 s22, s5;
	_ =	swait.ge [sflag:s21], $0x2800  }
.Ltmp1:
0x78: {  	[sflag:s21] =	ssyncset.done $0x0;
	(pc) =	sbr.rel @p0 .LBB2_1-.Ltmp1, $4  }
0x79: {  	[sflag:s21] =	ssyncadd.s32 $0xFFFFD800  }
0x7a: {  	_ =	swait.ge [sflag:s21], $0x2800  }
0x7b: {  	[sflag:s21] =	ssyncset.done $0x0  }
0x7c: {  	[sflag:s21] =	ssyncadd.s32 $0xFFFFD800  }
0x7d: {  	_ =	sfence.sel $0x180000  }
0x7e: {  	[bflag:$0x0] =	sbarrier.arrive $0xFFFF  }
0x7f: {  	p0 =	sne.s32 s1, $0x0;
	_ =	strace $0x90000047  }
0x80: {  	s0 =	sadd.s32 @!p0 $0x100000, s0;
	[bflag:$0x2] =	sbarrier.arrive $0xFFFF  }
0x81: {  	[sflag:s0] =	ssyncadd.tile.s32 @!p0 $0x1;
	_ =	shalt  }
.Lfunc_end2:
_tile_overlayer_lowered:
.L_overlay_start_2:
0x82: {  	(tag) =	ssettag $0x2  }
0x83: {  	s0 =	rddreg [dreg:$0x0];
	s2 =	stileid.u32  }
0x84: {  	s1 =	rddreg [dreg:$0x1];
	p0 =	sne.s32 s2, $0x0  }
0x85: {  	s3 =	rddreg [dreg:$0x2];
	[bflag:$0x3] =	sbarrier.arrive $0xFFFF;
	s2 =	simm.s32 @!p0 $0x1C03  }
0x86: {  	[timem:s3], [sflag:s2] =	dma.local @!p0 [hbm:s0], s1  }
0x87: {  	s0 =	simm.s32 @!p0 $0x3  }
0x88: {  	_ =	swait.ge @!p0 [sflag:s0], s1  }
0x89: {  	s1 =	ssub.s32 @!p0 $0x0, s1;
	[sflag:s0] =	ssyncset.done @!p0 $0x0  }
0x8a: {  	[sflag:s0] =	ssyncadd.s32 @!p0 s1  }
0x8b: {  	[bflag:$0x3] =	sbarrier.arrive $0xFFFF  }
0x8c: {  	_ =	shalt  }

</sc_bundles>
